<compile_context>
chip_gen: v7x
topology: tpu7x:2x2x1
jax: 0.10.2.dev20260603
libtpu: 0.0.44.dev20260713+nightly
codegen_flags: <defaults>
</compile_context>

<pallas_src>
import functools

import jax
import jax.numpy as jnp
import numpy as np
from jax import lax
from jax.experimental import pallas as pl
from jax.experimental.pallas import tpu as pltpu
from jax.experimental.pallas import tpu_sc as plsc

N = 10000
E = 320000
D_IN = 128
D_H = 128
D_OUT = 64

NC = 2
NS = 16
NW = NC * NS
BB = 128
NB = 80
E_PAD = NW * NB * BB
HB = 40
NP = 10240
RPS = NP // NS
ER = E // BB
RW = ER - (NW - 1) * NB
PR = NB - RW

_mesh = plsc.VectorSubcoreMesh(
    core_axis_name="c", subcore_axis_name="s", num_cores=NC, num_subcores=NS
)


def _zero_vmem_2d(ref, rows, cols):
  zv = jnp.zeros((16,), jnp.float32)

  def body(i, carry):
    r = i // (cols // 16)
    c = i % (cols // 16)
    ref[r, pl.ds(c * 16, 16)] = zv
    return carry

  lax.fori_loop(0, rows * (cols // 16), body, 0)


def _deg_body(edges_hbm, pads_hbm, out_hbm, sidx_v, didx_v, ones_v, zb_v,
              dsrc_sh, ddst_sh):
  c = lax.axis_index("c")
  s = lax.axis_index("s")
  w = c * NS + s

  def init_body(i, carry):
    zb_v[pl.ds(i * 16, 16)] = jnp.zeros((16,), jnp.float32)
    return carry

  lax.fori_loop(0, RPS // 16, init_body, 0)

  def ones_body(i, carry):
    ones_v[pl.ds(i * 16, 16)] = jnp.ones((16,), jnp.float32)
    return carry

  lax.fori_loop(0, BB // 16, ones_body, 0)

  off = pl.multiple_of(s * RPS, 8)
  pltpu.sync_copy(zb_v, dsrc_sh.at[pl.ds(off, RPS)])
  pltpu.sync_copy(zb_v, ddst_sh.at[pl.ds(off, RPS)])

  @pl.when(w < NW - 1)
  def _():
    pltpu.sync_copy(edges_hbm.at[0, pl.ds(w * NB, NB)], sidx_v)
    pltpu.sync_copy(edges_hbm.at[1, pl.ds(w * NB, NB)], didx_v)

  @pl.when(w == NW - 1)
  def _():
    pltpu.sync_copy(edges_hbm.at[0, pl.ds((NW - 1) * NB, RW)],
                    sidx_v.at[pl.ds(0, RW)])
    pltpu.sync_copy(pads_hbm.at[0], sidx_v.at[pl.ds(RW, PR)])
    pltpu.sync_copy(edges_hbm.at[1, pl.ds((NW - 1) * NB, RW)],
                    didx_v.at[pl.ds(0, RW)])
    pltpu.sync_copy(pads_hbm.at[1], didx_v.at[pl.ds(RW, PR)])

  plsc.subcore_barrier()

  def body(i, carry):
    pltpu.sync_copy(ones_v, dsrc_sh.at[sidx_v.at[i]], add=True)
    pltpu.sync_copy(ones_v, ddst_sh.at[didx_v.at[i]], add=True)
    return carry

  lax.fori_loop(0, NB, body, 0)
  plsc.subcore_barrier()
  pltpu.sync_copy(dsrc_sh.at[pl.ds(off, RPS)], out_hbm.at[c, 0, pl.ds(off, RPS)])
  pltpu.sync_copy(ddst_sh.at[pl.ds(off, RPS)], out_hbm.at[c, 1, pl.ds(off, RPS)])


_deg_call = pl.kernel(
    _deg_body,
    out_type=jax.ShapeDtypeStruct((NC, 2, NP), jnp.float32),
    compiler_params=pltpu.CompilerParams(use_tc_tiling_on_sc=False),
    mesh=_mesh,
    scratch_types=[
        pltpu.VMEM((NB, BB), jnp.int32),
        pltpu.VMEM((NB, BB), jnp.int32),
        pltpu.VMEM((BB,), jnp.float32),
        pltpu.VMEM((RPS,), jnp.float32),
        pltpu.VMEM_SHARED((NP,), jnp.float32),
        pltpu.VMEM_SHARED((NP,), jnp.float32),
    ],
)


def _agg_body(d, h_hbm, edges_hbm, pads_hbm, out_hbm, sidx_v, didx_v, rows_v,
              acc_sh, gsem0, gsem1):
  c = lax.axis_index("c")
  s = lax.axis_index("s")
  w = c * NS + s
  gsems = (gsem0, gsem1)

  _zero_vmem_2d(rows_v.at[0], BB, d)
  for j in range(RPS // BB):
    pltpu.sync_copy(rows_v.at[0], acc_sh.at[pl.ds(s * RPS + j * BB, BB)])
  plsc.subcore_barrier()

  for p in range(NB // HB):

    @pl.when(w < NW - 1)
    def _():
      pltpu.sync_copy(edges_hbm.at[0, pl.ds(w * NB + p * HB, HB)], sidx_v)
      pltpu.sync_copy(edges_hbm.at[1, pl.ds(w * NB + p * HB, HB)], didx_v)

    @pl.when(w == NW - 1)
    def _():
      if p == 0:
        pltpu.sync_copy(edges_hbm.at[0, pl.ds((NW - 1) * NB, RW)],
                        sidx_v.at[pl.ds(0, RW)])
        pltpu.sync_copy(pads_hbm.at[0, pl.ds(0, HB - RW)],
                        sidx_v.at[pl.ds(RW, HB - RW)])
        pltpu.sync_copy(edges_hbm.at[1, pl.ds((NW - 1) * NB, RW)],
                        didx_v.at[pl.ds(0, RW)])
        pltpu.sync_copy(pads_hbm.at[1, pl.ds(0, HB - RW)],
                        didx_v.at[pl.ds(RW, HB - RW)])
      else:
        pltpu.sync_copy(pads_hbm.at[0, pl.ds(p * HB - RW, HB)], sidx_v)
        pltpu.sync_copy(pads_hbm.at[1, pl.ds(p * HB - RW, HB)], didx_v)
    pltpu.async_copy(h_hbm.at[sidx_v.at[0]], rows_v.at[0], gsems[0])
    pltpu.async_copy(h_hbm.at[sidx_v.at[1]], rows_v.at[1], gsems[1])

    def body(jj, carry):
      j = jj * 2
      for b in range(2):
        i = j + b
        pltpu.make_async_copy(h_hbm.at[sidx_v.at[i]], rows_v.at[b],
                              gsems[b]).wait()
        pltpu.sync_copy(rows_v.at[b], acc_sh.at[didx_v.at[i]], add=True)

        @pl.when(i + 2 < HB)
        def _():
          pltpu.async_copy(h_hbm.at[sidx_v.at[i + 2]], rows_v.at[b], gsems[b])

      return carry

    lax.fori_loop(0, HB // 2, body, 0)
  plsc.subcore_barrier()
  pltpu.sync_copy(acc_sh.at[pl.ds(s * RPS, RPS)],
                  out_hbm.at[c, pl.ds(s * RPS, RPS)])


def _make_agg(d):
  return pl.kernel(
      functools.partial(_agg_body, d),
      out_type=jax.ShapeDtypeStruct((NC, NP, d), jnp.float32),
      mesh=_mesh,
      scratch_types=[
          pltpu.VMEM((HB, BB), jnp.int32),
          pltpu.VMEM((HB, BB), jnp.int32),
          pltpu.VMEM((2, BB, d), jnp.float32),
          pltpu.VMEM_SHARED((NP, d), jnp.float32),
          pltpu.SemaphoreType.DMA,
          pltpu.SemaphoreType.DMA,
      ],
      compiler_params=pltpu.CompilerParams(use_tc_tiling_on_sc=False),
  )


_agg_h = _make_agg(D_H)
_agg_o = _make_agg(D_OUT)


_BM = 1280
_GRID = NP // _BM


def _tc1a_body(x_ref, w_ref, o_ref):
  o_ref[...] = jnp.dot(x_ref[...], w_ref[...],
                       preferred_element_type=jnp.float32)


def _tc1a(x, w1):
  return pl.pallas_call(
      _tc1a_body,
      grid=(_GRID,),
      in_specs=[
          pl.BlockSpec((_BM, D_IN), lambda i: (i, 0)),
          pl.BlockSpec((D_IN, D_H), lambda i: (0, 0)),
      ],
      out_specs=pl.BlockSpec((_BM, D_H), lambda i: (i, 0)),
      out_shape=jax.ShapeDtypeStruct((N, D_H), jnp.float32),
  )(x, w1)


def _tc1b_body(m_ref, dp_ref, o_ref):
  d = dp_ref[0, 0, :] + dp_ref[1, 0, :]
  ns = lax.rsqrt(jnp.maximum(d, 1.0))
  o_ref[...] = m_ref[...] * ns[:, None]


def _tc1b(m, degp):
  return pl.pallas_call(
      _tc1b_body,
      grid=(_GRID,),
      in_specs=[
          pl.BlockSpec((_BM, D_H), lambda i: (i, 0)),
          pl.BlockSpec((NC, 2, _BM), lambda i: (0, 0, i)),
      ],
      out_specs=pl.BlockSpec((_BM, D_H), lambda i: (i, 0)),
      out_shape=jax.ShapeDtypeStruct((N, D_H), jnp.float32),
  )(m, degp)


def _tc2_body(p_ref, dg_ref, b1_ref, w2_ref, o_ref):
  t = p_ref[0] + p_ref[1]
  dd = dg_ref[0, 1, :] + dg_ref[1, 1, :]
  nd = lax.rsqrt(jnp.maximum(dd, 1.0))
  t = jnp.maximum(t * nd[:, None] + b1_ref[...], 0.0)
  dsum = dg_ref[0, 0, :] + dg_ref[1, 0, :]
  ns = lax.rsqrt(jnp.maximum(dsum, 1.0))
  y = jnp.dot(t, w2_ref[...], preferred_element_type=jnp.float32)
  o_ref[...] = y * ns[:, None]


def _tc2(p, degp, b1, w2):
  return pl.pallas_call(
      _tc2_body,
      grid=(_GRID,),
      in_specs=[
          pl.BlockSpec((NC, _BM, D_H), lambda i: (0, i, 0)),
          pl.BlockSpec((NC, 2, _BM), lambda i: (0, 0, i)),
          pl.BlockSpec((1, D_H), lambda i: (0, 0)),
          pl.BlockSpec((D_H, D_OUT), lambda i: (0, 0)),
      ],
      out_specs=pl.BlockSpec((_BM, D_OUT), lambda i: (i, 0)),
      out_shape=jax.ShapeDtypeStruct((N, D_OUT), jnp.float32),
  )(p, degp, b1, w2)


def _tc3_body(q_ref, dg_ref, b2_ref, o_ref):
  t = q_ref[0] + q_ref[1]
  dd = dg_ref[0, 1, :] + dg_ref[1, 1, :]
  nd = lax.rsqrt(jnp.maximum(dd, 1.0))
  o_ref[...] = t * nd[:, None] + b2_ref[...]


def _tc3(q, degp, b2):
  return pl.pallas_call(
      _tc3_body,
      grid=(_GRID,),
      in_specs=[
          pl.BlockSpec((NC, _BM, D_OUT), lambda i: (0, i, 0)),
          pl.BlockSpec((NC, 2, _BM), lambda i: (0, 0, i)),
          pl.BlockSpec((1, D_OUT), lambda i: (0, 0)),
      ],
      out_specs=pl.BlockSpec((_BM, D_OUT), lambda i: (i, 0)),
      out_shape=jax.ShapeDtypeStruct((N, D_OUT), jnp.float32),
  )(q, degp, b2)


_PAD_LO = (np.arange(PR * BB, dtype=np.int32) % (NP - N)).reshape(PR, BB)
_PAD_HI = _PAD_LO + N
_PADS_DEG = np.stack([_PAD_HI, _PAD_HI])
_PADS_AGG = np.stack([_PAD_LO, _PAD_HI])


def kernel(in_feat, edge_index, W1, b1, W2, b2):
  edges3 = edge_index.reshape(2, ER, BB)
  pads_deg = jnp.asarray(_PADS_DEG)
  pads_agg = jnp.asarray(_PADS_AGG)
  m1 = _tc1a(in_feat, W1)
  degp = _deg_call(edges3, pads_deg)
  h1 = _tc1b(m1, degp)
  p1 = _agg_h(h1, edges3, pads_agg)
  h2 = _tc2(p1, degp, b1.reshape(1, -1), W2)
  p2 = _agg_o(h2, edges3, pads_agg)
  return _tc3(p2, degp, b2.reshape(1, -1))

# --- scband reference (transcript-rebuilt; emitter-appended) ---
"""Pipeline reference for scband-gcn-27762668601904 (READ-ONLY COPY).

The authoritative reference and input builder live on the scoring server;
editing this copy changes nothing except your own understanding.
"""

import jax, jax.numpy as jnp
import numpy as np

N_NODES = 10000
N_EDGES = 320000
D_IN = 128
D_H = 128
D_OUT = 64


def setup_inputs(seed: int = 0) -> dict:
    key = jax.random.key(seed)
    ks = jax.random.split(key, 6)
    in_feat = jax.random.normal(ks[0], (N_NODES, D_IN), dtype=jnp.float32)
    edge_index = jax.random.randint(ks[1], (2, N_EDGES), 0, N_NODES, dtype=jnp.int32)
    # GraphConv layer 1: in_feats -> h_feats (glorot-style init)
    W1 = jax.random.normal(ks[2], (D_IN, D_H), dtype=jnp.float32) * (1.0 / np.sqrt(D_IN))
    b1 = jnp.zeros((D_H,), dtype=jnp.float32)
    # GraphConv layer 2: h_feats -> num_classes
    W2 = jax.random.normal(ks[3], (D_H, D_OUT), dtype=jnp.float32) * (1.0 / np.sqrt(D_H))
    b2 = jnp.zeros((D_OUT,), dtype=jnp.float32)
    return {"in_feat": in_feat, "edge_index": edge_index, "W1": W1, "b1": b1, "W2": W2, "b2": b2}


def _graph_conv(x, W, b, src, dst, n_nodes):
    # DGL GraphConv with norm='both':
    #   h = D_in^{-1/2} * A * (D_out^{-1/2} * x) @ W + b
    # degrees clamped to min 1 before pow(-0.5)
    deg_out = jnp.bincount(src, length=n_nodes).astype(jnp.float32)
    deg_in = jnp.bincount(dst, length=n_nodes).astype(jnp.float32)
    norm_src = jax.lax.rsqrt(jnp.maximum(deg_out, 1.0))
    norm_dst = jax.lax.rsqrt(jnp.maximum(deg_in, 1.0))
    h = x * norm_src[:, None]
    # in_feats >= out_feats: multiply by W first to shrink message size (DGL mult_first)
    h = h @ W
    msg = jnp.take(h, src, axis=0)
    agg = jax.ops.segment_sum(msg, dst, num_segments=n_nodes)
    return agg * norm_dst[:, None] + b


def reference(in_feat, edge_index, W1, b1, W2, b2):
    src = edge_index[0]
    dst = edge_index[1]
    h = _graph_conv(in_feat, W1, b1, src, dst, N_NODES)
    h = jax.nn.relu(h)
    h = _graph_conv(h, W2, b2, src, dst, N_NODES)
    return h

if __name__ == "__main__":
    import jax
    _d = setup_inputs()
    print(jax.jit(kernel)(*tuple(_d.values())))

</pallas_src>

<mosaic_0001>
#map = affine_map<(d0, d1) -> (0, 0, 0)>
module attributes {stable_mosaic.version = 14 : i64} {
  func.func @_deg_body(%arg0: i32, %arg1: i32, %arg2: memref<2x2500x128xi32, #tpu.memory_space<hbm>>, %arg3: memref<2x60x128xi32, #tpu.memory_space<hbm>>, %arg4: memref<2x2x10240xf32, #tpu.memory_space<hbm>>, %arg5: memref<80x128xi32, #tpu.memory_space<vmem>>, %arg6: memref<80x128xi32, #tpu.memory_space<vmem>>, %arg7: memref<128xf32, #tpu.memory_space<vmem>>, %arg8: memref<640xf32, #tpu.memory_space<vmem>>, %arg9: memref<10240xf32, #tpu.memory_space<vmem_shared>>, %arg10: memref<10240xf32, #tpu.memory_space<vmem_shared>>) attributes {dimension_semantics = [#tpu.dimension_semantics<core_parallel>, #tpu.dimension_semantics<subcore_parallel>], iteration_bounds = array<i64: 2, 16>, scalar_prefetch = 0 : i64, scratch_operands = 6 : i64, tpu.core_type = #tpu.core_type<sc_vector_subcore>, window_params = [{transform_indices = #map}, {transform_indices = #map}, {transform_indices = #map}]} {
    %mul3A = arith.constant 16 : i32
    %mul3A_0 = arith.muli %arg0, %mul3A : i32
    %add3A = arith.addi %mul3A_0, %arg1 : i32
    %scan3A = arith.constant 0 : i32
    %scan3A_1 = arith.constant 0 : i32
    %scan3A_2 = arith.constant 40 : i32
    %scan3A_3 = arith.addi %scan3A_1, %scan3A_2 : i32
    %scan3A_4 = arith.constant 1 : i32
    scf.for %scan3A_28 = %scan3A_1 to %scan3A_3 step %scan3A_4  : i32 {
      %broadcast_in_dim3A = arith.constant 0.000000e+00 : f32
      %broadcast_in_dim3A_29 = vector.broadcast %broadcast_in_dim3A : f32 to vector<16xf32>
      %mul3A_30 = arith.constant 16 : i32
      %mul3A_31 = arith.muli %scan3A_28, %mul3A_30 : i32
      %swap3A = arith.index_cast %mul3A_31 : i32 to index
      %swap3A_32 = tpu.vector_load %arg8[%swap3A] {strides = array<i32>} : memref<640xf32, #tpu.memory_space<vmem>>, vector<16xf32>,
      %swap3A_33 = vector.shape_cast %swap3A_32 : vector<16xf32> to vector<16xf32>
      %swap3A_34 = vector.shape_cast %broadcast_in_dim3A_29 : vector<16xf32> to vector<16xf32>
      tpu.vector_store %arg8[%swap3A], %swap3A_34 {strides = array<i32>} : memref<640xf32, #tpu.memory_space<vmem>>, vector<16xf32>,
    }
    %scan3A_5 = arith.constant 40 : i32
    %scan3A_6 = arith.constant 0 : i32
    %scan3A_7 = arith.constant 0 : i32
    %scan3A_8 = arith.constant 8 : i32
    %scan3A_9 = arith.addi %scan3A_7, %scan3A_8 : i32
    %scan3A_10 = arith.constant 1 : i32
    scf.for %scan3A_28 = %scan3A_7 to %scan3A_9 step %scan3A_10  : i32 {
      %broadcast_in_dim3A = arith.constant 1.000000e+00 : f32
      %broadcast_in_dim3A_29 = vector.broadcast %broadcast_in_dim3A : f32 to vector<16xf32>
      %mul3A_30 = arith.constant 16 : i32
      %mul3A_31 = arith.muli %scan3A_28, %mul3A_30 : i32
      %swap3A = arith.index_cast %mul3A_31 : i32 to index
      %swap3A_32 = tpu.vector_load %arg7[%swap3A] {strides = array<i32>} : memref<128xf32, #tpu.memory_space<vmem>>, vector<16xf32>,
      %swap3A_33 = vector.shape_cast %swap3A_32 : vector<16xf32> to vector<16xf32>
      %swap3A_34 = vector.shape_cast %broadcast_in_dim3A_29 : vector<16xf32> to vector<16xf32>
      tpu.vector_store %arg7[%swap3A], %swap3A_34 {strides = array<i32>} : memref<128xf32, #tpu.memory_space<vmem>>, vector<16xf32>,
    }
    %scan3A_11 = arith.constant 8 : i32
    %mul3A_12 = arith.constant 640 : i32
    %mul3A_13 = arith.muli %arg1, %mul3A_12 : i32
    %multiple_of3A = tpu.assume_multiple %mul3A_13, 8 : i32
    "tpu.region"() ({
      %run_scoped3A_28 = tpu.sem_alloc : memref<!tpu.dma_semaphore, #tpu.memory_space<semaphore_mem>>
      %dma_start3A = tpu.memref_slice %arg9[%multiple_of3A] : memref<10240xf32, #tpu.memory_space<vmem_shared>> -> memref<640xf32, #tpu.memory_space<vmem_shared>>
      %dma_start3A_29 = tpu.memref_slice %arg9[%multiple_of3A] : memref<10240xf32, #tpu.memory_space<vmem_shared>> -> memref<640xf32, #tpu.memory_space<vmem_shared>>
      tpu.enqueue_dma source(%arg8 : memref<640xf32, #tpu.memory_space<vmem>>) target(%dma_start3A_29 : memref<640xf32, #tpu.memory_space<vmem_shared>>) target_semaphore(%run_scoped3A_28 : memref<!tpu.dma_semaphore, #tpu.memory_space<semaphore_mem>>)
      %dma_wait3A = tpu.memref_slice %arg9[%multiple_of3A] : memref<10240xf32, #tpu.memory_space<vmem_shared>> -> memref<640xf32, #tpu.memory_space<vmem_shared>>
      %dma_wait3A_30 = tpu.memref_slice %arg9[%multiple_of3A] : memref<10240xf32, #tpu.memory_space<vmem_shared>> -> memref<640xf32, #tpu.memory_space<vmem_shared>>
      tpu.wait_dma2 semaphore(%run_scoped3A_28 : memref<!tpu.dma_semaphore, #tpu.memory_space<semaphore_mem>>) src(%arg8 : memref<640xf32, #tpu.memory_space<vmem>>) dst(%dma_wait3A_30 : memref<640xf32, #tpu.memory_space<vmem_shared>>)
      tpu.yield
    }) : () -> ()
    "tpu.region"() ({
      %run_scoped3A_28 = tpu.sem_alloc : memref<!tpu.dma_semaphore, #tpu.memory_space<semaphore_mem>>
      %dma_start3A = tpu.memref_slice %arg10[%multiple_of3A] : memref<10240xf32, #tpu.memory_space<vmem_shared>> -> memref<640xf32, #tpu.memory_space<vmem_shared>>
      %dma_start3A_29 = tpu.memref_slice %arg10[%multiple_of3A] : memref<10240xf32, #tpu.memory_space<vmem_shared>> -> memref<640xf32, #tpu.memory_space<vmem_shared>>
      tpu.enqueue_dma source(%arg8 : memref<640xf32, #tpu.memory_space<vmem>>) target(%dma_start3A_29 : memref<640xf32, #tpu.memory_space<vmem_shared>>) target_semaphore(%run_scoped3A_28 : memref<!tpu.dma_semaphore, #tpu.memory_space<semaphore_mem>>)
      %dma_wait3A = tpu.memref_slice %arg10[%multiple_of3A] : memref<10240xf32, #tpu.memory_space<vmem_shared>> -> memref<640xf32, #tpu.memory_space<vmem_shared>>
      %dma_wait3A_30 = tpu.memref_slice %arg10[%multiple_of3A] : memref<10240xf32, #tpu.memory_space<vmem_shared>> -> memref<640xf32, #tpu.memory_space<vmem_shared>>
      tpu.wait_dma2 semaphore(%run_scoped3A_28 : memref<!tpu.dma_semaphore, #tpu.memory_space<semaphore_mem>>) src(%arg8 : memref<640xf32, #tpu.memory_space<vmem>>) dst(%dma_wait3A_30 : memref<640xf32, #tpu.memory_space<vmem_shared>>)
      tpu.yield
    }) : () -> ()
    %lt3A = arith.constant 31 : i32
    %lt3A_14 = arith.cmpi slt, %add3A, %lt3A : i32
    %convert_element_type3A = arith.extui %lt3A_14 : i1 to i32
    %cond3A = arith.constant 0 : i32
    %cond3A_15 = arith.cmpi ne, %convert_element_type3A, %cond3A : i32
    scf.if %cond3A_15 {
      %mul3A_28 = arith.constant 80 : i32
      %mul3A_29 = arith.muli %add3A, %mul3A_28 : i32
      %run_scoped3A_30 = arith.constant 0 : i32
      "tpu.region"() ({
        %run_scoped3A_34 = tpu.sem_alloc : memref<!tpu.dma_semaphore, #tpu.memory_space<semaphore_mem>>
        %dma_start3A = arith.constant 0 : i32
        %dma_start3A_35 = tpu.memref_slice %arg2[%run_scoped3A_30, %mul3A_29, %dma_start3A] : memref<2x2500x128xi32, #tpu.memory_space<hbm>> -> memref<1x80x128xi32, #tpu.memory_space<hbm>>
        %dma_start3A_36 = tpu.memref_squeeze %dma_start3A_35 : memref<1x80x128xi32, #tpu.memory_space<hbm>> -> memref<80x128xi32, #tpu.memory_space<hbm>>
        %dma_start3A_37 = arith.constant 0 : i32
        %dma_start3A_38 = tpu.memref_slice %arg2[%run_scoped3A_30, %mul3A_29, %dma_start3A_37] : memref<2x2500x128xi32, #tpu.memory_space<hbm>> -> memref<1x80x128xi32, #tpu.memory_space<hbm>>
        %dma_start3A_39 = tpu.memref_squeeze %dma_start3A_38 : memref<1x80x128xi32, #tpu.memory_space<hbm>> -> memref<80x128xi32, #tpu.memory_space<hbm>>
        tpu.enqueue_dma source(%dma_start3A_39 : memref<80x128xi32, #tpu.memory_space<hbm>>) target(%arg5 : memref<80x128xi32, #tpu.memory_space<vmem>>) target_semaphore(%run_scoped3A_34 : memref<!tpu.dma_semaphore, #tpu.memory_space<semaphore_mem>>)
        %dma_wait3A = arith.constant 0 : i32
        %dma_wait3A_40 = tpu.memref_slice %arg2[%run_scoped3A_30, %mul3A_29, %dma_wait3A] : memref<2x2500x128xi32, #tpu.memory_space<hbm>> -> memref<1x80x128xi32, #tpu.memory_space<hbm>>
        %dma_wait3A_41 = tpu.memref_squeeze %dma_wait3A_40 : memref<1x80x128xi32, #tpu.memory_space<hbm>> -> memref<80x128xi32, #tpu.memory_space<hbm>>
        %dma_wait3A_42 = arith.constant 0 : i32
        %dma_wait3A_43 = tpu.memref_slice %arg2[%run_scoped3A_30, %mul3A_29, %dma_wait3A_42] : memref<2x2500x128xi32, #tpu.memory_space<hbm>> -> memref<1x80x128xi32, #tpu.memory_space<hbm>>
        %dma_wait3A_44 = tpu.memref_squeeze %dma_wait3A_43 : memref<1x80x128xi32, #tpu.memory_space<hbm>> -> memref<80x128xi32, #tpu.memory_space<hbm>>
        tpu.wait_dma2 semaphore(%run_scoped3A_34 : memref<!tpu.dma_semaphore, #tpu.memory_space<semaphore_mem>>) src(%dma_wait3A_44 : memref<80x128xi32, #tpu.memory_space<hbm>>) dst(%arg5 : memref<80x128xi32, #tpu.memory_space<vmem>>)
        tpu.yield
      }) : () -> ()
      %mul3A_31 = arith.constant 80 : i32
      %mul3A_32 = arith.muli %add3A, %mul3A_31 : i32
      %run_scoped3A_33 = arith.constant 1 : i32
      "tpu.region"() ({
        %run_scoped3A_34 = tpu.sem_alloc : memref<!tpu.dma_semaphore, #tpu.memory_space<semaphore_mem>>
        %dma_start3A = arith.constant 0 : i32
        %dma_start3A_35 = tpu.memref_slice %arg2[%run_scoped3A_33, %mul3A_32, %dma_start3A] : memref<2x2500x128xi32, #tpu.memory_space<hbm>> -> memref<1x80x128xi32, #tpu.memory_space<hbm>>
        %dma_start3A_36 = tpu.memref_squeeze %dma_start3A_35 : memref<1x80x128xi32, #tpu.memory_space<hbm>> -> memref<80x128xi32, #tpu.memory_space<hbm>>
        %dma_start3A_37 = arith.constant 0 : i32
        %dma_start3A_38 = tpu.memref_slice %arg2[%run_scoped3A_33, %mul3A_32, %dma_start3A_37] : memref<2x2500x128xi32, #tpu.memory_space<hbm>> -> memref<1x80x128xi32, #tpu.memory_space<hbm>>
        %dma_start3A_39 = tpu.memref_squeeze %dma_start3A_38 : memref<1x80x128xi32, #tpu.memory_space<hbm>> -> memref<80x128xi32, #tpu.memory_space<hbm>>
        tpu.enqueue_dma source(%dma_start3A_39 : memref<80x128xi32, #tpu.memory_space<hbm>>) target(%arg6 : memref<80x128xi32, #tpu.memory_space<vmem>>) target_semaphore(%run_scoped3A_34 : memref<!tpu.dma_semaphore, #tpu.memory_space<semaphore_mem>>)
        %dma_wait3A = arith.constant 0 : i32
        %dma_wait3A_40 = tpu.memref_slice %arg2[%run_scoped3A_33, %mul3A_32, %dma_wait3A] : memref<2x2500x128xi32, #tpu.memory_space<hbm>> -> memref<1x80x128xi32, #tpu.memory_space<hbm>>
        %dma_wait3A_41 = tpu.memref_squeeze %dma_wait3A_40 : memref<1x80x128xi32, #tpu.memory_space<hbm>> -> memref<80x128xi32, #tpu.memory_space<hbm>>
        %dma_wait3A_42 = arith.constant 0 : i32
        %dma_wait3A_43 = tpu.memref_slice %arg2[%run_scoped3A_33, %mul3A_32, %dma_wait3A_42] : memref<2x2500x128xi32, #tpu.memory_space<hbm>> -> memref<1x80x128xi32, #tpu.memory_space<hbm>>
        %dma_wait3A_44 = tpu.memref_squeeze %dma_wait3A_43 : memref<1x80x128xi32, #tpu.memory_space<hbm>> -> memref<80x128xi32, #tpu.memory_space<hbm>>
        tpu.wait_dma2 semaphore(%run_scoped3A_34 : memref<!tpu.dma_semaphore, #tpu.memory_space<semaphore_mem>>) src(%dma_wait3A_44 : memref<80x128xi32, #tpu.memory_space<hbm>>) dst(%arg6 : memref<80x128xi32, #tpu.memory_space<vmem>>)
        tpu.yield
      }) : () -> ()
    } else {
    }
    %eq3A = arith.constant 31 : i32
    %eq3A_16 = arith.cmpi eq, %add3A, %eq3A : i32
    %convert_element_type3A_17 = arith.extui %eq3A_16 : i1 to i32
    %cond3A_18 = arith.constant 0 : i32
    %cond3A_19 = arith.cmpi ne, %convert_element_type3A_17, %cond3A_18 : i32
    scf.if %cond3A_19 {
      %run_scoped3A_28 = arith.constant 0 : i32
      "tpu.region"() ({
        %run_scoped3A_32 = tpu.sem_alloc : memref<!tpu.dma_semaphore, #tpu.memory_space<semaphore_mem>>
        %dma_start3A = arith.constant 0 : i32
        %dma_start3A_33 = arith.constant 0 : i32
        %dma_start3A_34 = tpu.memref_slice %arg5[%dma_start3A, %dma_start3A_33] : memref<80x128xi32, #tpu.memory_space<vmem>> -> memref<20x128xi32, #tpu.memory_space<vmem>>
        %dma_start3A_35 = arith.constant 2480 : i32
        %dma_start3A_36 = arith.constant 0 : i32
        %dma_start3A_37 = tpu.memref_slice %arg2[%run_scoped3A_28, %dma_start3A_35, %dma_start3A_36] : memref<2x2500x128xi32, #tpu.memory_space<hbm>> -> memref<1x20x128xi32, #tpu.memory_space<hbm>>
        %dma_start3A_38 = tpu.memref_squeeze %dma_start3A_37 : memref<1x20x128xi32, #tpu.memory_space<hbm>> -> memref<20x128xi32, #tpu.memory_space<hbm>>
        %dma_start3A_39 = arith.constant 0 : i32
        %dma_start3A_40 = arith.constant 0 : i32
        %dma_start3A_41 = tpu.memref_slice %arg5[%dma_start3A_39, %dma_start3A_40] : memref<80x128xi32, #tpu.memory_space<vmem>> -> memref<20x128xi32, #tpu.memory_space<vmem>>
        %dma_start3A_42 = arith.constant 2480 : i32
        %dma_start3A_43 = arith.constant 0 : i32
        %dma_start3A_44 = tpu.memref_slice %arg2[%run_scoped3A_28, %dma_start3A_42, %dma_start3A_43] : memref<2x2500x128xi32, #tpu.memory_space<hbm>> -> memref<1x20x128xi32, #tpu.memory_space<hbm>>
        %dma_start3A_45 = tpu.memref_squeeze %dma_start3A_44 : memref<1x20x128xi32, #tpu.memory_space<hbm>> -> memref<20x128xi32, #tpu.memory_space<hbm>>
        tpu.enqueue_dma source(%dma_start3A_45 : memref<20x128xi32, #tpu.memory_space<hbm>>) target(%dma_start3A_41 : memref<20x128xi32, #tpu.memory_space<vmem>>) target_semaphore(%run_scoped3A_32 : memref<!tpu.dma_semaphore, #tpu.memory_space<semaphore_mem>>)
        %dma_wait3A = arith.constant 0 : i32
        %dma_wait3A_46 = arith.constant 0 : i32
        %dma_wait3A_47 = tpu.memref_slice %arg5[%dma_wait3A, %dma_wait3A_46] : memref<80x128xi32, #tpu.memory_space<vmem>> -> memref<20x128xi32, #tpu.memory_space<vmem>>
        %dma_wait3A_48 = arith.constant 2480 : i32
        %dma_wait3A_49 = arith.constant 0 : i32
        %dma_wait3A_50 = tpu.memref_slice %arg2[%run_scoped3A_28, %dma_wait3A_48, %dma_wait3A_49] : memref<2x2500x128xi32, #tpu.memory_space<hbm>> -> memref<1x20x128xi32, #tpu.memory_space<hbm>>
        %dma_wait3A_51 = tpu.memref_squeeze %dma_wait3A_50 : memref<1x20x128xi32, #tpu.memory_space<hbm>> -> memref<20x128xi32, #tpu.memory_space<hbm>>
        %dma_wait3A_52 = arith.constant 0 : i32
        %dma_wait3A_53 = arith.constant 0 : i32
        %dma_wait3A_54 = tpu.memref_slice %arg5[%dma_wait3A_52, %dma_wait3A_53] : memref<80x128xi32, #tpu.memory_space<vmem>> -> memref<20x128xi32, #tpu.memory_space<vmem>>
        %dma_wait3A_55 = arith.constant 2480 : i32
        %dma_wait3A_56 = arith.constant 0 : i32
        %dma_wait3A_57 = tpu.memref_slice %arg2[%run_scoped3A_28, %dma_wait3A_55, %dma_wait3A_56] : memref<2x2500x128xi32, #tpu.memory_space<hbm>> -> memref<1x20x128xi32, #tpu.memory_space<hbm>>
        %dma_wait3A_58 = tpu.memref_squeeze %dma_wait3A_57 : memref<1x20x128xi32, #tpu.memory_space<hbm>> -> memref<20x128xi32, #tpu.memory_space<hbm>>
        tpu.wait_dma2 semaphore(%run_scoped3A_32 : memref<!tpu.dma_semaphore, #tpu.memory_space<semaphore_mem>>) src(%dma_wait3A_58 : memref<20x128xi32, #tpu.memory_space<hbm>>) dst(%dma_wait3A_54 : memref<20x128xi32, #tpu.memory_space<vmem>>)
        tpu.yield
      }) : () -> ()
      %run_scoped3A_29 = arith.constant 0 : i32
      "tpu.region"() ({
        %run_scoped3A_32 = tpu.sem_alloc : memref<!tpu.dma_semaphore, #tpu.memory_space<semaphore_mem>>
        %dma_start3A = arith.constant 20 : i32
        %dma_start3A_33 = arith.constant 0 : i32
        %dma_start3A_34 = tpu.memref_slice %arg5[%dma_start3A, %dma_start3A_33] : memref<80x128xi32, #tpu.memory_space<vmem>> -> memref<60x128xi32, #tpu.memory_space<vmem>>
        %dma_start3A_35 = arith.constant 0 : i32
        %dma_start3A_36 = arith.constant 0 : i32
        %dma_start3A_37 = tpu.memref_slice %arg3[%run_scoped3A_29, %dma_start3A_35, %dma_start3A_36] : memref<2x60x128xi32, #tpu.memory_space<hbm>> -> memref<1x60x128xi32, #tpu.memory_space<hbm>>
        %dma_start3A_38 = tpu.memref_squeeze %dma_start3A_37 : memref<1x60x128xi32, #tpu.memory_space<hbm>> -> memref<60x128xi32, #tpu.memory_space<hbm>>
        %dma_start3A_39 = arith.constant 20 : i32
        %dma_start3A_40 = arith.constant 0 : i32
        %dma_start3A_41 = tpu.memref_slice %arg5[%dma_start3A_39, %dma_start3A_40] : memref<80x128xi32, #tpu.memory_space<vmem>> -> memref<60x128xi32, #tpu.memory_space<vmem>>
        %dma_start3A_42 = arith.constant 0 : i32
        %dma_start3A_43 = arith.constant 0 : i32
        %dma_start3A_44 = tpu.memref_slice %arg3[%run_scoped3A_29, %dma_start3A_42, %dma_start3A_43] : memref<2x60x128xi32, #tpu.memory_space<hbm>> -> memref<1x60x128xi32, #tpu.memory_space<hbm>>
        %dma_start3A_45 = tpu.memref_squeeze %dma_start3A_44 : memref<1x60x128xi32, #tpu.memory_space<hbm>> -> memref<60x128xi32, #tpu.memory_space<hbm>>
        tpu.enqueue_dma source(%dma_start3A_45 : memref<60x128xi32, #tpu.memory_space<hbm>>) target(%dma_start3A_41 : memref<60x128xi32, #tpu.memory_space<vmem>>) target_semaphore(%run_scoped3A_32 : memref<!tpu.dma_semaphore, #tpu.memory_space<semaphore_mem>>)
        %dma_wait3A = arith.constant 20 : i32
        %dma_wait3A_46 = arith.constant 0 : i32
        %dma_wait3A_47 = tpu.memref_slice %arg5[%dma_wait3A, %dma_wait3A_46] : memref<80x128xi32, #tpu.memory_space<vmem>> -> memref<60x128xi32, #tpu.memory_space<vmem>>
        %dma_wait3A_48 = arith.constant 0 : i32
        %dma_wait3A_49 = arith.constant 0 : i32
        %dma_wait3A_50 = tpu.memref_slice %arg3[%run_scoped3A_29, %dma_wait3A_48, %dma_wait3A_49] : memref<2x60x128xi32, #tpu.memory_space<hbm>> -> memref<1x60x128xi32, #tpu.memory_space<hbm>>
        %dma_wait3A_51 = tpu.memref_squeeze %dma_wait3A_50 : memref<1x60x128xi32, #tpu.memory_space<hbm>> -> memref<60x128xi32, #tpu.memory_space<hbm>>
        %dma_wait3A_52 = arith.constant 20 : i32
        %dma_wait3A_53 = arith.constant 0 : i32
        %dma_wait3A_54 = tpu.memref_slice %arg5[%dma_wait3A_52, %dma_wait3A_53] : memref<80x128xi32, #tpu.memory_space<vmem>> -> memref<60x128xi32, #tpu.memory_space<vmem>>
        %dma_wait3A_55 = arith.constant 0 : i32
        %dma_wait3A_56 = arith.constant 0 : i32
        %dma_wait3A_57 = tpu.memref_slice %arg3[%run_scoped3A_29, %dma_wait3A_55, %dma_wait3A_56] : memref<2x60x128xi32, #tpu.memory_space<hbm>> -> memref<1x60x128xi32, #tpu.memory_space<hbm>>
        %dma_wait3A_58 = tpu.memref_squeeze %dma_wait3A_57 : memref<1x60x128xi32, #tpu.memory_space<hbm>> -> memref<60x128xi32, #tpu.memory_space<hbm>>
        tpu.wait_dma2 semaphore(%run_scoped3A_32 : memref<!tpu.dma_semaphore, #tpu.memory_space<semaphore_mem>>) src(%dma_wait3A_58 : memref<60x128xi32, #tpu.memory_space<hbm>>) dst(%dma_wait3A_54 : memref<60x128xi32, #tpu.memory_space<vmem>>)
        tpu.yield
      }) : () -> ()
      %run_scoped3A_30 = arith.constant 1 : i32
      "tpu.region"() ({
        %run_scoped3A_32 = tpu.sem_alloc : memref<!tpu.dma_semaphore, #tpu.memory_space<semaphore_mem>>
        %dma_start3A = arith.constant 0 : i32
        %dma_start3A_33 = arith.constant 0 : i32
        %dma_start3A_34 = tpu.memref_slice %arg6[%dma_start3A, %dma_start3A_33] : memref<80x128xi32, #tpu.memory_space<vmem>> -> memref<20x128xi32, #tpu.memory_space<vmem>>
        %dma_start3A_35 = arith.constant 2480 : i32
        %dma_start3A_36 = arith.constant 0 : i32
        %dma_start3A_37 = tpu.memref_slice %arg2[%run_scoped3A_30, %dma_start3A_35, %dma_start3A_36] : memref<2x2500x128xi32, #tpu.memory_space<hbm>> -> memref<1x20x128xi32, #tpu.memory_space<hbm>>
        %dma_start3A_38 = tpu.memref_squeeze %dma_start3A_37 : memref<1x20x128xi32, #tpu.memory_space<hbm>> -> memref<20x128xi32, #tpu.memory_space<hbm>>
        %dma_start3A_39 = arith.constant 0 : i32
        %dma_start3A_40 = arith.constant 0 : i32
        %dma_start3A_41 = tpu.memref_slice %arg6[%dma_start3A_39, %dma_start3A_40] : memref<80x128xi32, #tpu.memory_space<vmem>> -> memref<20x128xi32, #tpu.memory_space<vmem>>
        %dma_start3A_42 = arith.constant 2480 : i32
        %dma_start3A_43 = arith.constant 0 : i32
        %dma_start3A_44 = tpu.memref_slice %arg2[%run_scoped3A_30, %dma_start3A_42, %dma_start3A_43] : memref<2x2500x128xi32, #tpu.memory_space<hbm>> -> memref<1x20x128xi32, #tpu.memory_space<hbm>>
        %dma_start3A_45 = tpu.memref_squeeze %dma_start3A_44 : memref<1x20x128xi32, #tpu.memory_space<hbm>> -> memref<20x128xi32, #tpu.memory_space<hbm>>
        tpu.enqueue_dma source(%dma_start3A_45 : memref<20x128xi32, #tpu.memory_space<hbm>>) target(%dma_start3A_41 : memref<20x128xi32, #tpu.memory_space<vmem>>) target_semaphore(%run_scoped3A_32 : memref<!tpu.dma_semaphore, #tpu.memory_space<semaphore_mem>>)
        %dma_wait3A = arith.constant 0 : i32
        %dma_wait3A_46 = arith.constant 0 : i32
        %dma_wait3A_47 = tpu.memref_slice %arg6[%dma_wait3A, %dma_wait3A_46] : memref<80x128xi32, #tpu.memory_space<vmem>> -> memref<20x128xi32, #tpu.memory_space<vmem>>
        %dma_wait3A_48 = arith.constant 2480 : i32
        %dma_wait3A_49 = arith.constant 0 : i32
        %dma_wait3A_50 = tpu.memref_slice %arg2[%run_scoped3A_30, %dma_wait3A_48, %dma_wait3A_49] : memref<2x2500x128xi32, #tpu.memory_space<hbm>> -> memref<1x20x128xi32, #tpu.memory_space<hbm>>
        %dma_wait3A_51 = tpu.memref_squeeze %dma_wait3A_50 : memref<1x20x128xi32, #tpu.memory_space<hbm>> -> memref<20x128xi32, #tpu.memory_space<hbm>>
        %dma_wait3A_52 = arith.constant 0 : i32
        %dma_wait3A_53 = arith.constant 0 : i32
        %dma_wait3A_54 = tpu.memref_slice %arg6[%dma_wait3A_52, %dma_wait3A_53] : memref<80x128xi32, #tpu.memory_space<vmem>> -> memref<20x128xi32, #tpu.memory_space<vmem>>
        %dma_wait3A_55 = arith.constant 2480 : i32
        %dma_wait3A_56 = arith.constant 0 : i32
        %dma_wait3A_57 = tpu.memref_slice %arg2[%run_scoped3A_30, %dma_wait3A_55, %dma_wait3A_56] : memref<2x2500x128xi32, #tpu.memory_space<hbm>> -> memref<1x20x128xi32, #tpu.memory_space<hbm>>
        %dma_wait3A_58 = tpu.memref_squeeze %dma_wait3A_57 : memref<1x20x128xi32, #tpu.memory_space<hbm>> -> memref<20x128xi32, #tpu.memory_space<hbm>>
        tpu.wait_dma2 semaphore(%run_scoped3A_32 : memref<!tpu.dma_semaphore, #tpu.memory_space<semaphore_mem>>) src(%dma_wait3A_58 : memref<20x128xi32, #tpu.memory_space<hbm>>) dst(%dma_wait3A_54 : memref<20x128xi32, #tpu.memory_space<vmem>>)
        tpu.yield
      }) : () -> ()
      %run_scoped3A_31 = arith.constant 1 : i32
      "tpu.region"() ({
        %run_scoped3A_32 = tpu.sem_alloc : memref<!tpu.dma_semaphore, #tpu.memory_space<semaphore_mem>>
        %dma_start3A = arith.constant 20 : i32
        %dma_start3A_33 = arith.constant 0 : i32
        %dma_start3A_34 = tpu.memref_slice %arg6[%dma_start3A, %dma_start3A_33] : memref<80x128xi32, #tpu.memory_space<vmem>> -> memref<60x128xi32, #tpu.memory_space<vmem>>
        %dma_start3A_35 = arith.constant 0 : i32
        %dma_start3A_36 = arith.constant 0 : i32
        %dma_start3A_37 = tpu.memref_slice %arg3[%run_scoped3A_31, %dma_start3A_35, %dma_start3A_36] : memref<2x60x128xi32, #tpu.memory_space<hbm>> -> memref<1x60x128xi32, #tpu.memory_space<hbm>>
        %dma_start3A_38 = tpu.memref_squeeze %dma_start3A_37 : memref<1x60x128xi32, #tpu.memory_space<hbm>> -> memref<60x128xi32, #tpu.memory_space<hbm>>
        %dma_start3A_39 = arith.constant 20 : i32
        %dma_start3A_40 = arith.constant 0 : i32
        %dma_start3A_41 = tpu.memref_slice %arg6[%dma_start3A_39, %dma_start3A_40] : memref<80x128xi32, #tpu.memory_space<vmem>> -> memref<60x128xi32, #tpu.memory_space<vmem>>
        %dma_start3A_42 = arith.constant 0 : i32
        %dma_start3A_43 = arith.constant 0 : i32
        %dma_start3A_44 = tpu.memref_slice %arg3[%run_scoped3A_31, %dma_start3A_42, %dma_start3A_43] : memref<2x60x128xi32, #tpu.memory_space<hbm>> -> memref<1x60x128xi32, #tpu.memory_space<hbm>>
        %dma_start3A_45 = tpu.memref_squeeze %dma_start3A_44 : memref<1x60x128xi32, #tpu.memory_space<hbm>> -> memref<60x128xi32, #tpu.memory_space<hbm>>
        tpu.enqueue_dma source(%dma_start3A_45 : memref<60x128xi32, #tpu.memory_space<hbm>>) target(%dma_start3A_41 : memref<60x128xi32, #tpu.memory_space<vmem>>) target_semaphore(%run_scoped3A_32 : memref<!tpu.dma_semaphore, #tpu.memory_space<semaphore_mem>>)
        %dma_wait3A = arith.constant 20 : i32
        %dma_wait3A_46 = arith.constant 0 : i32
        %dma_wait3A_47 = tpu.memref_slice %arg6[%dma_wait3A, %dma_wait3A_46] : memref<80x128xi32, #tpu.memory_space<vmem>> -> memref<60x128xi32, #tpu.memory_space<vmem>>
        %dma_wait3A_48 = arith.constant 0 : i32
        %dma_wait3A_49 = arith.constant 0 : i32
        %dma_wait3A_50 = tpu.memref_slice %arg3[%run_scoped3A_31, %dma_wait3A_48, %dma_wait3A_49] : memref<2x60x128xi32, #tpu.memory_space<hbm>> -> memref<1x60x128xi32, #tpu.memory_space<hbm>>
        %dma_wait3A_51 = tpu.memref_squeeze %dma_wait3A_50 : memref<1x60x128xi32, #tpu.memory_space<hbm>> -> memref<60x128xi32, #tpu.memory_space<hbm>>
        %dma_wait3A_52 = arith.constant 20 : i32
        %dma_wait3A_53 = arith.constant 0 : i32
        %dma_wait3A_54 = tpu.memref_slice %arg6[%dma_wait3A_52, %dma_wait3A_53] : memref<80x128xi32, #tpu.memory_space<vmem>> -> memref<60x128xi32, #tpu.memory_space<vmem>>
        %dma_wait3A_55 = arith.constant 0 : i32
        %dma_wait3A_56 = arith.constant 0 : i32
        %dma_wait3A_57 = tpu.memref_slice %arg3[%run_scoped3A_31, %dma_wait3A_55, %dma_wait3A_56] : memref<2x60x128xi32, #tpu.memory_space<hbm>> -> memref<1x60x128xi32, #tpu.memory_space<hbm>>
        %dma_wait3A_58 = tpu.memref_squeeze %dma_wait3A_57 : memref<1x60x128xi32, #tpu.memory_space<hbm>> -> memref<60x128xi32, #tpu.memory_space<hbm>>
        tpu.wait_dma2 semaphore(%run_scoped3A_32 : memref<!tpu.dma_semaphore, #tpu.memory_space<semaphore_mem>>) src(%dma_wait3A_58 : memref<60x128xi32, #tpu.memory_space<hbm>>) dst(%dma_wait3A_54 : memref<60x128xi32, #tpu.memory_space<vmem>>)
        tpu.yield
      }) : () -> ()
    } else {
    }
    %barrier3A = arith.constant 0 : index
    tpu.barrier barrier_id(%barrier3A)
    %scan3A_20 = arith.constant 0 : i32
    %scan3A_21 = arith.constant 0 : i32
    %scan3A_22 = arith.constant 80 : i32
    %scan3A_23 = arith.addi %scan3A_21, %scan3A_22 : i32
    %scan3A_24 = arith.constant 1 : i32
    scf.for %scan3A_28 = %scan3A_21 to %scan3A_23 step %scan3A_24  : i32 {
      "tpu.region"() ({
        %run_scoped3A_29 = tpu.sem_alloc : memref<!tpu.dma_semaphore, #tpu.memory_space<semaphore_mem>>
        %dma_start3A = arith.constant 0 : i32
        %dma_start3A_30 = tpu.memref_slice %arg5[%scan3A_28, %dma_start3A] : memref<80x128xi32, #tpu.memory_space<vmem>> -> memref<1x128xi32, #tpu.memory_space<vmem>>
        %dma_start3A_31 = tpu.memref_squeeze %dma_start3A_30 : memref<1x128xi32, #tpu.memory_space<vmem>> -> memref<128xi32, #tpu.memory_space<vmem>>
        %dma_start3A_32 = arith.constant 0 : i32
        %dma_start3A_33 = tpu.memref_slice %arg9[%dma_start3A_32] : memref<10240xf32, #tpu.memory_space<vmem_shared>> -> memref<10240xf32, #tpu.memory_space<vmem_shared>>
        tpu.enqueue_indirect_dma source(%arg7 : memref<128xf32, #tpu.memory_space<vmem>>) target(%dma_start3A_33 : memref<10240xf32, #tpu.memory_space<vmem_shared>>) offsets(%dma_start3A_31 : memref<128xi32, #tpu.memory_space<vmem>>) semaphore(%run_scoped3A_29 : memref<!tpu.dma_semaphore, #tpu.memory_space<semaphore_mem>>) {add = true}
        %dma_wait3A = arith.constant 0 : i32
        %dma_wait3A_34 = tpu.memref_slice %arg5[%scan3A_28, %dma_wait3A] : memref<80x128xi32, #tpu.memory_space<vmem>> -> memref<1x128xi32, #tpu.memory_space<vmem>>
        %dma_wait3A_35 = tpu.memref_squeeze %dma_wait3A_34 : memref<1x128xi32, #tpu.memory_space<vmem>> -> memref<128xi32, #tpu.memory_space<vmem>>
        %dma_wait3A_36 = arith.constant 0 : i32
        %dma_wait3A_37 = tpu.memref_slice %arg9[%dma_wait3A_36] : memref<10240xf32, #tpu.memory_space<vmem_shared>> -> memref<10240xf32, #tpu.memory_space<vmem_shared>>
        tpu.wait_indirect_dma semaphore(%run_scoped3A_29 : memref<!tpu.dma_semaphore, #tpu.memory_space<semaphore_mem>>) src(%arg7 : memref<128xf32, #tpu.memory_space<vmem>>) dst(%dma_wait3A_37 : memref<10240xf32, #tpu.memory_space<vmem_shared>>)
        tpu.yield
      }) : () -> ()
      "tpu.region"() ({
        %run_scoped3A_29 = tpu.sem_alloc : memref<!tpu.dma_semaphore, #tpu.memory_space<semaphore_mem>>
        %dma_start3A = arith.constant 0 : i32
        %dma_start3A_30 = tpu.memref_slice %arg6[%scan3A_28, %dma_start3A] : memref<80x128xi32, #tpu.memory_space<vmem>> -> memref<1x128xi32, #tpu.memory_space<vmem>>
        %dma_start3A_31 = tpu.memref_squeeze %dma_start3A_30 : memref<1x128xi32, #tpu.memory_space<vmem>> -> memref<128xi32, #tpu.memory_space<vmem>>
        %dma_start3A_32 = arith.constant 0 : i32
        %dma_start3A_33 = tpu.memref_slice %arg10[%dma_start3A_32] : memref<10240xf32, #tpu.memory_space<vmem_shared>> -> memref<10240xf32, #tpu.memory_space<vmem_shared>>
        tpu.enqueue_indirect_dma source(%arg7 : memref<128xf32, #tpu.memory_space<vmem>>) target(%dma_start3A_33 : memref<10240xf32, #tpu.memory_space<vmem_shared>>) offsets(%dma_start3A_31 : memref<128xi32, #tpu.memory_space<vmem>>) semaphore(%run_scoped3A_29 : memref<!tpu.dma_semaphore, #tpu.memory_space<semaphore_mem>>) {add = true}
        %dma_wait3A = arith.constant 0 : i32
        %dma_wait3A_34 = tpu.memref_slice %arg6[%scan3A_28, %dma_wait3A] : memref<80x128xi32, #tpu.memory_space<vmem>> -> memref<1x128xi32, #tpu.memory_space<vmem>>
        %dma_wait3A_35 = tpu.memref_squeeze %dma_wait3A_34 : memref<1x128xi32, #tpu.memory_space<vmem>> -> memref<128xi32, #tpu.memory_space<vmem>>
        %dma_wait3A_36 = arith.constant 0 : i32
        %dma_wait3A_37 = tpu.memref_slice %arg10[%dma_wait3A_36] : memref<10240xf32, #tpu.memory_space<vmem_shared>> -> memref<10240xf32, #tpu.memory_space<vmem_shared>>
        tpu.wait_indirect_dma semaphore(%run_scoped3A_29 : memref<!tpu.dma_semaphore, #tpu.memory_space<semaphore_mem>>) src(%arg7 : memref<128xf32, #tpu.memory_space<vmem>>) dst(%dma_wait3A_37 : memref<10240xf32, #tpu.memory_space<vmem_shared>>)
        tpu.yield
      }) : () -> ()
    }
    %scan3A_25 = arith.constant 80 : i32
    %barrier3A_26 = arith.constant 0 : index
    tpu.barrier barrier_id(%barrier3A_26)
    %run_scoped3A = arith.constant 0 : i32
    "tpu.region"() ({
      %run_scoped3A_28 = tpu.sem_alloc : memref<!tpu.dma_semaphore, #tpu.memory_space<semaphore_mem>>
      %dma_start3A = tpu.memref_slice %arg4[%arg0, %run_scoped3A, %multiple_of3A] : memref<2x2x10240xf32, #tpu.memory_space<hbm>> -> memref<1x1x640xf32, #tpu.memory_space<hbm>>
      %dma_start3A_29 = tpu.memref_squeeze %dma_start3A : memref<1x1x640xf32, #tpu.memory_space<hbm>> -> memref<640xf32, #tpu.memory_space<hbm>>
      %dma_start3A_30 = tpu.memref_slice %arg9[%multiple_of3A] : memref<10240xf32, #tpu.memory_space<vmem_shared>> -> memref<640xf32, #tpu.memory_space<vmem_shared>>
      tpu.enqueue_dma source(%dma_start3A_30 : memref<640xf32, #tpu.memory_space<vmem_shared>>) target(%dma_start3A_29 : memref<640xf32, #tpu.memory_space<hbm>>) target_semaphore(%run_scoped3A_28 : memref<!tpu.dma_semaphore, #tpu.memory_space<semaphore_mem>>)
      %dma_wait3A = tpu.memref_slice %arg4[%arg0, %run_scoped3A, %multiple_of3A] : memref<2x2x10240xf32, #tpu.memory_space<hbm>> -> memref<1x1x640xf32, #tpu.memory_space<hbm>>
      %dma_wait3A_31 = tpu.memref_squeeze %dma_wait3A : memref<1x1x640xf32, #tpu.memory_space<hbm>> -> memref<640xf32, #tpu.memory_space<hbm>>
      %dma_wait3A_32 = tpu.memref_slice %arg9[%multiple_of3A] : memref<10240xf32, #tpu.memory_space<vmem_shared>> -> memref<640xf32, #tpu.memory_space<vmem_shared>>
      tpu.wait_dma2 semaphore(%run_scoped3A_28 : memref<!tpu.dma_semaphore, #tpu.memory_space<semaphore_mem>>) src(%dma_wait3A_32 : memref<640xf32, #tpu.memory_space<vmem_shared>>) dst(%dma_wait3A_31 : memref<640xf32, #tpu.memory_space<hbm>>)
      tpu.yield
    }) : () -> ()
    %run_scoped3A_27 = arith.constant 1 : i32
    "tpu.region"() ({
      %run_scoped3A_28 = tpu.sem_alloc : memref<!tpu.dma_semaphore, #tpu.memory_space<semaphore_mem>>
      %dma_start3A = tpu.memref_slice %arg4[%arg0, %run_scoped3A_27, %multiple_of3A] : memref<2x2x10240xf32, #tpu.memory_space<hbm>> -> memref<1x1x640xf32, #tpu.memory_space<hbm>>
      %dma_start3A_29 = tpu.memref_squeeze %dma_start3A : memref<1x1x640xf32, #tpu.memory_space<hbm>> -> memref<640xf32, #tpu.memory_space<hbm>>
      %dma_start3A_30 = tpu.memref_slice %arg10[%multiple_of3A] : memref<10240xf32, #tpu.memory_space<vmem_shared>> -> memref<640xf32, #tpu.memory_space<vmem_shared>>
      tpu.enqueue_dma source(%dma_start3A_30 : memref<640xf32, #tpu.memory_space<vmem_shared>>) target(%dma_start3A_29 : memref<640xf32, #tpu.memory_space<hbm>>) target_semaphore(%run_scoped3A_28 : memref<!tpu.dma_semaphore, #tpu.memory_space<semaphore_mem>>)
      %dma_wait3A = tpu.memref_slice %arg4[%arg0, %run_scoped3A_27, %multiple_of3A] : memref<2x2x10240xf32, #tpu.memory_space<hbm>> -> memref<1x1x640xf32, #tpu.memory_space<hbm>>
      %dma_wait3A_31 = tpu.memref_squeeze %dma_wait3A : memref<1x1x640xf32, #tpu.memory_space<hbm>> -> memref<640xf32, #tpu.memory_space<hbm>>
      %dma_wait3A_32 = tpu.memref_slice %arg10[%multiple_of3A] : memref<10240xf32, #tpu.memory_space<vmem_shared>> -> memref<640xf32, #tpu.memory_space<vmem_shared>>
      tpu.wait_dma2 semaphore(%run_scoped3A_28 : memref<!tpu.dma_semaphore, #tpu.memory_space<semaphore_mem>>) src(%dma_wait3A_32 : memref<640xf32, #tpu.memory_space<vmem_shared>>) dst(%dma_wait3A_31 : memref<640xf32, #tpu.memory_space<hbm>>)
      tpu.yield
    }) : () -> ()
    return
  }
}

#map = affine_map<(d0, d1) -> (0, 0)>
#map1 = affine_map<(d0, d1) -> (0, 0, 0)>
module attributes {stable_mosaic.version = 14 : i64} {
  func.func @_agg_body(%arg0: i32, %arg1: i32, %arg2: memref<10000x128xf32, #tpu.memory_space<hbm>>, %arg3: memref<2x2500x128xi32, #tpu.memory_space<hbm>>, %arg4: memref<2x60x128xi32, #tpu.memory_space<hbm>>, %arg5: memref<2x10240x128xf32, #tpu.memory_space<hbm>>, %arg6: memref<40x128xi32, #tpu.memory_space<vmem>>, %arg7: memref<40x128xi32, #tpu.memory_space<vmem>>, %arg8: memref<2x128x128xf32, #tpu.memory_space<vmem>>, %arg9: memref<10240x128xf32, #tpu.memory_space<vmem_shared>>, %arg10: memref<!tpu.dma_semaphore, #tpu.memory_space<semaphore_mem>>, %arg11: memref<!tpu.dma_semaphore, #tpu.memory_space<semaphore_mem>>) attributes {dimension_semantics = [#tpu.dimension_semantics<core_parallel>, #tpu.dimension_semantics<subcore_parallel>], iteration_bounds = array<i64: 2, 16>, scalar_prefetch = 0 : i64, scratch_operands = 6 : i64, tpu.core_type = #tpu.core_type<sc_vector_subcore>, window_params = [{transform_indices = #map}, {transform_indices = #map1}, {transform_indices = #map1}, {transform_indices = #map1}]} {
    %mul3A = arith.constant 16 : i32
    %mul3A_0 = arith.muli %arg0, %mul3A : i32
    %add3A = arith.addi %mul3A_0, %arg1 : i32
    %broadcast_in_dim3A = arith.constant 0.000000e+00 : f32
    %broadcast_in_dim3A_1 = vector.broadcast %broadcast_in_dim3A : f32 to vector<16xf32>
    %scan3A = arith.constant 0 : i32
    %scan3A_2 = arith.constant 0 : i32
    %scan3A_3 = arith.constant 0 : i32
    %scan3A_4 = arith.constant 1024 : i32
    %scan3A_5 = arith.addi %scan3A_3, %scan3A_4 : i32
    %scan3A_6 = arith.constant 1 : i32
    scf.for %scan3A_112 = %scan3A_3 to %scan3A_5 step %scan3A_6  : i32 {
      %jit3A = arith.constant 8 : i32
      %div3A = arith.divsi %scan3A_112, %jit3A : i32
      %sign3A = arith.constant 0 : i32
      %sign3A_113 = arith.cmpi sgt, %scan3A_112, %sign3A : i32
      %sign3A_114 = arith.extui %sign3A_113 : i1 to i32
      %sign3A_115 = arith.constant 0 : i32
      %sign3A_116 = arith.cmpi slt, %scan3A_112, %sign3A_115 : i32
      %sign3A_117 = arith.extui %sign3A_116 : i1 to i32
      %sign3A_118 = arith.subi %sign3A_114, %sign3A_117 : i32
      %sign3A_119 = arith.constant 0 : i32
      %sign3A_120 = arith.cmpi sgt, %jit3A, %sign3A_119 : i32
      %sign3A_121 = arith.extui %sign3A_120 : i1 to i32
      %sign3A_122 = arith.constant 0 : i32
      %sign3A_123 = arith.cmpi slt, %jit3A, %sign3A_122 : i32
      %sign3A_124 = arith.extui %sign3A_123 : i1 to i32
      %sign3A_125 = arith.subi %sign3A_121, %sign3A_124 : i32
      %ne3A = arith.cmpi ne, %sign3A_118, %sign3A_125 : i32
      %rem3A = arith.remsi %scan3A_112, %jit3A : i32
      %ne3A_126 = arith.constant 0 : i32
      %ne3A_127 = arith.cmpi ne, %rem3A, %ne3A_126 : i32
      %and3A = arith.andi %ne3A, %ne3A_127 : i1
      %sub3A = arith.constant 1 : i32
      %sub3A_128 = arith.subi %div3A, %sub3A : i32
      %select_n3A = arith.select %and3A, %sub3A_128, %div3A : i32
      %jit3A_129 = arith.constant 8 : i32
      %eq3A_130 = arith.constant 0 : i32
      %eq3A_131 = arith.cmpi eq, %jit3A_129, %eq3A_130 : i32
      %jit3A_132 = arith.constant 1 : i32
      %select_n3A_133 = arith.select %eq3A_131, %jit3A_132, %jit3A_129 : i32
      %rem3A_134 = arith.remsi %scan3A_112, %select_n3A_133 : i32
      %ne3A_135 = arith.constant 0 : i32
      %ne3A_136 = arith.cmpi ne, %rem3A_134, %ne3A_135 : i32
      %lt3A_137 = arith.constant 0 : i32
      %lt3A_138 = arith.cmpi slt, %rem3A_134, %lt3A_137 : i32
      %lt3A_139 = arith.constant 0 : i32
      %lt3A_140 = arith.cmpi slt, %select_n3A_133, %lt3A_139 : i32
      %ne3A_141 = arith.xori %lt3A_138, %lt3A_140 : i1
      %and3A_142 = arith.andi %ne3A_141, %ne3A_136 : i1
      %add3A_143 = arith.addi %rem3A_134, %select_n3A_133 : i32
      %select_n3A_144 = arith.select %and3A_142, %add3A_143, %rem3A_134 : i32
      %mul3A_145 = arith.constant 16 : i32
      %mul3A_146 = arith.muli %select_n3A_144, %mul3A_145 : i32
      %swap3A = arith.constant 0 : i32
      %swap3A_147 = arith.constant 0 : i32
      %swap3A_148 = tpu.memref_slice %arg8[%scan3A_2, %swap3A, %swap3A_147] : memref<2x128x128xf32, #tpu.memory_space<vmem>> -> memref<1x128x128xf32, #tpu.memory_space<vmem>>
      %swap3A_149 = tpu.memref_squeeze %swap3A_148 : memref<1x128x128xf32, #tpu.memory_space<vmem>> -> memref<128x128xf32, #tpu.memory_space<vmem>>
      %swap3A_150 = arith.index_cast %select_n3A : i32 to index
      %swap3A_151 = arith.index_cast %mul3A_146 : i32 to index
      %swap3A_152 = tpu.vector_load %swap3A_149[%swap3A_150, %swap3A_151] {strides = array<i32>} : memref<128x128xf32, #tpu.memory_space<vmem>>, vector<1x16xf32>,
      %swap3A_153 = vector.shape_cast %swap3A_152 : vector<1x16xf32> to vector<16xf32>
      %swap3A_154 = vector.shape_cast %broadcast_in_dim3A_1 : vector<16xf32> to vector<1x16xf32>
      tpu.vector_store %swap3A_149[%swap3A_150, %swap3A_151], %swap3A_154 {strides = array<i32>} : memref<128x128xf32, #tpu.memory_space<vmem>>, vector<1x16xf32>,
    }
    %scan3A_7 = arith.constant 1024 : i32
    %mul3A_8 = arith.constant 640 : i32
    %mul3A_9 = arith.muli %arg1, %mul3A_8 : i32
    %add3A_10 = arith.constant 0 : i32
    %add3A_11 = arith.addi %mul3A_9, %add3A_10 : i32
    %run_scoped3A = arith.constant 0 : i32
    "tpu.region"() ({
      %run_scoped3A_112 = tpu.sem_alloc : memref<!tpu.dma_semaphore, #tpu.memory_space<semaphore_mem>>
      %dma_start3A_113 = arith.constant 0 : i32
      %dma_start3A_114 = arith.constant 0 : i32
      %dma_start3A_115 = tpu.memref_slice %arg8[%run_scoped3A, %dma_start3A_113, %dma_start3A_114] : memref<2x128x128xf32, #tpu.memory_space<vmem>> -> memref<1x128x128xf32, #tpu.memory_space<vmem>>
      %dma_start3A_116 = tpu.memref_squeeze %dma_start3A_115 : memref<1x128x128xf32, #tpu.memory_space<vmem>> -> memref<128x128xf32, #tpu.memory_space<vmem>>
      %dma_start3A_117 = arith.constant 0 : i32
      %dma_start3A_118 = tpu.memref_slice %arg9[%add3A_11, %dma_start3A_117] : memref<10240x128xf32, #tpu.memory_space<vmem_shared>> -> memref<128x128xf32, #tpu.memory_space<vmem_shared>>
      %dma_start3A_119 = arith.constant 0 : i32
      %dma_start3A_120 = tpu.memref_slice %arg9[%add3A_11, %dma_start3A_119] : memref<10240x128xf32, #tpu.memory_space<vmem_shared>> -> memref<128x128xf32, #tpu.memory_space<vmem_shared>>
      %dma_start3A_121 = arith.constant 0 : i32
      %dma_start3A_122 = arith.constant 0 : i32
      %dma_start3A_123 = tpu.memref_slice %arg8[%run_scoped3A, %dma_start3A_121, %dma_start3A_122] : memref<2x128x128xf32, #tpu.memory_space<vmem>> -> memref<1x128x128xf32, #tpu.memory_space<vmem>>
      %dma_start3A_124 = tpu.memref_squeeze %dma_start3A_123 : memref<1x128x128xf32, #tpu.memory_space<vmem>> -> memref<128x128xf32, #tpu.memory_space<vmem>>
      tpu.enqueue_dma source(%dma_start3A_124 : memref<128x128xf32, #tpu.memory_space<vmem>>) target(%dma_start3A_120 : memref<128x128xf32, #tpu.memory_space<vmem_shared>>) target_semaphore(%run_scoped3A_112 : memref<!tpu.dma_semaphore, #tpu.memory_space<semaphore_mem>>)
      %dma_wait3A = arith.constant 0 : i32
      %dma_wait3A_125 = arith.constant 0 : i32
      %dma_wait3A_126 = tpu.memref_slice %arg8[%run_scoped3A, %dma_wait3A, %dma_wait3A_125] : memref<2x128x128xf32, #tpu.memory_space<vmem>> -> memref<1x128x128xf32, #tpu.memory_space<vmem>>
      %dma_wait3A_127 = tpu.memref_squeeze %dma_wait3A_126 : memref<1x128x128xf32, #tpu.memory_space<vmem>> -> memref<128x128xf32, #tpu.memory_space<vmem>>
      %dma_wait3A_128 = arith.constant 0 : i32
      %dma_wait3A_129 = tpu.memref_slice %arg9[%add3A_11, %dma_wait3A_128] : memref<10240x128xf32, #tpu.memory_space<vmem_shared>> -> memref<128x128xf32, #tpu.memory_space<vmem_shared>>
      %dma_wait3A_130 = arith.constant 0 : i32
      %dma_wait3A_131 = tpu.memref_slice %arg9[%add3A_11, %dma_wait3A_130] : memref<10240x128xf32, #tpu.memory_space<vmem_shared>> -> memref<128x128xf32, #tpu.memory_space<vmem_shared>>
      %dma_wait3A_132 = arith.constant 0 : i32
      %dma_wait3A_133 = arith.constant 0 : i32
      %dma_wait3A_134 = tpu.memref_slice %arg8[%run_scoped3A, %dma_wait3A_132, %dma_wait3A_133] : memref<2x128x128xf32, #tpu.memory_space<vmem>> -> memref<1x128x128xf32, #tpu.memory_space<vmem>>
      %dma_wait3A_135 = tpu.memref_squeeze %dma_wait3A_134 : memref<1x128x128xf32, #tpu.memory_space<vmem>> -> memref<128x128xf32, #tpu.memory_space<vmem>>
      tpu.wait_dma2 semaphore(%run_scoped3A_112 : memref<!tpu.dma_semaphore, #tpu.memory_space<semaphore_mem>>) src(%dma_wait3A_135 : memref<128x128xf32, #tpu.memory_space<vmem>>) dst(%dma_wait3A_131 : memref<128x128xf32, #tpu.memory_space<vmem_shared>>)
      tpu.yield
    }) : () -> ()
    %mul3A_12 = arith.constant 640 : i32
    %mul3A_13 = arith.muli %arg1, %mul3A_12 : i32
    %add3A_14 = arith.constant 128 : i32
    %add3A_15 = arith.addi %mul3A_13, %add3A_14 : i32
    %run_scoped3A_16 = arith.constant 0 : i32
    "tpu.region"() ({
      %run_scoped3A_112 = tpu.sem_alloc : memref<!tpu.dma_semaphore, #tpu.memory_space<semaphore_mem>>
      %dma_start3A_113 = arith.constant 0 : i32
      %dma_start3A_114 = arith.constant 0 : i32
      %dma_start3A_115 = tpu.memref_slice %arg8[%run_scoped3A_16, %dma_start3A_113, %dma_start3A_114] : memref<2x128x128xf32, #tpu.memory_space<vmem>> -> memref<1x128x128xf32, #tpu.memory_space<vmem>>
      %dma_start3A_116 = tpu.memref_squeeze %dma_start3A_115 : memref<1x128x128xf32, #tpu.memory_space<vmem>> -> memref<128x128xf32, #tpu.memory_space<vmem>>
      %dma_start3A_117 = arith.constant 0 : i32
      %dma_start3A_118 = tpu.memref_slice %arg9[%add3A_15, %dma_start3A_117] : memref<10240x128xf32, #tpu.memory_space<vmem_shared>> -> memref<128x128xf32, #tpu.memory_space<vmem_shared>>
      %dma_start3A_119 = arith.constant 0 : i32
      %dma_start3A_120 = tpu.memref_slice %arg9[%add3A_15, %dma_start3A_119] : memref<10240x128xf32, #tpu.memory_space<vmem_shared>> -> memref<128x128xf32, #tpu.memory_space<vmem_shared>>
      %dma_start3A_121 = arith.constant 0 : i32
      %dma_start3A_122 = arith.constant 0 : i32
      %dma_start3A_123 = tpu.memref_slice %arg8[%run_scoped3A_16, %dma_start3A_121, %dma_start3A_122] : memref<2x128x128xf32, #tpu.memory_space<vmem>> -> memref<1x128x128xf32, #tpu.memory_space<vmem>>
      %dma_start3A_124 = tpu.memref_squeeze %dma_start3A_123 : memref<1x128x128xf32, #tpu.memory_space<vmem>> -> memref<128x128xf32, #tpu.memory_space<vmem>>
      tpu.enqueue_dma source(%dma_start3A_124 : memref<128x128xf32, #tpu.memory_space<vmem>>) target(%dma_start3A_120 : memref<128x128xf32, #tpu.memory_space<vmem_shared>>) target_semaphore(%run_scoped3A_112 : memref<!tpu.dma_semaphore, #tpu.memory_space<semaphore_mem>>)
      %dma_wait3A = arith.constant 0 : i32
      %dma_wait3A_125 = arith.constant 0 : i32
      %dma_wait3A_126 = tpu.memref_slice %arg8[%run_scoped3A_16, %dma_wait3A, %dma_wait3A_125] : memref<2x128x128xf32, #tpu.memory_space<vmem>> -> memref<1x128x128xf32, #tpu.memory_space<vmem>>
      %dma_wait3A_127 = tpu.memref_squeeze %dma_wait3A_126 : memref<1x128x128xf32, #tpu.memory_space<vmem>> -> memref<128x128xf32, #tpu.memory_space<vmem>>
      %dma_wait3A_128 = arith.constant 0 : i32
      %dma_wait3A_129 = tpu.memref_slice %arg9[%add3A_15, %dma_wait3A_128] : memref<10240x128xf32, #tpu.memory_space<vmem_shared>> -> memref<128x128xf32, #tpu.memory_space<vmem_shared>>
      %dma_wait3A_130 = arith.constant 0 : i32
      %dma_wait3A_131 = tpu.memref_slice %arg9[%add3A_15, %dma_wait3A_130] : memref<10240x128xf32, #tpu.memory_space<vmem_shared>> -> memref<128x128xf32, #tpu.memory_space<vmem_shared>>
      %dma_wait3A_132 = arith.constant 0 : i32
      %dma_wait3A_133 = arith.constant 0 : i32
      %dma_wait3A_134 = tpu.memref_slice %arg8[%run_scoped3A_16, %dma_wait3A_132, %dma_wait3A_133] : memref<2x128x128xf32, #tpu.memory_space<vmem>> -> memref<1x128x128xf32, #tpu.memory_space<vmem>>
      %dma_wait3A_135 = tpu.memref_squeeze %dma_wait3A_134 : memref<1x128x128xf32, #tpu.memory_space<vmem>> -> memref<128x128xf32, #tpu.memory_space<vmem>>
      tpu.wait_dma2 semaphore(%run_scoped3A_112 : memref<!tpu.dma_semaphore, #tpu.memory_space<semaphore_mem>>) src(%dma_wait3A_135 : memref<128x128xf32, #tpu.memory_space<vmem>>) dst(%dma_wait3A_131 : memref<128x128xf32, #tpu.memory_space<vmem_shared>>)
      tpu.yield
    }) : () -> ()
    %mul3A_17 = arith.constant 640 : i32
    %mul3A_18 = arith.muli %arg1, %mul3A_17 : i32
    %add3A_19 = arith.constant 256 : i32
    %add3A_20 = arith.addi %mul3A_18, %add3A_19 : i32
    %run_scoped3A_21 = arith.constant 0 : i32
    "tpu.region"() ({
      %run_scoped3A_112 = tpu.sem_alloc : memref<!tpu.dma_semaphore, #tpu.memory_space<semaphore_mem>>
      %dma_start3A_113 = arith.constant 0 : i32
      %dma_start3A_114 = arith.constant 0 : i32
      %dma_start3A_115 = tpu.memref_slice %arg8[%run_scoped3A_21, %dma_start3A_113, %dma_start3A_114] : memref<2x128x128xf32, #tpu.memory_space<vmem>> -> memref<1x128x128xf32, #tpu.memory_space<vmem>>
      %dma_start3A_116 = tpu.memref_squeeze %dma_start3A_115 : memref<1x128x128xf32, #tpu.memory_space<vmem>> -> memref<128x128xf32, #tpu.memory_space<vmem>>
      %dma_start3A_117 = arith.constant 0 : i32
      %dma_start3A_118 = tpu.memref_slice %arg9[%add3A_20, %dma_start3A_117] : memref<10240x128xf32, #tpu.memory_space<vmem_shared>> -> memref<128x128xf32, #tpu.memory_space<vmem_shared>>
      %dma_start3A_119 = arith.constant 0 : i32
      %dma_start3A_120 = tpu.memref_slice %arg9[%add3A_20, %dma_start3A_119] : memref<10240x128xf32, #tpu.memory_space<vmem_shared>> -> memref<128x128xf32, #tpu.memory_space<vmem_shared>>
      %dma_start3A_121 = arith.constant 0 : i32
      %dma_start3A_122 = arith.constant 0 : i32
      %dma_start3A_123 = tpu.memref_slice %arg8[%run_scoped3A_21, %dma_start3A_121, %dma_start3A_122] : memref<2x128x128xf32, #tpu.memory_space<vmem>> -> memref<1x128x128xf32, #tpu.memory_space<vmem>>
      %dma_start3A_124 = tpu.memref_squeeze %dma_start3A_123 : memref<1x128x128xf32, #tpu.memory_space<vmem>> -> memref<128x128xf32, #tpu.memory_space<vmem>>
      tpu.enqueue_dma source(%dma_start3A_124 : memref<128x128xf32, #tpu.memory_space<vmem>>) target(%dma_start3A_120 : memref<128x128xf32, #tpu.memory_space<vmem_shared>>) target_semaphore(%run_scoped3A_112 : memref<!tpu.dma_semaphore, #tpu.memory_space<semaphore_mem>>)
      %dma_wait3A = arith.constant 0 : i32
      %dma_wait3A_125 = arith.constant 0 : i32
      %dma_wait3A_126 = tpu.memref_slice %arg8[%run_scoped3A_21, %dma_wait3A, %dma_wait3A_125] : memref<2x128x128xf32, #tpu.memory_space<vmem>> -> memref<1x128x128xf32, #tpu.memory_space<vmem>>
      %dma_wait3A_127 = tpu.memref_squeeze %dma_wait3A_126 : memref<1x128x128xf32, #tpu.memory_space<vmem>> -> memref<128x128xf32, #tpu.memory_space<vmem>>
      %dma_wait3A_128 = arith.constant 0 : i32
      %dma_wait3A_129 = tpu.memref_slice %arg9[%add3A_20, %dma_wait3A_128] : memref<10240x128xf32, #tpu.memory_space<vmem_shared>> -> memref<128x128xf32, #tpu.memory_space<vmem_shared>>
      %dma_wait3A_130 = arith.constant 0 : i32
      %dma_wait3A_131 = tpu.memref_slice %arg9[%add3A_20, %dma_wait3A_130] : memref<10240x128xf32, #tpu.memory_space<vmem_shared>> -> memref<128x128xf32, #tpu.memory_space<vmem_shared>>
      %dma_wait3A_132 = arith.constant 0 : i32
      %dma_wait3A_133 = arith.constant 0 : i32
      %dma_wait3A_134 = tpu.memref_slice %arg8[%run_scoped3A_21, %dma_wait3A_132, %dma_wait3A_133] : memref<2x128x128xf32, #tpu.memory_space<vmem>> -> memref<1x128x128xf32, #tpu.memory_space<vmem>>
      %dma_wait3A_135 = tpu.memref_squeeze %dma_wait3A_134 : memref<1x128x128xf32, #tpu.memory_space<vmem>> -> memref<128x128xf32, #tpu.memory_space<vmem>>
      tpu.wait_dma2 semaphore(%run_scoped3A_112 : memref<!tpu.dma_semaphore, #tpu.memory_space<semaphore_mem>>) src(%dma_wait3A_135 : memref<128x128xf32, #tpu.memory_space<vmem>>) dst(%dma_wait3A_131 : memref<128x128xf32, #tpu.memory_space<vmem_shared>>)
      tpu.yield
    }) : () -> ()
    %mul3A_22 = arith.constant 640 : i32
    %mul3A_23 = arith.muli %arg1, %mul3A_22 : i32
    %add3A_24 = arith.constant 384 : i32
    %add3A_25 = arith.addi %mul3A_23, %add3A_24 : i32
    %run_scoped3A_26 = arith.constant 0 : i32
    "tpu.region"() ({
      %run_scoped3A_112 = tpu.sem_alloc : memref<!tpu.dma_semaphore, #tpu.memory_space<semaphore_mem>>
      %dma_start3A_113 = arith.constant 0 : i32
      %dma_start3A_114 = arith.constant 0 : i32
      %dma_start3A_115 = tpu.memref_slice %arg8[%run_scoped3A_26, %dma_start3A_113, %dma_start3A_114] : memref<2x128x128xf32, #tpu.memory_space<vmem>> -> memref<1x128x128xf32, #tpu.memory_space<vmem>>
      %dma_start3A_116 = tpu.memref_squeeze %dma_start3A_115 : memref<1x128x128xf32, #tpu.memory_space<vmem>> -> memref<128x128xf32, #tpu.memory_space<vmem>>
      %dma_start3A_117 = arith.constant 0 : i32
      %dma_start3A_118 = tpu.memref_slice %arg9[%add3A_25, %dma_start3A_117] : memref<10240x128xf32, #tpu.memory_space<vmem_shared>> -> memref<128x128xf32, #tpu.memory_space<vmem_shared>>
      %dma_start3A_119 = arith.constant 0 : i32
      %dma_start3A_120 = tpu.memref_slice %arg9[%add3A_25, %dma_start3A_119] : memref<10240x128xf32, #tpu.memory_space<vmem_shared>> -> memref<128x128xf32, #tpu.memory_space<vmem_shared>>
      %dma_start3A_121 = arith.constant 0 : i32
      %dma_start3A_122 = arith.constant 0 : i32
      %dma_start3A_123 = tpu.memref_slice %arg8[%run_scoped3A_26, %dma_start3A_121, %dma_start3A_122] : memref<2x128x128xf32, #tpu.memory_space<vmem>> -> memref<1x128x128xf32, #tpu.memory_space<vmem>>
      %dma_start3A_124 = tpu.memref_squeeze %dma_start3A_123 : memref<1x128x128xf32, #tpu.memory_space<vmem>> -> memref<128x128xf32, #tpu.memory_space<vmem>>
      tpu.enqueue_dma source(%dma_start3A_124 : memref<128x128xf32, #tpu.memory_space<vmem>>) target(%dma_start3A_120 : memref<128x128xf32, #tpu.memory_space<vmem_shared>>) target_semaphore(%run_scoped3A_112 : memref<!tpu.dma_semaphore, #tpu.memory_space<semaphore_mem>>)
      %dma_wait3A = arith.constant 0 : i32
      %dma_wait3A_125 = arith.constant 0 : i32
      %dma_wait3A_126 = tpu.memref_slice %arg8[%run_scoped3A_26, %dma_wait3A, %dma_wait3A_125] : memref<2x128x128xf32, #tpu.memory_space<vmem>> -> memref<1x128x128xf32, #tpu.memory_space<vmem>>
      %dma_wait3A_127 = tpu.memref_squeeze %dma_wait3A_126 : memref<1x128x128xf32, #tpu.memory_space<vmem>> -> memref<128x128xf32, #tpu.memory_space<vmem>>
      %dma_wait3A_128 = arith.constant 0 : i32
      %dma_wait3A_129 = tpu.memref_slice %arg9[%add3A_25, %dma_wait3A_128] : memref<10240x128xf32, #tpu.memory_space<vmem_shared>> -> memref<128x128xf32, #tpu.memory_space<vmem_shared>>
      %dma_wait3A_130 = arith.constant 0 : i32
      %dma_wait3A_131 = tpu.memref_slice %arg9[%add3A_25, %dma_wait3A_130] : memref<10240x128xf32, #tpu.memory_space<vmem_shared>> -> memref<128x128xf32, #tpu.memory_space<vmem_shared>>
      %dma_wait3A_132 = arith.constant 0 : i32
      %dma_wait3A_133 = arith.constant 0 : i32
      %dma_wait3A_134 = tpu.memref_slice %arg8[%run_scoped3A_26, %dma_wait3A_132, %dma_wait3A_133] : memref<2x128x128xf32, #tpu.memory_space<vmem>> -> memref<1x128x128xf32, #tpu.memory_space<vmem>>
      %dma_wait3A_135 = tpu.memref_squeeze %dma_wait3A_134 : memref<1x128x128xf32, #tpu.memory_space<vmem>> -> memref<128x128xf32, #tpu.memory_space<vmem>>
      tpu.wait_dma2 semaphore(%run_scoped3A_112 : memref<!tpu.dma_semaphore, #tpu.memory_space<semaphore_mem>>) src(%dma_wait3A_135 : memref<128x128xf32, #tpu.memory_space<vmem>>) dst(%dma_wait3A_131 : memref<128x128xf32, #tpu.memory_space<vmem_shared>>)
      tpu.yield
    }) : () -> ()
    %mul3A_27 = arith.constant 640 : i32
    %mul3A_28 = arith.muli %arg1, %mul3A_27 : i32
    %add3A_29 = arith.constant 512 : i32
    %add3A_30 = arith.addi %mul3A_28, %add3A_29 : i32
    %run_scoped3A_31 = arith.constant 0 : i32
    "tpu.region"() ({
      %run_scoped3A_112 = tpu.sem_alloc : memref<!tpu.dma_semaphore, #tpu.memory_space<semaphore_mem>>
      %dma_start3A_113 = arith.constant 0 : i32
      %dma_start3A_114 = arith.constant 0 : i32
      %dma_start3A_115 = tpu.memref_slice %arg8[%run_scoped3A_31, %dma_start3A_113, %dma_start3A_114] : memref<2x128x128xf32, #tpu.memory_space<vmem>> -> memref<1x128x128xf32, #tpu.memory_space<vmem>>
      %dma_start3A_116 = tpu.memref_squeeze %dma_start3A_115 : memref<1x128x128xf32, #tpu.memory_space<vmem>> -> memref<128x128xf32, #tpu.memory_space<vmem>>
      %dma_start3A_117 = arith.constant 0 : i32
      %dma_start3A_118 = tpu.memref_slice %arg9[%add3A_30, %dma_start3A_117] : memref<10240x128xf32, #tpu.memory_space<vmem_shared>> -> memref<128x128xf32, #tpu.memory_space<vmem_shared>>
      %dma_start3A_119 = arith.constant 0 : i32
      %dma_start3A_120 = tpu.memref_slice %arg9[%add3A_30, %dma_start3A_119] : memref<10240x128xf32, #tpu.memory_space<vmem_shared>> -> memref<128x128xf32, #tpu.memory_space<vmem_shared>>
      %dma_start3A_121 = arith.constant 0 : i32
      %dma_start3A_122 = arith.constant 0 : i32
      %dma_start3A_123 = tpu.memref_slice %arg8[%run_scoped3A_31, %dma_start3A_121, %dma_start3A_122] : memref<2x128x128xf32, #tpu.memory_space<vmem>> -> memref<1x128x128xf32, #tpu.memory_space<vmem>>
      %dma_start3A_124 = tpu.memref_squeeze %dma_start3A_123 : memref<1x128x128xf32, #tpu.memory_space<vmem>> -> memref<128x128xf32, #tpu.memory_space<vmem>>
      tpu.enqueue_dma source(%dma_start3A_124 : memref<128x128xf32, #tpu.memory_space<vmem>>) target(%dma_start3A_120 : memref<128x128xf32, #tpu.memory_space<vmem_shared>>) target_semaphore(%run_scoped3A_112 : memref<!tpu.dma_semaphore, #tpu.memory_space<semaphore_mem>>)
      %dma_wait3A = arith.constant 0 : i32
      %dma_wait3A_125 = arith.constant 0 : i32
      %dma_wait3A_126 = tpu.memref_slice %arg8[%run_scoped3A_31, %dma_wait3A, %dma_wait3A_125] : memref<2x128x128xf32, #tpu.memory_space<vmem>> -> memref<1x128x128xf32, #tpu.memory_space<vmem>>
      %dma_wait3A_127 = tpu.memref_squeeze %dma_wait3A_126 : memref<1x128x128xf32, #tpu.memory_space<vmem>> -> memref<128x128xf32, #tpu.memory_space<vmem>>
      %dma_wait3A_128 = arith.constant 0 : i32
      %dma_wait3A_129 = tpu.memref_slice %arg9[%add3A_30, %dma_wait3A_128] : memref<10240x128xf32, #tpu.memory_space<vmem_shared>> -> memref<128x128xf32, #tpu.memory_space<vmem_shared>>
      %dma_wait3A_130 = arith.constant 0 : i32
      %dma_wait3A_131 = tpu.memref_slice %arg9[%add3A_30, %dma_wait3A_130] : memref<10240x128xf32, #tpu.memory_space<vmem_shared>> -> memref<128x128xf32, #tpu.memory_space<vmem_shared>>
      %dma_wait3A_132 = arith.constant 0 : i32
      %dma_wait3A_133 = arith.constant 0 : i32
      %dma_wait3A_134 = tpu.memref_slice %arg8[%run_scoped3A_31, %dma_wait3A_132, %dma_wait3A_133] : memref<2x128x128xf32, #tpu.memory_space<vmem>> -> memref<1x128x128xf32, #tpu.memory_space<vmem>>
      %dma_wait3A_135 = tpu.memref_squeeze %dma_wait3A_134 : memref<1x128x128xf32, #tpu.memory_space<vmem>> -> memref<128x128xf32, #tpu.memory_space<vmem>>
      tpu.wait_dma2 semaphore(%run_scoped3A_112 : memref<!tpu.dma_semaphore, #tpu.memory_space<semaphore_mem>>) src(%dma_wait3A_135 : memref<128x128xf32, #tpu.memory_space<vmem>>) dst(%dma_wait3A_131 : memref<128x128xf32, #tpu.memory_space<vmem_shared>>)
      tpu.yield
    }) : () -> ()
    %barrier3A = arith.constant 0 : index
    tpu.barrier barrier_id(%barrier3A)
    %lt3A = arith.constant 31 : i32
    %lt3A_32 = arith.cmpi slt, %add3A, %lt3A : i32
    %convert_element_type3A = arith.extui %lt3A_32 : i1 to i32
    %cond3A = arith.constant 0 : i32
    %cond3A_33 = arith.cmpi ne, %convert_element_type3A, %cond3A : i32
    scf.if %cond3A_33 {
      %mul3A_112 = arith.constant 80 : i32
      %mul3A_113 = arith.muli %add3A, %mul3A_112 : i32
      %add3A_114 = arith.constant 0 : i32
      %add3A_115 = arith.addi %mul3A_113, %add3A_114 : i32
      %run_scoped3A_116 = arith.constant 0 : i32
      "tpu.region"() ({
        %run_scoped3A_122 = tpu.sem_alloc : memref<!tpu.dma_semaphore, #tpu.memory_space<semaphore_mem>>
        %dma_start3A_123 = arith.constant 0 : i32
        %dma_start3A_124 = tpu.memref_slice %arg3[%run_scoped3A_116, %add3A_115, %dma_start3A_123] : memref<2x2500x128xi32, #tpu.memory_space<hbm>> -> memref<1x40x128xi32, #tpu.memory_space<hbm>>
        %dma_start3A_125 = tpu.memref_squeeze %dma_start3A_124 : memref<1x40x128xi32, #tpu.memory_space<hbm>> -> memref<40x128xi32, #tpu.memory_space<hbm>>
        %dma_start3A_126 = arith.constant 0 : i32
        %dma_start3A_127 = tpu.memref_slice %arg3[%run_scoped3A_116, %add3A_115, %dma_start3A_126] : memref<2x2500x128xi32, #tpu.memory_space<hbm>> -> memref<1x40x128xi32, #tpu.memory_space<hbm>>
        %dma_start3A_128 = tpu.memref_squeeze %dma_start3A_127 : memref<1x40x128xi32, #tpu.memory_space<hbm>> -> memref<40x128xi32, #tpu.memory_space<hbm>>
        tpu.enqueue_dma source(%dma_start3A_128 : memref<40x128xi32, #tpu.memory_space<hbm>>) target(%arg6 : memref<40x128xi32, #tpu.memory_space<vmem>>) target_semaphore(%run_scoped3A_122 : memref<!tpu.dma_semaphore, #tpu.memory_space<semaphore_mem>>)
        %dma_wait3A = arith.constant 0 : i32
        %dma_wait3A_129 = tpu.memref_slice %arg3[%run_scoped3A_116, %add3A_115, %dma_wait3A] : memref<2x2500x128xi32, #tpu.memory_space<hbm>> -> memref<1x40x128xi32, #tpu.memory_space<hbm>>
        %dma_wait3A_130 = tpu.memref_squeeze %dma_wait3A_129 : memref<1x40x128xi32, #tpu.memory_space<hbm>> -> memref<40x128xi32, #tpu.memory_space<hbm>>
        %dma_wait3A_131 = arith.constant 0 : i32
        %dma_wait3A_132 = tpu.memref_slice %arg3[%run_scoped3A_116, %add3A_115, %dma_wait3A_131] : memref<2x2500x128xi32, #tpu.memory_space<hbm>> -> memref<1x40x128xi32, #tpu.memory_space<hbm>>
        %dma_wait3A_133 = tpu.memref_squeeze %dma_wait3A_132 : memref<1x40x128xi32, #tpu.memory_space<hbm>> -> memref<40x128xi32, #tpu.memory_space<hbm>>
        tpu.wait_dma2 semaphore(%run_scoped3A_122 : memref<!tpu.dma_semaphore, #tpu.memory_space<semaphore_mem>>) src(%dma_wait3A_133 : memref<40x128xi32, #tpu.memory_space<hbm>>) dst(%arg6 : memref<40x128xi32, #tpu.memory_space<vmem>>)
        tpu.yield
      }) : () -> ()
      %mul3A_117 = arith.constant 80 : i32
      %mul3A_118 = arith.muli %add3A, %mul3A_117 : i32
      %add3A_119 = arith.constant 0 : i32
      %add3A_120 = arith.addi %mul3A_118, %add3A_119 : i32
      %run_scoped3A_121 = arith.constant 1 : i32
      "tpu.region"() ({
        %run_scoped3A_122 = tpu.sem_alloc : memref<!tpu.dma_semaphore, #tpu.memory_space<semaphore_mem>>
        %dma_start3A_123 = arith.constant 0 : i32
        %dma_start3A_124 = tpu.memref_slice %arg3[%run_scoped3A_121, %add3A_120, %dma_start3A_123] : memref<2x2500x128xi32, #tpu.memory_space<hbm>> -> memref<1x40x128xi32, #tpu.memory_space<hbm>>
        %dma_start3A_125 = tpu.memref_squeeze %dma_start3A_124 : memref<1x40x128xi32, #tpu.memory_space<hbm>> -> memref<40x128xi32, #tpu.memory_space<hbm>>
        %dma_start3A_126 = arith.constant 0 : i32
        %dma_start3A_127 = tpu.memref_slice %arg3[%run_scoped3A_121, %add3A_120, %dma_start3A_126] : memref<2x2500x128xi32, #tpu.memory_space<hbm>> -> memref<1x40x128xi32, #tpu.memory_space<hbm>>
        %dma_start3A_128 = tpu.memref_squeeze %dma_start3A_127 : memref<1x40x128xi32, #tpu.memory_space<hbm>> -> memref<40x128xi32, #tpu.memory_space<hbm>>
        tpu.enqueue_dma source(%dma_start3A_128 : memref<40x128xi32, #tpu.memory_space<hbm>>) target(%arg7 : memref<40x128xi32, #tpu.memory_space<vmem>>) target_semaphore(%run_scoped3A_122 : memref<!tpu.dma_semaphore, #tpu.memory_space<semaphore_mem>>)
        %dma_wait3A = arith.constant 0 : i32
        %dma_wait3A_129 = tpu.memref_slice %arg3[%run_scoped3A_121, %add3A_120, %dma_wait3A] : memref<2x2500x128xi32, #tpu.memory_space<hbm>> -> memref<1x40x128xi32, #tpu.memory_space<hbm>>
        %dma_wait3A_130 = tpu.memref_squeeze %dma_wait3A_129 : memref<1x40x128xi32, #tpu.memory_space<hbm>> -> memref<40x128xi32, #tpu.memory_space<hbm>>
        %dma_wait3A_131 = arith.constant 0 : i32
        %dma_wait3A_132 = tpu.memref_slice %arg3[%run_scoped3A_121, %add3A_120, %dma_wait3A_131] : memref<2x2500x128xi32, #tpu.memory_space<hbm>> -> memref<1x40x128xi32, #tpu.memory_space<hbm>>
        %dma_wait3A_133 = tpu.memref_squeeze %dma_wait3A_132 : memref<1x40x128xi32, #tpu.memory_space<hbm>> -> memref<40x128xi32, #tpu.memory_space<hbm>>
        tpu.wait_dma2 semaphore(%run_scoped3A_122 : memref<!tpu.dma_semaphore, #tpu.memory_space<semaphore_mem>>) src(%dma_wait3A_133 : memref<40x128xi32, #tpu.memory_space<hbm>>) dst(%arg7 : memref<40x128xi32, #tpu.memory_space<vmem>>)
        tpu.yield
      }) : () -> ()
    } else {
    }
    %eq3A = arith.constant 31 : i32
    %eq3A_34 = arith.cmpi eq, %add3A, %eq3A : i32
    %convert_element_type3A_35 = arith.extui %eq3A_34 : i1 to i32
    %cond3A_36 = arith.constant 0 : i32
    %cond3A_37 = arith.cmpi ne, %convert_element_type3A_35, %cond3A_36 : i32
    scf.if %cond3A_37 {
      %run_scoped3A_112 = arith.constant 0 : i32
      "tpu.region"() ({
        %run_scoped3A_116 = tpu.sem_alloc : memref<!tpu.dma_semaphore, #tpu.memory_space<semaphore_mem>>
        %dma_start3A_117 = arith.constant 0 : i32
        %dma_start3A_118 = arith.constant 0 : i32
        %dma_start3A_119 = tpu.memref_slice %arg6[%dma_start3A_117, %dma_start3A_118] : memref<40x128xi32, #tpu.memory_space<vmem>> -> memref<20x128xi32, #tpu.memory_space<vmem>>
        %dma_start3A_120 = arith.constant 2480 : i32
        %dma_start3A_121 = arith.constant 0 : i32
        %dma_start3A_122 = tpu.memref_slice %arg3[%run_scoped3A_112, %dma_start3A_120, %dma_start3A_121] : memref<2x2500x128xi32, #tpu.memory_space<hbm>> -> memref<1x20x128xi32, #tpu.memory_space<hbm>>
        %dma_start3A_123 = tpu.memref_squeeze %dma_start3A_122 : memref<1x20x128xi32, #tpu.memory_space<hbm>> -> memref<20x128xi32, #tpu.memory_space<hbm>>
        %dma_start3A_124 = arith.constant 0 : i32
        %dma_start3A_125 = arith.constant 0 : i32
        %dma_start3A_126 = tpu.memref_slice %arg6[%dma_start3A_124, %dma_start3A_125] : memref<40x128xi32, #tpu.memory_space<vmem>> -> memref<20x128xi32, #tpu.memory_space<vmem>>
        %dma_start3A_127 = arith.constant 2480 : i32
        %dma_start3A_128 = arith.constant 0 : i32
        %dma_start3A_129 = tpu.memref_slice %arg3[%run_scoped3A_112, %dma_start3A_127, %dma_start3A_128] : memref<2x2500x128xi32, #tpu.memory_space<hbm>> -> memref<1x20x128xi32, #tpu.memory_space<hbm>>
        %dma_start3A_130 = tpu.memref_squeeze %dma_start3A_129 : memref<1x20x128xi32, #tpu.memory_space<hbm>> -> memref<20x128xi32, #tpu.memory_space<hbm>>
        tpu.enqueue_dma source(%dma_start3A_130 : memref<20x128xi32, #tpu.memory_space<hbm>>) target(%dma_start3A_126 : memref<20x128xi32, #tpu.memory_space<vmem>>) target_semaphore(%run_scoped3A_116 : memref<!tpu.dma_semaphore, #tpu.memory_space<semaphore_mem>>)
        %dma_wait3A = arith.constant 0 : i32
        %dma_wait3A_131 = arith.constant 0 : i32
        %dma_wait3A_132 = tpu.memref_slice %arg6[%dma_wait3A, %dma_wait3A_131] : memref<40x128xi32, #tpu.memory_space<vmem>> -> memref<20x128xi32, #tpu.memory_space<vmem>>
        %dma_wait3A_133 = arith.constant 2480 : i32
        %dma_wait3A_134 = arith.constant 0 : i32
        %dma_wait3A_135 = tpu.memref_slice %arg3[%run_scoped3A_112, %dma_wait3A_133, %dma_wait3A_134] : memref<2x2500x128xi32, #tpu.memory_space<hbm>> -> memref<1x20x128xi32, #tpu.memory_space<hbm>>
        %dma_wait3A_136 = tpu.memref_squeeze %dma_wait3A_135 : memref<1x20x128xi32, #tpu.memory_space<hbm>> -> memref<20x128xi32, #tpu.memory_space<hbm>>
        %dma_wait3A_137 = arith.constant 0 : i32
        %dma_wait3A_138 = arith.constant 0 : i32
        %dma_wait3A_139 = tpu.memref_slice %arg6[%dma_wait3A_137, %dma_wait3A_138] : memref<40x128xi32, #tpu.memory_space<vmem>> -> memref<20x128xi32, #tpu.memory_space<vmem>>
        %dma_wait3A_140 = arith.constant 2480 : i32
        %dma_wait3A_141 = arith.constant 0 : i32
        %dma_wait3A_142 = tpu.memref_slice %arg3[%run_scoped3A_112, %dma_wait3A_140, %dma_wait3A_141] : memref<2x2500x128xi32, #tpu.memory_space<hbm>> -> memref<1x20x128xi32, #tpu.memory_space<hbm>>
        %dma_wait3A_143 = tpu.memref_squeeze %dma_wait3A_142 : memref<1x20x128xi32, #tpu.memory_space<hbm>> -> memref<20x128xi32, #tpu.memory_space<hbm>>
        tpu.wait_dma2 semaphore(%run_scoped3A_116 : memref<!tpu.dma_semaphore, #tpu.memory_space<semaphore_mem>>) src(%dma_wait3A_143 : memref<20x128xi32, #tpu.memory_space<hbm>>) dst(%dma_wait3A_139 : memref<20x128xi32, #tpu.memory_space<vmem>>)
        tpu.yield
      }) : () -> ()
      %run_scoped3A_113 = arith.constant 0 : i32
      "tpu.region"() ({
        %run_scoped3A_116 = tpu.sem_alloc : memref<!tpu.dma_semaphore, #tpu.memory_space<semaphore_mem>>
        %dma_start3A_117 = arith.constant 20 : i32
        %dma_start3A_118 = arith.constant 0 : i32
        %dma_start3A_119 = tpu.memref_slice %arg6[%dma_start3A_117, %dma_start3A_118] : memref<40x128xi32, #tpu.memory_space<vmem>> -> memref<20x128xi32, #tpu.memory_space<vmem>>
        %dma_start3A_120 = arith.constant 0 : i32
        %dma_start3A_121 = arith.constant 0 : i32
        %dma_start3A_122 = tpu.memref_slice %arg4[%run_scoped3A_113, %dma_start3A_120, %dma_start3A_121] : memref<2x60x128xi32, #tpu.memory_space<hbm>> -> memref<1x20x128xi32, #tpu.memory_space<hbm>>
        %dma_start3A_123 = tpu.memref_squeeze %dma_start3A_122 : memref<1x20x128xi32, #tpu.memory_space<hbm>> -> memref<20x128xi32, #tpu.memory_space<hbm>>
        %dma_start3A_124 = arith.constant 20 : i32
        %dma_start3A_125 = arith.constant 0 : i32
        %dma_start3A_126 = tpu.memref_slice %arg6[%dma_start3A_124, %dma_start3A_125] : memref<40x128xi32, #tpu.memory_space<vmem>> -> memref<20x128xi32, #tpu.memory_space<vmem>>
        %dma_start3A_127 = arith.constant 0 : i32
        %dma_start3A_128 = arith.constant 0 : i32
        %dma_start3A_129 = tpu.memref_slice %arg4[%run_scoped3A_113, %dma_start3A_127, %dma_start3A_128] : memref<2x60x128xi32, #tpu.memory_space<hbm>> -> memref<1x20x128xi32, #tpu.memory_space<hbm>>
        %dma_start3A_130 = tpu.memref_squeeze %dma_start3A_129 : memref<1x20x128xi32, #tpu.memory_space<hbm>> -> memref<20x128xi32, #tpu.memory_space<hbm>>
        tpu.enqueue_dma source(%dma_start3A_130 : memref<20x128xi32, #tpu.memory_space<hbm>>) target(%dma_start3A_126 : memref<20x128xi32, #tpu.memory_space<vmem>>) target_semaphore(%run_scoped3A_116 : memref<!tpu.dma_semaphore, #tpu.memory_space<semaphore_mem>>)
        %dma_wait3A = arith.constant 20 : i32
        %dma_wait3A_131 = arith.constant 0 : i32
        %dma_wait3A_132 = tpu.memref_slice %arg6[%dma_wait3A, %dma_wait3A_131] : memref<40x128xi32, #tpu.memory_space<vmem>> -> memref<20x128xi32, #tpu.memory_space<vmem>>
        %dma_wait3A_133 = arith.constant 0 : i32
        %dma_wait3A_134 = arith.constant 0 : i32
        %dma_wait3A_135 = tpu.memref_slice %arg4[%run_scoped3A_113, %dma_wait3A_133, %dma_wait3A_134] : memref<2x60x128xi32, #tpu.memory_space<hbm>> -> memref<1x20x128xi32, #tpu.memory_space<hbm>>
        %dma_wait3A_136 = tpu.memref_squeeze %dma_wait3A_135 : memref<1x20x128xi32, #tpu.memory_space<hbm>> -> memref<20x128xi32, #tpu.memory_space<hbm>>
        %dma_wait3A_137 = arith.constant 20 : i32
        %dma_wait3A_138 = arith.constant 0 : i32
        %dma_wait3A_139 = tpu.memref_slice %arg6[%dma_wait3A_137, %dma_wait3A_138] : memref<40x128xi32, #tpu.memory_space<vmem>> -> memref<20x128xi32, #tpu.memory_space<vmem>>
        %dma_wait3A_140 = arith.constant 0 : i32
        %dma_wait3A_141 = arith.constant 0 : i32
        %dma_wait3A_142 = tpu.memref_slice %arg4[%run_scoped3A_113, %dma_wait3A_140, %dma_wait3A_141] : memref<2x60x128xi32, #tpu.memory_space<hbm>> -> memref<1x20x128xi32, #tpu.memory_space<hbm>>
        %dma_wait3A_143 = tpu.memref_squeeze %dma_wait3A_142 : memref<1x20x128xi32, #tpu.memory_space<hbm>> -> memref<20x128xi32, #tpu.memory_space<hbm>>
        tpu.wait_dma2 semaphore(%run_scoped3A_116 : memref<!tpu.dma_semaphore, #tpu.memory_space<semaphore_mem>>) src(%dma_wait3A_143 : memref<20x128xi32, #tpu.memory_space<hbm>>) dst(%dma_wait3A_139 : memref<20x128xi32, #tpu.memory_space<vmem>>)
        tpu.yield
      }) : () -> ()
      %run_scoped3A_114 = arith.constant 1 : i32
      "tpu.region"() ({
        %run_scoped3A_116 = tpu.sem_alloc : memref<!tpu.dma_semaphore, #tpu.memory_space<semaphore_mem>>
        %dma_start3A_117 = arith.constant 0 : i32
        %dma_start3A_118 = arith.constant 0 : i32
        %dma_start3A_119 = tpu.memref_slice %arg7[%dma_start3A_117, %dma_start3A_118] : memref<40x128xi32, #tpu.memory_space<vmem>> -> memref<20x128xi32, #tpu.memory_space<vmem>>
        %dma_start3A_120 = arith.constant 2480 : i32
        %dma_start3A_121 = arith.constant 0 : i32
        %dma_start3A_122 = tpu.memref_slice %arg3[%run_scoped3A_114, %dma_start3A_120, %dma_start3A_121] : memref<2x2500x128xi32, #tpu.memory_space<hbm>> -> memref<1x20x128xi32, #tpu.memory_space<hbm>>
        %dma_start3A_123 = tpu.memref_squeeze %dma_start3A_122 : memref<1x20x128xi32, #tpu.memory_space<hbm>> -> memref<20x128xi32, #tpu.memory_space<hbm>>
        %dma_start3A_124 = arith.constant 0 : i32
        %dma_start3A_125 = arith.constant 0 : i32
        %dma_start3A_126 = tpu.memref_slice %arg7[%dma_start3A_124, %dma_start3A_125] : memref<40x128xi32, #tpu.memory_space<vmem>> -> memref<20x128xi32, #tpu.memory_space<vmem>>
        %dma_start3A_127 = arith.constant 2480 : i32
        %dma_start3A_128 = arith.constant 0 : i32
        %dma_start3A_129 = tpu.memref_slice %arg3[%run_scoped3A_114, %dma_start3A_127, %dma_start3A_128] : memref<2x2500x128xi32, #tpu.memory_space<hbm>> -> memref<1x20x128xi32, #tpu.memory_space<hbm>>
        %dma_start3A_130 = tpu.memref_squeeze %dma_start3A_129 : memref<1x20x128xi32, #tpu.memory_space<hbm>> -> memref<20x128xi32, #tpu.memory_space<hbm>>
        tpu.enqueue_dma source(%dma_start3A_130 : memref<20x128xi32, #tpu.memory_space<hbm>>) target(%dma_start3A_126 : memref<20x128xi32, #tpu.memory_space<vmem>>) target_semaphore(%run_scoped3A_116 : memref<!tpu.dma_semaphore, #tpu.memory_space<semaphore_mem>>)
        %dma_wait3A = arith.constant 0 : i32
        %dma_wait3A_131 = arith.constant 0 : i32
        %dma_wait3A_132 = tpu.memref_slice %arg7[%dma_wait3A, %dma_wait3A_131] : memref<40x128xi32, #tpu.memory_space<vmem>> -> memref<20x128xi32, #tpu.memory_space<vmem>>
        %dma_wait3A_133 = arith.constant 2480 : i32
        %dma_wait3A_134 = arith.constant 0 : i32
        %dma_wait3A_135 = tpu.memref_slice %arg3[%run_scoped3A_114, %dma_wait3A_133, %dma_wait3A_134] : memref<2x2500x128xi32, #tpu.memory_space<hbm>> -> memref<1x20x128xi32, #tpu.memory_space<hbm>>
        %dma_wait3A_136 = tpu.memref_squeeze %dma_wait3A_135 : memref<1x20x128xi32, #tpu.memory_space<hbm>> -> memref<20x128xi32, #tpu.memory_space<hbm>>
        %dma_wait3A_137 = arith.constant 0 : i32
        %dma_wait3A_138 = arith.constant 0 : i32
        %dma_wait3A_139 = tpu.memref_slice %arg7[%dma_wait3A_137, %dma_wait3A_138] : memref<40x128xi32, #tpu.memory_space<vmem>> -> memref<20x128xi32, #tpu.memory_space<vmem>>
        %dma_wait3A_140 = arith.constant 2480 : i32
        %dma_wait3A_141 = arith.constant 0 : i32
        %dma_wait3A_142 = tpu.memref_slice %arg3[%run_scoped3A_114, %dma_wait3A_140, %dma_wait3A_141] : memref<2x2500x128xi32, #tpu.memory_space<hbm>> -> memref<1x20x128xi32, #tpu.memory_space<hbm>>
        %dma_wait3A_143 = tpu.memref_squeeze %dma_wait3A_142 : memref<1x20x128xi32, #tpu.memory_space<hbm>> -> memref<20x128xi32, #tpu.memory_space<hbm>>
        tpu.wait_dma2 semaphore(%run_scoped3A_116 : memref<!tpu.dma_semaphore, #tpu.memory_space<semaphore_mem>>) src(%dma_wait3A_143 : memref<20x128xi32, #tpu.memory_space<hbm>>) dst(%dma_wait3A_139 : memref<20x128xi32, #tpu.memory_space<vmem>>)
        tpu.yield
      }) : () -> ()
      %run_scoped3A_115 = arith.constant 1 : i32
      "tpu.region"() ({
        %run_scoped3A_116 = tpu.sem_alloc : memref<!tpu.dma_semaphore, #tpu.memory_space<semaphore_mem>>
        %dma_start3A_117 = arith.constant 20 : i32
        %dma_start3A_118 = arith.constant 0 : i32
        %dma_start3A_119 = tpu.memref_slice %arg7[%dma_start3A_117, %dma_start3A_118] : memref<40x128xi32, #tpu.memory_space<vmem>> -> memref<20x128xi32, #tpu.memory_space<vmem>>
        %dma_start3A_120 = arith.constant 0 : i32
        %dma_start3A_121 = arith.constant 0 : i32
        %dma_start3A_122 = tpu.memref_slice %arg4[%run_scoped3A_115, %dma_start3A_120, %dma_start3A_121] : memref<2x60x128xi32, #tpu.memory_space<hbm>> -> memref<1x20x128xi32, #tpu.memory_space<hbm>>
        %dma_start3A_123 = tpu.memref_squeeze %dma_start3A_122 : memref<1x20x128xi32, #tpu.memory_space<hbm>> -> memref<20x128xi32, #tpu.memory_space<hbm>>
        %dma_start3A_124 = arith.constant 20 : i32
        %dma_start3A_125 = arith.constant 0 : i32
        %dma_start3A_126 = tpu.memref_slice %arg7[%dma_start3A_124, %dma_start3A_125] : memref<40x128xi32, #tpu.memory_space<vmem>> -> memref<20x128xi32, #tpu.memory_space<vmem>>
        %dma_start3A_127 = arith.constant 0 : i32
        %dma_start3A_128 = arith.constant 0 : i32
        %dma_start3A_129 = tpu.memref_slice %arg4[%run_scoped3A_115, %dma_start3A_127, %dma_start3A_128] : memref<2x60x128xi32, #tpu.memory_space<hbm>> -> memref<1x20x128xi32, #tpu.memory_space<hbm>>
        %dma_start3A_130 = tpu.memref_squeeze %dma_start3A_129 : memref<1x20x128xi32, #tpu.memory_space<hbm>> -> memref<20x128xi32, #tpu.memory_space<hbm>>
        tpu.enqueue_dma source(%dma_start3A_130 : memref<20x128xi32, #tpu.memory_space<hbm>>) target(%dma_start3A_126 : memref<20x128xi32, #tpu.memory_space<vmem>>) target_semaphore(%run_scoped3A_116 : memref<!tpu.dma_semaphore, #tpu.memory_space<semaphore_mem>>)
        %dma_wait3A = arith.constant 20 : i32
        %dma_wait3A_131 = arith.constant 0 : i32
        %dma_wait3A_132 = tpu.memref_slice %arg7[%dma_wait3A, %dma_wait3A_131] : memref<40x128xi32, #tpu.memory_space<vmem>> -> memref<20x128xi32, #tpu.memory_space<vmem>>
        %dma_wait3A_133 = arith.constant 0 : i32
        %dma_wait3A_134 = arith.constant 0 : i32
        %dma_wait3A_135 = tpu.memref_slice %arg4[%run_scoped3A_115, %dma_wait3A_133, %dma_wait3A_134] : memref<2x60x128xi32, #tpu.memory_space<hbm>> -> memref<1x20x128xi32, #tpu.memory_space<hbm>>
        %dma_wait3A_136 = tpu.memref_squeeze %dma_wait3A_135 : memref<1x20x128xi32, #tpu.memory_space<hbm>> -> memref<20x128xi32, #tpu.memory_space<hbm>>
        %dma_wait3A_137 = arith.constant 20 : i32
        %dma_wait3A_138 = arith.constant 0 : i32
        %dma_wait3A_139 = tpu.memref_slice %arg7[%dma_wait3A_137, %dma_wait3A_138] : memref<40x128xi32, #tpu.memory_space<vmem>> -> memref<20x128xi32, #tpu.memory_space<vmem>>
        %dma_wait3A_140 = arith.constant 0 : i32
        %dma_wait3A_141 = arith.constant 0 : i32
        %dma_wait3A_142 = tpu.memref_slice %arg4[%run_scoped3A_115, %dma_wait3A_140, %dma_wait3A_141] : memref<2x60x128xi32, #tpu.memory_space<hbm>> -> memref<1x20x128xi32, #tpu.memory_space<hbm>>
        %dma_wait3A_143 = tpu.memref_squeeze %dma_wait3A_142 : memref<1x20x128xi32, #tpu.memory_space<hbm>> -> memref<20x128xi32, #tpu.memory_space<hbm>>
        tpu.wait_dma2 semaphore(%run_scoped3A_116 : memref<!tpu.dma_semaphore, #tpu.memory_space<semaphore_mem>>) src(%dma_wait3A_143 : memref<20x128xi32, #tpu.memory_space<hbm>>) dst(%dma_wait3A_139 : memref<20x128xi32, #tpu.memory_space<vmem>>)
        tpu.yield
      }) : () -> ()
    } else {
    }
    %dma_start3A = arith.constant 0 : i32
    %dma_start3A_38 = arith.constant 0 : i32
    %dma_start3A_39 = arith.constant 0 : i32
    %dma_start3A_40 = arith.constant 0 : i32
    %dma_start3A_41 = tpu.memref_slice %arg8[%dma_start3A_38, %dma_start3A_39, %dma_start3A_40] : memref<2x128x128xf32, #tpu.memory_space<vmem>> -> memref<1x128x128xf32, #tpu.memory_space<vmem>>
    %dma_start3A_42 = tpu.memref_squeeze %dma_start3A_41 : memref<1x128x128xf32, #tpu.memory_space<vmem>> -> memref<128x128xf32, #tpu.memory_space<vmem>>
    %dma_start3A_43 = arith.constant 0 : i32
    %dma_start3A_44 = tpu.memref_slice %arg6[%dma_start3A, %dma_start3A_43] : memref<40x128xi32, #tpu.memory_space<vmem>> -> memref<1x128xi32, #tpu.memory_space<vmem>>
    %dma_start3A_45 = tpu.memref_squeeze %dma_start3A_44 : memref<1x128xi32, #tpu.memory_space<vmem>> -> memref<128xi32, #tpu.memory_space<vmem>>
    %dma_start3A_46 = arith.constant 0 : i32
    %dma_start3A_47 = arith.constant 0 : i32
    %dma_start3A_48 = tpu.memref_slice %arg2[%dma_start3A_46, %dma_start3A_47] : memref<10000x128xf32, #tpu.memory_space<hbm>> -> memref<10000x128xf32, #tpu.memory_space<hbm>>
    tpu.enqueue_indirect_dma source(%dma_start3A_48 : memref<10000x128xf32, #tpu.memory_space<hbm>>) target(%dma_start3A_42 : memref<128x128xf32, #tpu.memory_space<vmem>>) offsets(%dma_start3A_45 : memref<128xi32, #tpu.memory_space<vmem>>) semaphore(%arg10 : memref<!tpu.dma_semaphore, #tpu.memory_space<semaphore_mem>>)
    %dma_start3A_49 = arith.constant 1 : i32
    %dma_start3A_50 = arith.constant 1 : i32
    %dma_start3A_51 = arith.constant 0 : i32
    %dma_start3A_52 = arith.constant 0 : i32
    %dma_start3A_53 = tpu.memref_slice %arg8[%dma_start3A_50, %dma_start3A_51, %dma_start3A_52] : memref<2x128x128xf32, #tpu.memory_space<vmem>> -> memref<1x128x128xf32, #tpu.memory_space<vmem>>
    %dma_start3A_54 = tpu.memref_squeeze %dma_start3A_53 : memref<1x128x128xf32, #tpu.memory_space<vmem>> -> memref<128x128xf32, #tpu.memory_space<vmem>>
    %dma_start3A_55 = arith.constant 0 : i32
    %dma_start3A_56 = tpu.memref_slice %arg6[%dma_start3A_49, %dma_start3A_55] : memref<40x128xi32, #tpu.memory_space<vmem>> -> memref<1x128xi32, #tpu.memory_space<vmem>>
    %dma_start3A_57 = tpu.memref_squeeze %dma_start3A_56 : memref<1x128xi32, #tpu.memory_space<vmem>> -> memref<128xi32, #tpu.memory_space<vmem>>
    %dma_start3A_58 = arith.constant 0 : i32
    %dma_start3A_59 = arith.constant 0 : i32
    %dma_start3A_60 = tpu.memref_slice %arg2[%dma_start3A_58, %dma_start3A_59] : memref<10000x128xf32, #tpu.memory_space<hbm>> -> memref<10000x128xf32, #tpu.memory_space<hbm>>
    tpu.enqueue_indirect_dma source(%dma_start3A_60 : memref<10000x128xf32, #tpu.memory_space<hbm>>) target(%dma_start3A_54 : memref<128x128xf32, #tpu.memory_space<vmem>>) offsets(%dma_start3A_57 : memref<128xi32, #tpu.memory_space<vmem>>) semaphore(%arg11 : memref<!tpu.dma_semaphore, #tpu.memory_space<semaphore_mem>>)
    %scan3A_61 = arith.constant 0 : i32
    %scan3A_62 = arith.constant 0 : i32
    %scan3A_63 = arith.constant 20 : i32
    %scan3A_64 = arith.addi %scan3A_62, %scan3A_63 : i32
    %scan3A_65 = arith.constant 1 : i32
    scf.for %scan3A_112 = %scan3A_62 to %scan3A_64 step %scan3A_65  : i32 {
      %mul3A_113 = arith.constant 2 : i32
      %mul3A_114 = arith.muli %scan3A_112, %mul3A_113 : i32
      %add3A_115 = arith.constant 0 : i32
      %add3A_116 = arith.addi %mul3A_114, %add3A_115 : i32
      %dma_wait3A = arith.constant 0 : i32
      %dma_wait3A_117 = arith.constant 0 : i32
      %dma_wait3A_118 = arith.constant 0 : i32
      %dma_wait3A_119 = tpu.memref_slice %arg8[%dma_wait3A, %dma_wait3A_117, %dma_wait3A_118] : memref<2x128x128xf32, #tpu.memory_space<vmem>> -> memref<1x128x128xf32, #tpu.memory_space<vmem>>
      %dma_wait3A_120 = tpu.memref_squeeze %dma_wait3A_119 : memref<1x128x128xf32, #tpu.memory_space<vmem>> -> memref<128x128xf32, #tpu.memory_space<vmem>>
      %dma_wait3A_121 = arith.constant 0 : i32
      %dma_wait3A_122 = tpu.memref_slice %arg6[%add3A_116, %dma_wait3A_121] : memref<40x128xi32, #tpu.memory_space<vmem>> -> memref<1x128xi32, #tpu.memory_space<vmem>>
      %dma_wait3A_123 = tpu.memref_squeeze %dma_wait3A_122 : memref<1x128xi32, #tpu.memory_space<vmem>> -> memref<128xi32, #tpu.memory_space<vmem>>
      %dma_wait3A_124 = arith.constant 0 : i32
      %dma_wait3A_125 = arith.constant 0 : i32
      %dma_wait3A_126 = tpu.memref_slice %arg2[%dma_wait3A_124, %dma_wait3A_125] : memref<10000x128xf32, #tpu.memory_space<hbm>> -> memref<10000x128xf32, #tpu.memory_space<hbm>>
      tpu.wait_indirect_dma semaphore(%arg10 : memref<!tpu.dma_semaphore, #tpu.memory_space<semaphore_mem>>) src(%dma_wait3A_126 : memref<10000x128xf32, #tpu.memory_space<hbm>>) dst(%dma_wait3A_120 : memref<128x128xf32, #tpu.memory_space<vmem>>)
      %run_scoped3A_127 = arith.constant 0 : i32
      "tpu.region"() ({
        %run_scoped3A_156 = tpu.sem_alloc : memref<!tpu.dma_semaphore, #tpu.memory_space<semaphore_mem>>
        %dma_start3A_157 = arith.constant 0 : i32
        %dma_start3A_158 = arith.constant 0 : i32
        %dma_start3A_159 = tpu.memref_slice %arg8[%run_scoped3A_127, %dma_start3A_157, %dma_start3A_158] : memref<2x128x128xf32, #tpu.memory_space<vmem>> -> memref<1x128x128xf32, #tpu.memory_space<vmem>>
        %dma_start3A_160 = tpu.memref_squeeze %dma_start3A_159 : memref<1x128x128xf32, #tpu.memory_space<vmem>> -> memref<128x128xf32, #tpu.memory_space<vmem>>
        %dma_start3A_161 = arith.constant 0 : i32
        %dma_start3A_162 = tpu.memref_slice %arg7[%add3A_116, %dma_start3A_161] : memref<40x128xi32, #tpu.memory_space<vmem>> -> memref<1x128xi32, #tpu.memory_space<vmem>>
        %dma_start3A_163 = tpu.memref_squeeze %dma_start3A_162 : memref<1x128xi32, #tpu.memory_space<vmem>> -> memref<128xi32, #tpu.memory_space<vmem>>
        %dma_start3A_164 = arith.constant 0 : i32
        %dma_start3A_165 = arith.constant 0 : i32
        %dma_start3A_166 = tpu.memref_slice %arg9[%dma_start3A_164, %dma_start3A_165] : memref<10240x128xf32, #tpu.memory_space<vmem_shared>> -> memref<10240x128xf32, #tpu.memory_space<vmem_shared>>
        tpu.enqueue_indirect_dma source(%dma_start3A_160 : memref<128x128xf32, #tpu.memory_space<vmem>>) target(%dma_start3A_166 : memref<10240x128xf32, #tpu.memory_space<vmem_shared>>) offsets(%dma_start3A_163 : memref<128xi32, #tpu.memory_space<vmem>>) semaphore(%run_scoped3A_156 : memref<!tpu.dma_semaphore, #tpu.memory_space<semaphore_mem>>) {add = true}
        %dma_wait3A_167 = arith.constant 0 : i32
        %dma_wait3A_168 = arith.constant 0 : i32
        %dma_wait3A_169 = tpu.memref_slice %arg8[%run_scoped3A_127, %dma_wait3A_167, %dma_wait3A_168] : memref<2x128x128xf32, #tpu.memory_space<vmem>> -> memref<1x128x128xf32, #tpu.memory_space<vmem>>
        %dma_wait3A_170 = tpu.memref_squeeze %dma_wait3A_169 : memref<1x128x128xf32, #tpu.memory_space<vmem>> -> memref<128x128xf32, #tpu.memory_space<vmem>>
        %dma_wait3A_171 = arith.constant 0 : i32
        %dma_wait3A_172 = tpu.memref_slice %arg7[%add3A_116, %dma_wait3A_171] : memref<40x128xi32, #tpu.memory_space<vmem>> -> memref<1x128xi32, #tpu.memory_space<vmem>>
        %dma_wait3A_173 = tpu.memref_squeeze %dma_wait3A_172 : memref<1x128xi32, #tpu.memory_space<vmem>> -> memref<128xi32, #tpu.memory_space<vmem>>
        %dma_wait3A_174 = arith.constant 0 : i32
        %dma_wait3A_175 = arith.constant 0 : i32
        %dma_wait3A_176 = tpu.memref_slice %arg9[%dma_wait3A_174, %dma_wait3A_175] : memref<10240x128xf32, #tpu.memory_space<vmem_shared>> -> memref<10240x128xf32, #tpu.memory_space<vmem_shared>>
        tpu.wait_indirect_dma semaphore(%run_scoped3A_156 : memref<!tpu.dma_semaphore, #tpu.memory_space<semaphore_mem>>) src(%dma_wait3A_170 : memref<128x128xf32, #tpu.memory_space<vmem>>) dst(%dma_wait3A_176 : memref<10240x128xf32, #tpu.memory_space<vmem_shared>>)
        tpu.yield
      }) : () -> ()
      %add3A_128 = arith.constant 2 : i32
      %add3A_129 = arith.addi %add3A_116, %add3A_128 : i32
      %lt3A_130 = arith.constant 40 : i32
      %lt3A_131 = arith.cmpi slt, %add3A_129, %lt3A_130 : i32
      %convert_element_type3A_132 = arith.extui %lt3A_131 : i1 to i32
      %cond3A_133 = arith.constant 0 : i32
      %cond3A_134 = arith.cmpi ne, %convert_element_type3A_132, %cond3A_133 : i32
      scf.if %cond3A_134 {
        %add3A_156 = arith.constant 2 : i32
        %add3A_157 = arith.addi %add3A_116, %add3A_156 : i32
        %dma_start3A_158 = arith.constant 0 : i32
        %dma_start3A_159 = arith.constant 0 : i32
        %dma_start3A_160 = arith.constant 0 : i32
        %dma_start3A_161 = tpu.memref_slice %arg8[%dma_start3A_158, %dma_start3A_159, %dma_start3A_160] : memref<2x128x128xf32, #tpu.memory_space<vmem>> -> memref<1x128x128xf32, #tpu.memory_space<vmem>>
        %dma_start3A_162 = tpu.memref_squeeze %dma_start3A_161 : memref<1x128x128xf32, #tpu.memory_space<vmem>> -> memref<128x128xf32, #tpu.memory_space<vmem>>
        %dma_start3A_163 = arith.constant 0 : i32
        %dma_start3A_164 = tpu.memref_slice %arg6[%add3A_157, %dma_start3A_163] : memref<40x128xi32, #tpu.memory_space<vmem>> -> memref<1x128xi32, #tpu.memory_space<vmem>>
        %dma_start3A_165 = tpu.memref_squeeze %dma_start3A_164 : memref<1x128xi32, #tpu.memory_space<vmem>> -> memref<128xi32, #tpu.memory_space<vmem>>
        %dma_start3A_166 = arith.constant 0 : i32
        %dma_start3A_167 = arith.constant 0 : i32
        %dma_start3A_168 = tpu.memref_slice %arg2[%dma_start3A_166, %dma_start3A_167] : memref<10000x128xf32, #tpu.memory_space<hbm>> -> memref<10000x128xf32, #tpu.memory_space<hbm>>
        tpu.enqueue_indirect_dma source(%dma_start3A_168 : memref<10000x128xf32, #tpu.memory_space<hbm>>) target(%dma_start3A_162 : memref<128x128xf32, #tpu.memory_space<vmem>>) offsets(%dma_start3A_165 : memref<128xi32, #tpu.memory_space<vmem>>) semaphore(%arg10 : memref<!tpu.dma_semaphore, #tpu.memory_space<semaphore_mem>>)
      } else {
      }
      %add3A_135 = arith.constant 1 : i32
      %add3A_136 = arith.addi %mul3A_114, %add3A_135 : i32
      %dma_wait3A_137 = arith.constant 1 : i32
      %dma_wait3A_138 = arith.constant 0 : i32
      %dma_wait3A_139 = arith.constant 0 : i32
      %dma_wait3A_140 = tpu.memref_slice %arg8[%dma_wait3A_137, %dma_wait3A_138, %dma_wait3A_139] : memref<2x128x128xf32, #tpu.memory_space<vmem>> -> memref<1x128x128xf32, #tpu.memory_space<vmem>>
      %dma_wait3A_141 = tpu.memref_squeeze %dma_wait3A_140 : memref<1x128x128xf32, #tpu.memory_space<vmem>> -> memref<128x128xf32, #tpu.memory_space<vmem>>
      %dma_wait3A_142 = arith.constant 0 : i32
      %dma_wait3A_143 = tpu.memref_slice %arg6[%add3A_136, %dma_wait3A_142] : memref<40x128xi32, #tpu.memory_space<vmem>> -> memref<1x128xi32, #tpu.memory_space<vmem>>
      %dma_wait3A_144 = tpu.memref_squeeze %dma_wait3A_143 : memref<1x128xi32, #tpu.memory_space<vmem>> -> memref<128xi32, #tpu.memory_space<vmem>>
      %dma_wait3A_145 = arith.constant 0 : i32
      %dma_wait3A_146 = arith.constant 0 : i32
      %dma_wait3A_147 = tpu.memref_slice %arg2[%dma_wait3A_145, %dma_wait3A_146] : memref<10000x128xf32, #tpu.memory_space<hbm>> -> memref<10000x128xf32, #tpu.memory_space<hbm>>
      tpu.wait_indirect_dma semaphore(%arg11 : memref<!tpu.dma_semaphore, #tpu.memory_space<semaphore_mem>>) src(%dma_wait3A_147 : memref<10000x128xf32, #tpu.memory_space<hbm>>) dst(%dma_wait3A_141 : memref<128x128xf32, #tpu.memory_space<vmem>>)
      %run_scoped3A_148 = arith.constant 1 : i32
      "tpu.region"() ({
        %run_scoped3A_156 = tpu.sem_alloc : memref<!tpu.dma_semaphore, #tpu.memory_space<semaphore_mem>>
        %dma_start3A_157 = arith.constant 0 : i32
        %dma_start3A_158 = arith.constant 0 : i32
        %dma_start3A_159 = tpu.memref_slice %arg8[%run_scoped3A_148, %dma_start3A_157, %dma_start3A_158] : memref<2x128x128xf32, #tpu.memory_space<vmem>> -> memref<1x128x128xf32, #tpu.memory_space<vmem>>
        %dma_start3A_160 = tpu.memref_squeeze %dma_start3A_159 : memref<1x128x128xf32, #tpu.memory_space<vmem>> -> memref<128x128xf32, #tpu.memory_space<vmem>>
        %dma_start3A_161 = arith.constant 0 : i32
        %dma_start3A_162 = tpu.memref_slice %arg7[%add3A_136, %dma_start3A_161] : memref<40x128xi32, #tpu.memory_space<vmem>> -> memref<1x128xi32, #tpu.memory_space<vmem>>
        %dma_start3A_163 = tpu.memref_squeeze %dma_start3A_162 : memref<1x128xi32, #tpu.memory_space<vmem>> -> memref<128xi32, #tpu.memory_space<vmem>>
        %dma_start3A_164 = arith.constant 0 : i32
        %dma_start3A_165 = arith.constant 0 : i32
        %dma_start3A_166 = tpu.memref_slice %arg9[%dma_start3A_164, %dma_start3A_165] : memref<10240x128xf32, #tpu.memory_space<vmem_shared>> -> memref<10240x128xf32, #tpu.memory_space<vmem_shared>>
        tpu.enqueue_indirect_dma source(%dma_start3A_160 : memref<128x128xf32, #tpu.memory_space<vmem>>) target(%dma_start3A_166 : memref<10240x128xf32, #tpu.memory_space<vmem_shared>>) offsets(%dma_start3A_163 : memref<128xi32, #tpu.memory_space<vmem>>) semaphore(%run_scoped3A_156 : memref<!tpu.dma_semaphore, #tpu.memory_space<semaphore_mem>>) {add = true}
        %dma_wait3A_167 = arith.constant 0 : i32
        %dma_wait3A_168 = arith.constant 0 : i32
        %dma_wait3A_169 = tpu.memref_slice %arg8[%run_scoped3A_148, %dma_wait3A_167, %dma_wait3A_168] : memref<2x128x128xf32, #tpu.memory_space<vmem>> -> memref<1x128x128xf32, #tpu.memory_space<vmem>>
        %dma_wait3A_170 = tpu.memref_squeeze %dma_wait3A_169 : memref<1x128x128xf32, #tpu.memory_space<vmem>> -> memref<128x128xf32, #tpu.memory_space<vmem>>
        %dma_wait3A_171 = arith.constant 0 : i32
        %dma_wait3A_172 = tpu.memref_slice %arg7[%add3A_136, %dma_wait3A_171] : memref<40x128xi32, #tpu.memory_space<vmem>> -> memref<1x128xi32, #tpu.memory_space<vmem>>
        %dma_wait3A_173 = tpu.memref_squeeze %dma_wait3A_172 : memref<1x128xi32, #tpu.memory_space<vmem>> -> memref<128xi32, #tpu.memory_space<vmem>>
        %dma_wait3A_174 = arith.constant 0 : i32
        %dma_wait3A_175 = arith.constant 0 : i32
        %dma_wait3A_176 = tpu.memref_slice %arg9[%dma_wait3A_174, %dma_wait3A_175] : memref<10240x128xf32, #tpu.memory_space<vmem_shared>> -> memref<10240x128xf32, #tpu.memory_space<vmem_shared>>
        tpu.wait_indirect_dma semaphore(%run_scoped3A_156 : memref<!tpu.dma_semaphore, #tpu.memory_space<semaphore_mem>>) src(%dma_wait3A_170 : memref<128x128xf32, #tpu.memory_space<vmem>>) dst(%dma_wait3A_176 : memref<10240x128xf32, #tpu.memory_space<vmem_shared>>)
        tpu.yield
      }) : () -> ()
      %add3A_149 = arith.constant 2 : i32
      %add3A_150 = arith.addi %add3A_136, %add3A_149 : i32
      %lt3A_151 = arith.constant 40 : i32
      %lt3A_152 = arith.cmpi slt, %add3A_150, %lt3A_151 : i32
      %convert_element_type3A_153 = arith.extui %lt3A_152 : i1 to i32
      %cond3A_154 = arith.constant 0 : i32
      %cond3A_155 = arith.cmpi ne, %convert_element_type3A_153, %cond3A_154 : i32
      scf.if %cond3A_155 {
        %add3A_156 = arith.constant 2 : i32
        %add3A_157 = arith.addi %add3A_136, %add3A_156 : i32
        %dma_start3A_158 = arith.constant 1 : i32
        %dma_start3A_159 = arith.constant 0 : i32
        %dma_start3A_160 = arith.constant 0 : i32
        %dma_start3A_161 = tpu.memref_slice %arg8[%dma_start3A_158, %dma_start3A_159, %dma_start3A_160] : memref<2x128x128xf32, #tpu.memory_space<vmem>> -> memref<1x128x128xf32, #tpu.memory_space<vmem>>
        %dma_start3A_162 = tpu.memref_squeeze %dma_start3A_161 : memref<1x128x128xf32, #tpu.memory_space<vmem>> -> memref<128x128xf32, #tpu.memory_space<vmem>>
        %dma_start3A_163 = arith.constant 0 : i32
        %dma_start3A_164 = tpu.memref_slice %arg6[%add3A_157, %dma_start3A_163] : memref<40x128xi32, #tpu.memory_space<vmem>> -> memref<1x128xi32, #tpu.memory_space<vmem>>
        %dma_start3A_165 = tpu.memref_squeeze %dma_start3A_164 : memref<1x128xi32, #tpu.memory_space<vmem>> -> memref<128xi32, #tpu.memory_space<vmem>>
        %dma_start3A_166 = arith.constant 0 : i32
        %dma_start3A_167 = arith.constant 0 : i32
        %dma_start3A_168 = tpu.memref_slice %arg2[%dma_start3A_166, %dma_start3A_167] : memref<10000x128xf32, #tpu.memory_space<hbm>> -> memref<10000x128xf32, #tpu.memory_space<hbm>>
        tpu.enqueue_indirect_dma source(%dma_start3A_168 : memref<10000x128xf32, #tpu.memory_space<hbm>>) target(%dma_start3A_162 : memref<128x128xf32, #tpu.memory_space<vmem>>) offsets(%dma_start3A_165 : memref<128xi32, #tpu.memory_space<vmem>>) semaphore(%arg11 : memref<!tpu.dma_semaphore, #tpu.memory_space<semaphore_mem>>)
      } else {
      }
    }
    %scan3A_66 = arith.constant 20 : i32
    %lt3A_67 = arith.constant 31 : i32
    %lt3A_68 = arith.cmpi slt, %add3A, %lt3A_67 : i32
    %convert_element_type3A_69 = arith.extui %lt3A_68 : i1 to i32
    %cond3A_70 = arith.constant 0 : i32
    %cond3A_71 = arith.cmpi ne, %convert_element_type3A_69, %cond3A_70 : i32
    scf.if %cond3A_71 {
      %mul3A_112 = arith.constant 80 : i32
      %mul3A_113 = arith.muli %add3A, %mul3A_112 : i32
      %add3A_114 = arith.constant 40 : i32
      %add3A_115 = arith.addi %mul3A_113, %add3A_114 : i32
      %run_scoped3A_116 = arith.constant 0 : i32
      "tpu.region"() ({
        %run_scoped3A_122 = tpu.sem_alloc : memref<!tpu.dma_semaphore, #tpu.memory_space<semaphore_mem>>
        %dma_start3A_123 = arith.constant 0 : i32
        %dma_start3A_124 = tpu.memref_slice %arg3[%run_scoped3A_116, %add3A_115, %dma_start3A_123] : memref<2x2500x128xi32, #tpu.memory_space<hbm>> -> memref<1x40x128xi32, #tpu.memory_space<hbm>>
        %dma_start3A_125 = tpu.memref_squeeze %dma_start3A_124 : memref<1x40x128xi32, #tpu.memory_space<hbm>> -> memref<40x128xi32, #tpu.memory_space<hbm>>
        %dma_start3A_126 = arith.constant 0 : i32
        %dma_start3A_127 = tpu.memref_slice %arg3[%run_scoped3A_116, %add3A_115, %dma_start3A_126] : memref<2x2500x128xi32, #tpu.memory_space<hbm>> -> memref<1x40x128xi32, #tpu.memory_space<hbm>>
        %dma_start3A_128 = tpu.memref_squeeze %dma_start3A_127 : memref<1x40x128xi32, #tpu.memory_space<hbm>> -> memref<40x128xi32, #tpu.memory_space<hbm>>
        tpu.enqueue_dma source(%dma_start3A_128 : memref<40x128xi32, #tpu.memory_space<hbm>>) target(%arg6 : memref<40x128xi32, #tpu.memory_space<vmem>>) target_semaphore(%run_scoped3A_122 : memref<!tpu.dma_semaphore, #tpu.memory_space<semaphore_mem>>)
        %dma_wait3A = arith.constant 0 : i32
        %dma_wait3A_129 = tpu.memref_slice %arg3[%run_scoped3A_116, %add3A_115, %dma_wait3A] : memref<2x2500x128xi32, #tpu.memory_space<hbm>> -> memref<1x40x128xi32, #tpu.memory_space<hbm>>
        %dma_wait3A_130 = tpu.memref_squeeze %dma_wait3A_129 : memref<1x40x128xi32, #tpu.memory_space<hbm>> -> memref<40x128xi32, #tpu.memory_space<hbm>>
        %dma_wait3A_131 = arith.constant 0 : i32
        %dma_wait3A_132 = tpu.memref_slice %arg3[%run_scoped3A_116, %add3A_115, %dma_wait3A_131] : memref<2x2500x128xi32, #tpu.memory_space<hbm>> -> memref<1x40x128xi32, #tpu.memory_space<hbm>>
        %dma_wait3A_133 = tpu.memref_squeeze %dma_wait3A_132 : memref<1x40x128xi32, #tpu.memory_space<hbm>> -> memref<40x128xi32, #tpu.memory_space<hbm>>
        tpu.wait_dma2 semaphore(%run_scoped3A_122 : memref<!tpu.dma_semaphore, #tpu.memory_space<semaphore_mem>>) src(%dma_wait3A_133 : memref<40x128xi32, #tpu.memory_space<hbm>>) dst(%arg6 : memref<40x128xi32, #tpu.memory_space<vmem>>)
        tpu.yield
      }) : () -> ()
      %mul3A_117 = arith.constant 80 : i32
      %mul3A_118 = arith.muli %add3A, %mul3A_117 : i32
      %add3A_119 = arith.constant 40 : i32
      %add3A_120 = arith.addi %mul3A_118, %add3A_119 : i32
      %run_scoped3A_121 = arith.constant 1 : i32
      "tpu.region"() ({
        %run_scoped3A_122 = tpu.sem_alloc : memref<!tpu.dma_semaphore, #tpu.memory_space<semaphore_mem>>
        %dma_start3A_123 = arith.constant 0 : i32
        %dma_start3A_124 = tpu.memref_slice %arg3[%run_scoped3A_121, %add3A_120, %dma_start3A_123] : memref<2x2500x128xi32, #tpu.memory_space<hbm>> -> memref<1x40x128xi32, #tpu.memory_space<hbm>>
        %dma_start3A_125 = tpu.memref_squeeze %dma_start3A_124 : memref<1x40x128xi32, #tpu.memory_space<hbm>> -> memref<40x128xi32, #tpu.memory_space<hbm>>
        %dma_start3A_126 = arith.constant 0 : i32
        %dma_start3A_127 = tpu.memref_slice %arg3[%run_scoped3A_121, %add3A_120, %dma_start3A_126] : memref<2x2500x128xi32, #tpu.memory_space<hbm>> -> memref<1x40x128xi32, #tpu.memory_space<hbm>>
        %dma_start3A_128 = tpu.memref_squeeze %dma_start3A_127 : memref<1x40x128xi32, #tpu.memory_space<hbm>> -> memref<40x128xi32, #tpu.memory_space<hbm>>
        tpu.enqueue_dma source(%dma_start3A_128 : memref<40x128xi32, #tpu.memory_space<hbm>>) target(%arg7 : memref<40x128xi32, #tpu.memory_space<vmem>>) target_semaphore(%run_scoped3A_122 : memref<!tpu.dma_semaphore, #tpu.memory_space<semaphore_mem>>)
        %dma_wait3A = arith.constant 0 : i32
        %dma_wait3A_129 = tpu.memref_slice %arg3[%run_scoped3A_121, %add3A_120, %dma_wait3A] : memref<2x2500x128xi32, #tpu.memory_space<hbm>> -> memref<1x40x128xi32, #tpu.memory_space<hbm>>
        %dma_wait3A_130 = tpu.memref_squeeze %dma_wait3A_129 : memref<1x40x128xi32, #tpu.memory_space<hbm>> -> memref<40x128xi32, #tpu.memory_space<hbm>>
        %dma_wait3A_131 = arith.constant 0 : i32
        %dma_wait3A_132 = tpu.memref_slice %arg3[%run_scoped3A_121, %add3A_120, %dma_wait3A_131] : memref<2x2500x128xi32, #tpu.memory_space<hbm>> -> memref<1x40x128xi32, #tpu.memory_space<hbm>>
        %dma_wait3A_133 = tpu.memref_squeeze %dma_wait3A_132 : memref<1x40x128xi32, #tpu.memory_space<hbm>> -> memref<40x128xi32, #tpu.memory_space<hbm>>
        tpu.wait_dma2 semaphore(%run_scoped3A_122 : memref<!tpu.dma_semaphore, #tpu.memory_space<semaphore_mem>>) src(%dma_wait3A_133 : memref<40x128xi32, #tpu.memory_space<hbm>>) dst(%arg7 : memref<40x128xi32, #tpu.memory_space<vmem>>)
        tpu.yield
      }) : () -> ()
    } else {
    }
    %eq3A_72 = arith.constant 31 : i32
    %eq3A_73 = arith.cmpi eq, %add3A, %eq3A_72 : i32
    %convert_element_type3A_74 = arith.extui %eq3A_73 : i1 to i32
    %cond3A_75 = arith.constant 0 : i32
    %cond3A_76 = arith.cmpi ne, %convert_element_type3A_74, %cond3A_75 : i32
    scf.if %cond3A_76 {
      %run_scoped3A_112 = arith.constant 0 : i32
      "tpu.region"() ({
        %run_scoped3A_114 = tpu.sem_alloc : memref<!tpu.dma_semaphore, #tpu.memory_space<semaphore_mem>>
        %dma_start3A_115 = arith.constant 20 : i32
        %dma_start3A_116 = arith.constant 0 : i32
        %dma_start3A_117 = tpu.memref_slice %arg4[%run_scoped3A_112, %dma_start3A_115, %dma_start3A_116] : memref<2x60x128xi32, #tpu.memory_space<hbm>> -> memref<1x40x128xi32, #tpu.memory_space<hbm>>
        %dma_start3A_118 = tpu.memref_squeeze %dma_start3A_117 : memref<1x40x128xi32, #tpu.memory_space<hbm>> -> memref<40x128xi32, #tpu.memory_space<hbm>>
        %dma_start3A_119 = arith.constant 20 : i32
        %dma_start3A_120 = arith.constant 0 : i32
        %dma_start3A_121 = tpu.memref_slice %arg4[%run_scoped3A_112, %dma_start3A_119, %dma_start3A_120] : memref<2x60x128xi32, #tpu.memory_space<hbm>> -> memref<1x40x128xi32, #tpu.memory_space<hbm>>
        %dma_start3A_122 = tpu.memref_squeeze %dma_start3A_121 : memref<1x40x128xi32, #tpu.memory_space<hbm>> -> memref<40x128xi32, #tpu.memory_space<hbm>>
        tpu.enqueue_dma source(%dma_start3A_122 : memref<40x128xi32, #tpu.memory_space<hbm>>) target(%arg6 : memref<40x128xi32, #tpu.memory_space<vmem>>) target_semaphore(%run_scoped3A_114 : memref<!tpu.dma_semaphore, #tpu.memory_space<semaphore_mem>>)
        %dma_wait3A = arith.constant 20 : i32
        %dma_wait3A_123 = arith.constant 0 : i32
        %dma_wait3A_124 = tpu.memref_slice %arg4[%run_scoped3A_112, %dma_wait3A, %dma_wait3A_123] : memref<2x60x128xi32, #tpu.memory_space<hbm>> -> memref<1x40x128xi32, #tpu.memory_space<hbm>>
        %dma_wait3A_125 = tpu.memref_squeeze %dma_wait3A_124 : memref<1x40x128xi32, #tpu.memory_space<hbm>> -> memref<40x128xi32, #tpu.memory_space<hbm>>
        %dma_wait3A_126 = arith.constant 20 : i32
        %dma_wait3A_127 = arith.constant 0 : i32
        %dma_wait3A_128 = tpu.memref_slice %arg4[%run_scoped3A_112, %dma_wait3A_126, %dma_wait3A_127] : memref<2x60x128xi32, #tpu.memory_space<hbm>> -> memref<1x40x128xi32, #tpu.memory_space<hbm>>
        %dma_wait3A_129 = tpu.memref_squeeze %dma_wait3A_128 : memref<1x40x128xi32, #tpu.memory_space<hbm>> -> memref<40x128xi32, #tpu.memory_space<hbm>>
        tpu.wait_dma2 semaphore(%run_scoped3A_114 : memref<!tpu.dma_semaphore, #tpu.memory_space<semaphore_mem>>) src(%dma_wait3A_129 : memref<40x128xi32, #tpu.memory_space<hbm>>) dst(%arg6 : memref<40x128xi32, #tpu.memory_space<vmem>>)
        tpu.yield
      }) : () -> ()
      %run_scoped3A_113 = arith.constant 1 : i32
      "tpu.region"() ({
        %run_scoped3A_114 = tpu.sem_alloc : memref<!tpu.dma_semaphore, #tpu.memory_space<semaphore_mem>>
        %dma_start3A_115 = arith.constant 20 : i32
        %dma_start3A_116 = arith.constant 0 : i32
        %dma_start3A_117 = tpu.memref_slice %arg4[%run_scoped3A_113, %dma_start3A_115, %dma_start3A_116] : memref<2x60x128xi32, #tpu.memory_space<hbm>> -> memref<1x40x128xi32, #tpu.memory_space<hbm>>
        %dma_start3A_118 = tpu.memref_squeeze %dma_start3A_117 : memref<1x40x128xi32, #tpu.memory_space<hbm>> -> memref<40x128xi32, #tpu.memory_space<hbm>>
        %dma_start3A_119 = arith.constant 20 : i32
        %dma_start3A_120 = arith.constant 0 : i32
        %dma_start3A_121 = tpu.memref_slice %arg4[%run_scoped3A_113, %dma_start3A_119, %dma_start3A_120] : memref<2x60x128xi32, #tpu.memory_space<hbm>> -> memref<1x40x128xi32, #tpu.memory_space<hbm>>
        %dma_start3A_122 = tpu.memref_squeeze %dma_start3A_121 : memref<1x40x128xi32, #tpu.memory_space<hbm>> -> memref<40x128xi32, #tpu.memory_space<hbm>>
        tpu.enqueue_dma source(%dma_start3A_122 : memref<40x128xi32, #tpu.memory_space<hbm>>) target(%arg7 : memref<40x128xi32, #tpu.memory_space<vmem>>) target_semaphore(%run_scoped3A_114 : memref<!tpu.dma_semaphore, #tpu.memory_space<semaphore_mem>>)
        %dma_wait3A = arith.constant 20 : i32
        %dma_wait3A_123 = arith.constant 0 : i32
        %dma_wait3A_124 = tpu.memref_slice %arg4[%run_scoped3A_113, %dma_wait3A, %dma_wait3A_123] : memref<2x60x128xi32, #tpu.memory_space<hbm>> -> memref<1x40x128xi32, #tpu.memory_space<hbm>>
        %dma_wait3A_125 = tpu.memref_squeeze %dma_wait3A_124 : memref<1x40x128xi32, #tpu.memory_space<hbm>> -> memref<40x128xi32, #tpu.memory_space<hbm>>
        %dma_wait3A_126 = arith.constant 20 : i32
        %dma_wait3A_127 = arith.constant 0 : i32
        %dma_wait3A_128 = tpu.memref_slice %arg4[%run_scoped3A_113, %dma_wait3A_126, %dma_wait3A_127] : memref<2x60x128xi32, #tpu.memory_space<hbm>> -> memref<1x40x128xi32, #tpu.memory_space<hbm>>
        %dma_wait3A_129 = tpu.memref_squeeze %dma_wait3A_128 : memref<1x40x128xi32, #tpu.memory_space<hbm>> -> memref<40x128xi32, #tpu.memory_space<hbm>>
        tpu.wait_dma2 semaphore(%run_scoped3A_114 : memref<!tpu.dma_semaphore, #tpu.memory_space<semaphore_mem>>) src(%dma_wait3A_129 : memref<40x128xi32, #tpu.memory_space<hbm>>) dst(%arg7 : memref<40x128xi32, #tpu.memory_space<vmem>>)
        tpu.yield
      }) : () -> ()
    } else {
    }
    %dma_start3A_77 = arith.constant 0 : i32
    %dma_start3A_78 = arith.constant 0 : i32
    %dma_start3A_79 = arith.constant 0 : i32
    %dma_start3A_80 = arith.constant 0 : i32
    %dma_start3A_81 = tpu.memref_slice %arg8[%dma_start3A_78, %dma_start3A_79, %dma_start3A_80] : memref<2x128x128xf32, #tpu.memory_space<vmem>> -> memref<1x128x128xf32, #tpu.memory_space<vmem>>
    %dma_start3A_82 = tpu.memref_squeeze %dma_start3A_81 : memref<1x128x128xf32, #tpu.memory_space<vmem>> -> memref<128x128xf32, #tpu.memory_space<vmem>>
    %dma_start3A_83 = arith.constant 0 : i32
    %dma_start3A_84 = tpu.memref_slice %arg6[%dma_start3A_77, %dma_start3A_83] : memref<40x128xi32, #tpu.memory_space<vmem>> -> memref<1x128xi32, #tpu.memory_space<vmem>>
    %dma_start3A_85 = tpu.memref_squeeze %dma_start3A_84 : memref<1x128xi32, #tpu.memory_space<vmem>> -> memref<128xi32, #tpu.memory_space<vmem>>
    %dma_start3A_86 = arith.constant 0 : i32
    %dma_start3A_87 = arith.constant 0 : i32
    %dma_start3A_88 = tpu.memref_slice %arg2[%dma_start3A_86, %dma_start3A_87] : memref<10000x128xf32, #tpu.memory_space<hbm>> -> memref<10000x128xf32, #tpu.memory_space<hbm>>
    tpu.enqueue_indirect_dma source(%dma_start3A_88 : memref<10000x128xf32, #tpu.memory_space<hbm>>) target(%dma_start3A_82 : memref<128x128xf32, #tpu.memory_space<vmem>>) offsets(%dma_start3A_85 : memref<128xi32, #tpu.memory_space<vmem>>) semaphore(%arg10 : memref<!tpu.dma_semaphore, #tpu.memory_space<semaphore_mem>>)
    %dma_start3A_89 = arith.constant 1 : i32
    %dma_start3A_90 = arith.constant 1 : i32
    %dma_start3A_91 = arith.constant 0 : i32
    %dma_start3A_92 = arith.constant 0 : i32
    %dma_start3A_93 = tpu.memref_slice %arg8[%dma_start3A_90, %dma_start3A_91, %dma_start3A_92] : memref<2x128x128xf32, #tpu.memory_space<vmem>> -> memref<1x128x128xf32, #tpu.memory_space<vmem>>
    %dma_start3A_94 = tpu.memref_squeeze %dma_start3A_93 : memref<1x128x128xf32, #tpu.memory_space<vmem>> -> memref<128x128xf32, #tpu.memory_space<vmem>>
    %dma_start3A_95 = arith.constant 0 : i32
    %dma_start3A_96 = tpu.memref_slice %arg6[%dma_start3A_89, %dma_start3A_95] : memref<40x128xi32, #tpu.memory_space<vmem>> -> memref<1x128xi32, #tpu.memory_space<vmem>>
    %dma_start3A_97 = tpu.memref_squeeze %dma_start3A_96 : memref<1x128xi32, #tpu.memory_space<vmem>> -> memref<128xi32, #tpu.memory_space<vmem>>
    %dma_start3A_98 = arith.constant 0 : i32
    %dma_start3A_99 = arith.constant 0 : i32
    %dma_start3A_100 = tpu.memref_slice %arg2[%dma_start3A_98, %dma_start3A_99] : memref<10000x128xf32, #tpu.memory_space<hbm>> -> memref<10000x128xf32, #tpu.memory_space<hbm>>
    tpu.enqueue_indirect_dma source(%dma_start3A_100 : memref<10000x128xf32, #tpu.memory_space<hbm>>) target(%dma_start3A_94 : memref<128x128xf32, #tpu.memory_space<vmem>>) offsets(%dma_start3A_97 : memref<128xi32, #tpu.memory_space<vmem>>) semaphore(%arg11 : memref<!tpu.dma_semaphore, #tpu.memory_space<semaphore_mem>>)
    %scan3A_101 = arith.constant 0 : i32
    %scan3A_102 = arith.constant 0 : i32
    %scan3A_103 = arith.constant 20 : i32
    %scan3A_104 = arith.addi %scan3A_102, %scan3A_103 : i32
    %scan3A_105 = arith.constant 1 : i32
    scf.for %scan3A_112 = %scan3A_102 to %scan3A_104 step %scan3A_105  : i32 {
      %mul3A_113 = arith.constant 2 : i32
      %mul3A_114 = arith.muli %scan3A_112, %mul3A_113 : i32
      %add3A_115 = arith.constant 0 : i32
      %add3A_116 = arith.addi %mul3A_114, %add3A_115 : i32
      %dma_wait3A = arith.constant 0 : i32
      %dma_wait3A_117 = arith.constant 0 : i32
      %dma_wait3A_118 = arith.constant 0 : i32
      %dma_wait3A_119 = tpu.memref_slice %arg8[%dma_wait3A, %dma_wait3A_117, %dma_wait3A_118] : memref<2x128x128xf32, #tpu.memory_space<vmem>> -> memref<1x128x128xf32, #tpu.memory_space<vmem>>
      %dma_wait3A_120 = tpu.memref_squeeze %dma_wait3A_119 : memref<1x128x128xf32, #tpu.memory_space<vmem>> -> memref<128x128xf32, #tpu.memory_space<vmem>>
      %dma_wait3A_121 = arith.constant 0 : i32
      %dma_wait3A_122 = tpu.memref_slice %arg6[%add3A_116, %dma_wait3A_121] : memref<40x128xi32, #tpu.memory_space<vmem>> -> memref<1x128xi32, #tpu.memory_space<vmem>>
      %dma_wait3A_123 = tpu.memref_squeeze %dma_wait3A_122 : memref<1x128xi32, #tpu.memory_space<vmem>> -> memref<128xi32, #tpu.memory_space<vmem>>
      %dma_wait3A_124 = arith.constant 0 : i32
      %dma_wait3A_125 = arith.constant 0 : i32
      %dma_wait3A_126 = tpu.memref_slice %arg2[%dma_wait3A_124, %dma_wait3A_125] : memref<10000x128xf32, #tpu.memory_space<hbm>> -> memref<10000x128xf32, #tpu.memory_space<hbm>>
      tpu.wait_indirect_dma semaphore(%arg10 : memref<!tpu.dma_semaphore, #tpu.memory_space<semaphore_mem>>) src(%dma_wait3A_126 : memref<10000x128xf32, #tpu.memory_space<hbm>>) dst(%dma_wait3A_120 : memref<128x128xf32, #tpu.memory_space<vmem>>)
      %run_scoped3A_127 = arith.constant 0 : i32
      "tpu.region"() ({
        %run_scoped3A_156 = tpu.sem_alloc : memref<!tpu.dma_semaphore, #tpu.memory_space<semaphore_mem>>
        %dma_start3A_157 = arith.constant 0 : i32
        %dma_start3A_158 = arith.constant 0 : i32
        %dma_start3A_159 = tpu.memref_slice %arg8[%run_scoped3A_127, %dma_start3A_157, %dma_start3A_158] : memref<2x128x128xf32, #tpu.memory_space<vmem>> -> memref<1x128x128xf32, #tpu.memory_space<vmem>>
        %dma_start3A_160 = tpu.memref_squeeze %dma_start3A_159 : memref<1x128x128xf32, #tpu.memory_space<vmem>> -> memref<128x128xf32, #tpu.memory_space<vmem>>
        %dma_start3A_161 = arith.constant 0 : i32
        %dma_start3A_162 = tpu.memref_slice %arg7[%add3A_116, %dma_start3A_161] : memref<40x128xi32, #tpu.memory_space<vmem>> -> memref<1x128xi32, #tpu.memory_space<vmem>>
        %dma_start3A_163 = tpu.memref_squeeze %dma_start3A_162 : memref<1x128xi32, #tpu.memory_space<vmem>> -> memref<128xi32, #tpu.memory_space<vmem>>
        %dma_start3A_164 = arith.constant 0 : i32
        %dma_start3A_165 = arith.constant 0 : i32
        %dma_start3A_166 = tpu.memref_slice %arg9[%dma_start3A_164, %dma_start3A_165] : memref<10240x128xf32, #tpu.memory_space<vmem_shared>> -> memref<10240x128xf32, #tpu.memory_space<vmem_shared>>
        tpu.enqueue_indirect_dma source(%dma_start3A_160 : memref<128x128xf32, #tpu.memory_space<vmem>>) target(%dma_start3A_166 : memref<10240x128xf32, #tpu.memory_space<vmem_shared>>) offsets(%dma_start3A_163 : memref<128xi32, #tpu.memory_space<vmem>>) semaphore(%run_scoped3A_156 : memref<!tpu.dma_semaphore, #tpu.memory_space<semaphore_mem>>) {add = true}
        %dma_wait3A_167 = arith.constant 0 : i32
        %dma_wait3A_168 = arith.constant 0 : i32
        %dma_wait3A_169 = tpu.memref_slice %arg8[%run_scoped3A_127, %dma_wait3A_167, %dma_wait3A_168] : memref<2x128x128xf32, #tpu.memory_space<vmem>> -> memref<1x128x128xf32, #tpu.memory_space<vmem>>
        %dma_wait3A_170 = tpu.memref_squeeze %dma_wait3A_169 : memref<1x128x128xf32, #tpu.memory_space<vmem>> -> memref<128x128xf32, #tpu.memory_space<vmem>>
        %dma_wait3A_171 = arith.constant 0 : i32
        %dma_wait3A_172 = tpu.memref_slice %arg7[%add3A_116, %dma_wait3A_171] : memref<40x128xi32, #tpu.memory_space<vmem>> -> memref<1x128xi32, #tpu.memory_space<vmem>>
        %dma_wait3A_173 = tpu.memref_squeeze %dma_wait3A_172 : memref<1x128xi32, #tpu.memory_space<vmem>> -> memref<128xi32, #tpu.memory_space<vmem>>
        %dma_wait3A_174 = arith.constant 0 : i32
        %dma_wait3A_175 = arith.constant 0 : i32
        %dma_wait3A_176 = tpu.memref_slice %arg9[%dma_wait3A_174, %dma_wait3A_175] : memref<10240x128xf32, #tpu.memory_space<vmem_shared>> -> memref<10240x128xf32, #tpu.memory_space<vmem_shared>>
        tpu.wait_indirect_dma semaphore(%run_scoped3A_156 : memref<!tpu.dma_semaphore, #tpu.memory_space<semaphore_mem>>) src(%dma_wait3A_170 : memref<128x128xf32, #tpu.memory_space<vmem>>) dst(%dma_wait3A_176 : memref<10240x128xf32, #tpu.memory_space<vmem_shared>>)
        tpu.yield
      }) : () -> ()
      %add3A_128 = arith.constant 2 : i32
      %add3A_129 = arith.addi %add3A_116, %add3A_128 : i32
      %lt3A_130 = arith.constant 40 : i32
      %lt3A_131 = arith.cmpi slt, %add3A_129, %lt3A_130 : i32
      %convert_element_type3A_132 = arith.extui %lt3A_131 : i1 to i32
      %cond3A_133 = arith.constant 0 : i32
      %cond3A_134 = arith.cmpi ne, %convert_element_type3A_132, %cond3A_133 : i32
      scf.if %cond3A_134 {
        %add3A_156 = arith.constant 2 : i32
        %add3A_157 = arith.addi %add3A_116, %add3A_156 : i32
        %dma_start3A_158 = arith.constant 0 : i32
        %dma_start3A_159 = arith.constant 0 : i32
        %dma_start3A_160 = arith.constant 0 : i32
        %dma_start3A_161 = tpu.memref_slice %arg8[%dma_start3A_158, %dma_start3A_159, %dma_start3A_160] : memref<2x128x128xf32, #tpu.memory_space<vmem>> -> memref<1x128x128xf32, #tpu.memory_space<vmem>>
        %dma_start3A_162 = tpu.memref_squeeze %dma_start3A_161 : memref<1x128x128xf32, #tpu.memory_space<vmem>> -> memref<128x128xf32, #tpu.memory_space<vmem>>
        %dma_start3A_163 = arith.constant 0 : i32
        %dma_start3A_164 = tpu.memref_slice %arg6[%add3A_157, %dma_start3A_163] : memref<40x128xi32, #tpu.memory_space<vmem>> -> memref<1x128xi32, #tpu.memory_space<vmem>>
        %dma_start3A_165 = tpu.memref_squeeze %dma_start3A_164 : memref<1x128xi32, #tpu.memory_space<vmem>> -> memref<128xi32, #tpu.memory_space<vmem>>
        %dma_start3A_166 = arith.constant 0 : i32
        %dma_start3A_167 = arith.constant 0 : i32
        %dma_start3A_168 = tpu.memref_slice %arg2[%dma_start3A_166, %dma_start3A_167] : memref<10000x128xf32, #tpu.memory_space<hbm>> -> memref<10000x128xf32, #tpu.memory_space<hbm>>
        tpu.enqueue_indirect_dma source(%dma_start3A_168 : memref<10000x128xf32, #tpu.memory_space<hbm>>) target(%dma_start3A_162 : memref<128x128xf32, #tpu.memory_space<vmem>>) offsets(%dma_start3A_165 : memref<128xi32, #tpu.memory_space<vmem>>) semaphore(%arg10 : memref<!tpu.dma_semaphore, #tpu.memory_space<semaphore_mem>>)
      } else {
      }
      %add3A_135 = arith.constant 1 : i32
      %add3A_136 = arith.addi %mul3A_114, %add3A_135 : i32
      %dma_wait3A_137 = arith.constant 1 : i32
      %dma_wait3A_138 = arith.constant 0 : i32
      %dma_wait3A_139 = arith.constant 0 : i32
      %dma_wait3A_140 = tpu.memref_slice %arg8[%dma_wait3A_137, %dma_wait3A_138, %dma_wait3A_139] : memref<2x128x128xf32, #tpu.memory_space<vmem>> -> memref<1x128x128xf32, #tpu.memory_space<vmem>>
      %dma_wait3A_141 = tpu.memref_squeeze %dma_wait3A_140 : memref<1x128x128xf32, #tpu.memory_space<vmem>> -> memref<128x128xf32, #tpu.memory_space<vmem>>
      %dma_wait3A_142 = arith.constant 0 : i32
      %dma_wait3A_143 = tpu.memref_slice %arg6[%add3A_136, %dma_wait3A_142] : memref<40x128xi32, #tpu.memory_space<vmem>> -> memref<1x128xi32, #tpu.memory_space<vmem>>
      %dma_wait3A_144 = tpu.memref_squeeze %dma_wait3A_143 : memref<1x128xi32, #tpu.memory_space<vmem>> -> memref<128xi32, #tpu.memory_space<vmem>>
      %dma_wait3A_145 = arith.constant 0 : i32
      %dma_wait3A_146 = arith.constant 0 : i32
      %dma_wait3A_147 = tpu.memref_slice %arg2[%dma_wait3A_145, %dma_wait3A_146] : memref<10000x128xf32, #tpu.memory_space<hbm>> -> memref<10000x128xf32, #tpu.memory_space<hbm>>
      tpu.wait_indirect_dma semaphore(%arg11 : memref<!tpu.dma_semaphore, #tpu.memory_space<semaphore_mem>>) src(%dma_wait3A_147 : memref<10000x128xf32, #tpu.memory_space<hbm>>) dst(%dma_wait3A_141 : memref<128x128xf32, #tpu.memory_space<vmem>>)
      %run_scoped3A_148 = arith.constant 1 : i32
      "tpu.region"() ({
        %run_scoped3A_156 = tpu.sem_alloc : memref<!tpu.dma_semaphore, #tpu.memory_space<semaphore_mem>>
        %dma_start3A_157 = arith.constant 0 : i32
        %dma_start3A_158 = arith.constant 0 : i32
        %dma_start3A_159 = tpu.memref_slice %arg8[%run_scoped3A_148, %dma_start3A_157, %dma_start3A_158] : memref<2x128x128xf32, #tpu.memory_space<vmem>> -> memref<1x128x128xf32, #tpu.memory_space<vmem>>
        %dma_start3A_160 = tpu.memref_squeeze %dma_start3A_159 : memref<1x128x128xf32, #tpu.memory_space<vmem>> -> memref<128x128xf32, #tpu.memory_space<vmem>>
        %dma_start3A_161 = arith.constant 0 : i32
        %dma_start3A_162 = tpu.memref_slice %arg7[%add3A_136, %dma_start3A_161] : memref<40x128xi32, #tpu.memory_space<vmem>> -> memref<1x128xi32, #tpu.memory_space<vmem>>
        %dma_start3A_163 = tpu.memref_squeeze %dma_start3A_162 : memref<1x128xi32, #tpu.memory_space<vmem>> -> memref<128xi32, #tpu.memory_space<vmem>>
        %dma_start3A_164 = arith.constant 0 : i32
        %dma_start3A_165 = arith.constant 0 : i32
        %dma_start3A_166 = tpu.memref_slice %arg9[%dma_start3A_164, %dma_start3A_165] : memref<10240x128xf32, #tpu.memory_space<vmem_shared>> -> memref<10240x128xf32, #tpu.memory_space<vmem_shared>>
        tpu.enqueue_indirect_dma source(%dma_start3A_160 : memref<128x128xf32, #tpu.memory_space<vmem>>) target(%dma_start3A_166 : memref<10240x128xf32, #tpu.memory_space<vmem_shared>>) offsets(%dma_start3A_163 : memref<128xi32, #tpu.memory_space<vmem>>) semaphore(%run_scoped3A_156 : memref<!tpu.dma_semaphore, #tpu.memory_space<semaphore_mem>>) {add = true}
        %dma_wait3A_167 = arith.constant 0 : i32
        %dma_wait3A_168 = arith.constant 0 : i32
        %dma_wait3A_169 = tpu.memref_slice %arg8[%run_scoped3A_148, %dma_wait3A_167, %dma_wait3A_168] : memref<2x128x128xf32, #tpu.memory_space<vmem>> -> memref<1x128x128xf32, #tpu.memory_space<vmem>>
        %dma_wait3A_170 = tpu.memref_squeeze %dma_wait3A_169 : memref<1x128x128xf32, #tpu.memory_space<vmem>> -> memref<128x128xf32, #tpu.memory_space<vmem>>
        %dma_wait3A_171 = arith.constant 0 : i32
        %dma_wait3A_172 = tpu.memref_slice %arg7[%add3A_136, %dma_wait3A_171] : memref<40x128xi32, #tpu.memory_space<vmem>> -> memref<1x128xi32, #tpu.memory_space<vmem>>
        %dma_wait3A_173 = tpu.memref_squeeze %dma_wait3A_172 : memref<1x128xi32, #tpu.memory_space<vmem>> -> memref<128xi32, #tpu.memory_space<vmem>>
        %dma_wait3A_174 = arith.constant 0 : i32
        %dma_wait3A_175 = arith.constant 0 : i32
        %dma_wait3A_176 = tpu.memref_slice %arg9[%dma_wait3A_174, %dma_wait3A_175] : memref<10240x128xf32, #tpu.memory_space<vmem_shared>> -> memref<10240x128xf32, #tpu.memory_space<vmem_shared>>
        tpu.wait_indirect_dma semaphore(%run_scoped3A_156 : memref<!tpu.dma_semaphore, #tpu.memory_space<semaphore_mem>>) src(%dma_wait3A_170 : memref<128x128xf32, #tpu.memory_space<vmem>>) dst(%dma_wait3A_176 : memref<10240x128xf32, #tpu.memory_space<vmem_shared>>)
        tpu.yield
      }) : () -> ()
      %add3A_149 = arith.constant 2 : i32
      %add3A_150 = arith.addi %add3A_136, %add3A_149 : i32
      %lt3A_151 = arith.constant 40 : i32
      %lt3A_152 = arith.cmpi slt, %add3A_150, %lt3A_151 : i32
      %convert_element_type3A_153 = arith.extui %lt3A_152 : i1 to i32
      %cond3A_154 = arith.constant 0 : i32
      %cond3A_155 = arith.cmpi ne, %convert_element_type3A_153, %cond3A_154 : i32
      scf.if %cond3A_155 {
        %add3A_156 = arith.constant 2 : i32
        %add3A_157 = arith.addi %add3A_136, %add3A_156 : i32
        %dma_start3A_158 = arith.constant 1 : i32
        %dma_start3A_159 = arith.constant 0 : i32
        %dma_start3A_160 = arith.constant 0 : i32
        %dma_start3A_161 = tpu.memref_slice %arg8[%dma_start3A_158, %dma_start3A_159, %dma_start3A_160] : memref<2x128x128xf32, #tpu.memory_space<vmem>> -> memref<1x128x128xf32, #tpu.memory_space<vmem>>
        %dma_start3A_162 = tpu.memref_squeeze %dma_start3A_161 : memref<1x128x128xf32, #tpu.memory_space<vmem>> -> memref<128x128xf32, #tpu.memory_space<vmem>>
        %dma_start3A_163 = arith.constant 0 : i32
        %dma_start3A_164 = tpu.memref_slice %arg6[%add3A_157, %dma_start3A_163] : memref<40x128xi32, #tpu.memory_space<vmem>> -> memref<1x128xi32, #tpu.memory_space<vmem>>
        %dma_start3A_165 = tpu.memref_squeeze %dma_start3A_164 : memref<1x128xi32, #tpu.memory_space<vmem>> -> memref<128xi32, #tpu.memory_space<vmem>>
        %dma_start3A_166 = arith.constant 0 : i32
        %dma_start3A_167 = arith.constant 0 : i32
        %dma_start3A_168 = tpu.memref_slice %arg2[%dma_start3A_166, %dma_start3A_167] : memref<10000x128xf32, #tpu.memory_space<hbm>> -> memref<10000x128xf32, #tpu.memory_space<hbm>>
        tpu.enqueue_indirect_dma source(%dma_start3A_168 : memref<10000x128xf32, #tpu.memory_space<hbm>>) target(%dma_start3A_162 : memref<128x128xf32, #tpu.memory_space<vmem>>) offsets(%dma_start3A_165 : memref<128xi32, #tpu.memory_space<vmem>>) semaphore(%arg11 : memref<!tpu.dma_semaphore, #tpu.memory_space<semaphore_mem>>)
      } else {
      }
    }
    %scan3A_106 = arith.constant 20 : i32
    %barrier3A_107 = arith.constant 0 : index
    tpu.barrier barrier_id(%barrier3A_107)
    %mul3A_108 = arith.constant 640 : i32
    %mul3A_109 = arith.muli %arg1, %mul3A_108 : i32
    %mul3A_110 = arith.constant 640 : i32
    %mul3A_111 = arith.muli %arg1, %mul3A_110 : i32
    "tpu.region"() ({
      %run_scoped3A_112 = tpu.sem_alloc : memref<!tpu.dma_semaphore, #tpu.memory_space<semaphore_mem>>
      %dma_start3A_113 = arith.constant 0 : i32
      %dma_start3A_114 = tpu.memref_slice %arg5[%arg0, %mul3A_111, %dma_start3A_113] : memref<2x10240x128xf32, #tpu.memory_space<hbm>> -> memref<1x640x128xf32, #tpu.memory_space<hbm>>
      %dma_start3A_115 = tpu.memref_squeeze %dma_start3A_114 : memref<1x640x128xf32, #tpu.memory_space<hbm>> -> memref<640x128xf32, #tpu.memory_space<hbm>>
      %dma_start3A_116 = arith.constant 0 : i32
      %dma_start3A_117 = tpu.memref_slice %arg9[%mul3A_109, %dma_start3A_116] : memref<10240x128xf32, #tpu.memory_space<vmem_shared>> -> memref<640x128xf32, #tpu.memory_space<vmem_shared>>
      tpu.enqueue_dma source(%dma_start3A_117 : memref<640x128xf32, #tpu.memory_space<vmem_shared>>) target(%dma_start3A_115 : memref<640x128xf32, #tpu.memory_space<hbm>>) target_semaphore(%run_scoped3A_112 : memref<!tpu.dma_semaphore, #tpu.memory_space<semaphore_mem>>)
      %dma_wait3A = arith.constant 0 : i32
      %dma_wait3A_118 = tpu.memref_slice %arg5[%arg0, %mul3A_111, %dma_wait3A] : memref<2x10240x128xf32, #tpu.memory_space<hbm>> -> memref<1x640x128xf32, #tpu.memory_space<hbm>>
      %dma_wait3A_119 = tpu.memref_squeeze %dma_wait3A_118 : memref<1x640x128xf32, #tpu.memory_space<hbm>> -> memref<640x128xf32, #tpu.memory_space<hbm>>
      %dma_wait3A_120 = arith.constant 0 : i32
      %dma_wait3A_121 = tpu.memref_slice %arg9[%mul3A_109, %dma_wait3A_120] : memref<10240x128xf32, #tpu.memory_space<vmem_shared>> -> memref<640x128xf32, #tpu.memory_space<vmem_shared>>
      tpu.wait_dma2 semaphore(%run_scoped3A_112 : memref<!tpu.dma_semaphore, #tpu.memory_space<semaphore_mem>>) src(%dma_wait3A_121 : memref<640x128xf32, #tpu.memory_space<vmem_shared>>) dst(%dma_wait3A_119 : memref<640x128xf32, #tpu.memory_space<hbm>>)
      tpu.yield
    }) : () -> ()
    return
  }
}

#map = affine_map<(d0, d1) -> (0, 0)>
#map1 = affine_map<(d0, d1) -> (0, 0, 0)>
module attributes {stable_mosaic.version = 14 : i64} {
  func.func @_agg_body(%arg0: i32, %arg1: i32, %arg2: memref<10000x64xf32, #tpu.memory_space<hbm>>, %arg3: memref<2x2500x128xi32, #tpu.memory_space<hbm>>, %arg4: memref<2x60x128xi32, #tpu.memory_space<hbm>>, %arg5: memref<2x10240x64xf32, #tpu.memory_space<hbm>>, %arg6: memref<40x128xi32, #tpu.memory_space<vmem>>, %arg7: memref<40x128xi32, #tpu.memory_space<vmem>>, %arg8: memref<2x128x64xf32, #tpu.memory_space<vmem>>, %arg9: memref<10240x64xf32, #tpu.memory_space<vmem_shared>>, %arg10: memref<!tpu.dma_semaphore, #tpu.memory_space<semaphore_mem>>, %arg11: memref<!tpu.dma_semaphore, #tpu.memory_space<semaphore_mem>>) attributes {dimension_semantics = [#tpu.dimension_semantics<core_parallel>, #tpu.dimension_semantics<subcore_parallel>], iteration_bounds = array<i64: 2, 16>, scalar_prefetch = 0 : i64, scratch_operands = 6 : i64, tpu.core_type = #tpu.core_type<sc_vector_subcore>, window_params = [{transform_indices = #map}, {transform_indices = #map1}, {transform_indices = #map1}, {transform_indices = #map1}]} {
    %mul3A = arith.constant 16 : i32
    %mul3A_0 = arith.muli %arg0, %mul3A : i32
    %add3A = arith.addi %mul3A_0, %arg1 : i32
    %broadcast_in_dim3A = arith.constant 0.000000e+00 : f32
    %broadcast_in_dim3A_1 = vector.broadcast %broadcast_in_dim3A : f32 to vector<16xf32>
    %scan3A = arith.constant 0 : i32
    %scan3A_2 = arith.constant 0 : i32
    %scan3A_3 = arith.constant 0 : i32
    %scan3A_4 = arith.constant 512 : i32
    %scan3A_5 = arith.addi %scan3A_3, %scan3A_4 : i32
    %scan3A_6 = arith.constant 1 : i32
    scf.for %scan3A_112 = %scan3A_3 to %scan3A_5 step %scan3A_6  : i32 {
      %jit3A = arith.constant 4 : i32
      %div3A = arith.divsi %scan3A_112, %jit3A : i32
      %sign3A = arith.constant 0 : i32
      %sign3A_113 = arith.cmpi sgt, %scan3A_112, %sign3A : i32
      %sign3A_114 = arith.extui %sign3A_113 : i1 to i32
      %sign3A_115 = arith.constant 0 : i32
      %sign3A_116 = arith.cmpi slt, %scan3A_112, %sign3A_115 : i32
      %sign3A_117 = arith.extui %sign3A_116 : i1 to i32
      %sign3A_118 = arith.subi %sign3A_114, %sign3A_117 : i32
      %sign3A_119 = arith.constant 0 : i32
      %sign3A_120 = arith.cmpi sgt, %jit3A, %sign3A_119 : i32
      %sign3A_121 = arith.extui %sign3A_120 : i1 to i32
      %sign3A_122 = arith.constant 0 : i32
      %sign3A_123 = arith.cmpi slt, %jit3A, %sign3A_122 : i32
      %sign3A_124 = arith.extui %sign3A_123 : i1 to i32
      %sign3A_125 = arith.subi %sign3A_121, %sign3A_124 : i32
      %ne3A = arith.cmpi ne, %sign3A_118, %sign3A_125 : i32
      %rem3A = arith.remsi %scan3A_112, %jit3A : i32
      %ne3A_126 = arith.constant 0 : i32
      %ne3A_127 = arith.cmpi ne, %rem3A, %ne3A_126 : i32
      %and3A = arith.andi %ne3A, %ne3A_127 : i1
      %sub3A = arith.constant 1 : i32
      %sub3A_128 = arith.subi %div3A, %sub3A : i32
      %select_n3A = arith.select %and3A, %sub3A_128, %div3A : i32
      %jit3A_129 = arith.constant 4 : i32
      %eq3A_130 = arith.constant 0 : i32
      %eq3A_131 = arith.cmpi eq, %jit3A_129, %eq3A_130 : i32
      %jit3A_132 = arith.constant 1 : i32
      %select_n3A_133 = arith.select %eq3A_131, %jit3A_132, %jit3A_129 : i32
      %rem3A_134 = arith.remsi %scan3A_112, %select_n3A_133 : i32
      %ne3A_135 = arith.constant 0 : i32
      %ne3A_136 = arith.cmpi ne, %rem3A_134, %ne3A_135 : i32
      %lt3A_137 = arith.constant 0 : i32
      %lt3A_138 = arith.cmpi slt, %rem3A_134, %lt3A_137 : i32
      %lt3A_139 = arith.constant 0 : i32
      %lt3A_140 = arith.cmpi slt, %select_n3A_133, %lt3A_139 : i32
      %ne3A_141 = arith.xori %lt3A_138, %lt3A_140 : i1
      %and3A_142 = arith.andi %ne3A_141, %ne3A_136 : i1
      %add3A_143 = arith.addi %rem3A_134, %select_n3A_133 : i32
      %select_n3A_144 = arith.select %and3A_142, %add3A_143, %rem3A_134 : i32
      %mul3A_145 = arith.constant 16 : i32
      %mul3A_146 = arith.muli %select_n3A_144, %mul3A_145 : i32
      %swap3A = arith.constant 0 : i32
      %swap3A_147 = arith.constant 0 : i32
      %swap3A_148 = tpu.memref_slice %arg8[%scan3A_2, %swap3A, %swap3A_147] : memref<2x128x64xf32, #tpu.memory_space<vmem>> -> memref<1x128x64xf32, #tpu.memory_space<vmem>>
      %swap3A_149 = tpu.memref_squeeze %swap3A_148 : memref<1x128x64xf32, #tpu.memory_space<vmem>> -> memref<128x64xf32, #tpu.memory_space<vmem>>
      %swap3A_150 = arith.index_cast %select_n3A : i32 to index
      %swap3A_151 = arith.index_cast %mul3A_146 : i32 to index
      %swap3A_152 = tpu.vector_load %swap3A_149[%swap3A_150, %swap3A_151] {strides = array<i32>} : memref<128x64xf32, #tpu.memory_space<vmem>>, vector<1x16xf32>,
      %swap3A_153 = vector.shape_cast %swap3A_152 : vector<1x16xf32> to vector<16xf32>
      %swap3A_154 = vector.shape_cast %broadcast_in_dim3A_1 : vector<16xf32> to vector<1x16xf32>
      tpu.vector_store %swap3A_149[%swap3A_150, %swap3A_151], %swap3A_154 {strides = array<i32>} : memref<128x64xf32, #tpu.memory_space<vmem>>, vector<1x16xf32>,
    }
    %scan3A_7 = arith.constant 512 : i32
    %mul3A_8 = arith.constant 640 : i32
    %mul3A_9 = arith.muli %arg1, %mul3A_8 : i32
    %add3A_10 = arith.constant 0 : i32
    %add3A_11 = arith.addi %mul3A_9, %add3A_10 : i32
    %run_scoped3A = arith.constant 0 : i32
    "tpu.region"() ({
      %run_scoped3A_112 = tpu.sem_alloc : memref<!tpu.dma_semaphore, #tpu.memory_space<semaphore_mem>>
      %dma_start3A_113 = arith.constant 0 : i32
      %dma_start3A_114 = arith.constant 0 : i32
      %dma_start3A_115 = tpu.memref_slice %arg8[%run_scoped3A, %dma_start3A_113, %dma_start3A_114] : memref<2x128x64xf32, #tpu.memory_space<vmem>> -> memref<1x128x64xf32, #tpu.memory_space<vmem>>
      %dma_start3A_116 = tpu.memref_squeeze %dma_start3A_115 : memref<1x128x64xf32, #tpu.memory_space<vmem>> -> memref<128x64xf32, #tpu.memory_space<vmem>>
      %dma_start3A_117 = arith.constant 0 : i32
      %dma_start3A_118 = tpu.memref_slice %arg9[%add3A_11, %dma_start3A_117] : memref<10240x64xf32, #tpu.memory_space<vmem_shared>> -> memref<128x64xf32, #tpu.memory_space<vmem_shared>>
      %dma_start3A_119 = arith.constant 0 : i32
      %dma_start3A_120 = tpu.memref_slice %arg9[%add3A_11, %dma_start3A_119] : memref<10240x64xf32, #tpu.memory_space<vmem_shared>> -> memref<128x64xf32, #tpu.memory_space<vmem_shared>>
      %dma_start3A_121 = arith.constant 0 : i32
      %dma_start3A_122 = arith.constant 0 : i32
      %dma_start3A_123 = tpu.memref_slice %arg8[%run_scoped3A, %dma_start3A_121, %dma_start3A_122] : memref<2x128x64xf32, #tpu.memory_space<vmem>> -> memref<1x128x64xf32, #tpu.memory_space<vmem>>
      %dma_start3A_124 = tpu.memref_squeeze %dma_start3A_123 : memref<1x128x64xf32, #tpu.memory_space<vmem>> -> memref<128x64xf32, #tpu.memory_space<vmem>>
      tpu.enqueue_dma source(%dma_start3A_124 : memref<128x64xf32, #tpu.memory_space<vmem>>) target(%dma_start3A_120 : memref<128x64xf32, #tpu.memory_space<vmem_shared>>) target_semaphore(%run_scoped3A_112 : memref<!tpu.dma_semaphore, #tpu.memory_space<semaphore_mem>>)
      %dma_wait3A = arith.constant 0 : i32
      %dma_wait3A_125 = arith.constant 0 : i32
      %dma_wait3A_126 = tpu.memref_slice %arg8[%run_scoped3A, %dma_wait3A, %dma_wait3A_125] : memref<2x128x64xf32, #tpu.memory_space<vmem>> -> memref<1x128x64xf32, #tpu.memory_space<vmem>>
      %dma_wait3A_127 = tpu.memref_squeeze %dma_wait3A_126 : memref<1x128x64xf32, #tpu.memory_space<vmem>> -> memref<128x64xf32, #tpu.memory_space<vmem>>
      %dma_wait3A_128 = arith.constant 0 : i32
      %dma_wait3A_129 = tpu.memref_slice %arg9[%add3A_11, %dma_wait3A_128] : memref<10240x64xf32, #tpu.memory_space<vmem_shared>> -> memref<128x64xf32, #tpu.memory_space<vmem_shared>>
      %dma_wait3A_130 = arith.constant 0 : i32
      %dma_wait3A_131 = tpu.memref_slice %arg9[%add3A_11, %dma_wait3A_130] : memref<10240x64xf32, #tpu.memory_space<vmem_shared>> -> memref<128x64xf32, #tpu.memory_space<vmem_shared>>
      %dma_wait3A_132 = arith.constant 0 : i32
      %dma_wait3A_133 = arith.constant 0 : i32
      %dma_wait3A_134 = tpu.memref_slice %arg8[%run_scoped3A, %dma_wait3A_132, %dma_wait3A_133] : memref<2x128x64xf32, #tpu.memory_space<vmem>> -> memref<1x128x64xf32, #tpu.memory_space<vmem>>
      %dma_wait3A_135 = tpu.memref_squeeze %dma_wait3A_134 : memref<1x128x64xf32, #tpu.memory_space<vmem>> -> memref<128x64xf32, #tpu.memory_space<vmem>>
      tpu.wait_dma2 semaphore(%run_scoped3A_112 : memref<!tpu.dma_semaphore, #tpu.memory_space<semaphore_mem>>) src(%dma_wait3A_135 : memref<128x64xf32, #tpu.memory_space<vmem>>) dst(%dma_wait3A_131 : memref<128x64xf32, #tpu.memory_space<vmem_shared>>)
      tpu.yield
    }) : () -> ()
    %mul3A_12 = arith.constant 640 : i32
    %mul3A_13 = arith.muli %arg1, %mul3A_12 : i32
    %add3A_14 = arith.constant 128 : i32
    %add3A_15 = arith.addi %mul3A_13, %add3A_14 : i32
    %run_scoped3A_16 = arith.constant 0 : i32
    "tpu.region"() ({
      %run_scoped3A_112 = tpu.sem_alloc : memref<!tpu.dma_semaphore, #tpu.memory_space<semaphore_mem>>
      %dma_start3A_113 = arith.constant 0 : i32
      %dma_start3A_114 = arith.constant 0 : i32
      %dma_start3A_115 = tpu.memref_slice %arg8[%run_scoped3A_16, %dma_start3A_113, %dma_start3A_114] : memref<2x128x64xf32, #tpu.memory_space<vmem>> -> memref<1x128x64xf32, #tpu.memory_space<vmem>>
      %dma_start3A_116 = tpu.memref_squeeze %dma_start3A_115 : memref<1x128x64xf32, #tpu.memory_space<vmem>> -> memref<128x64xf32, #tpu.memory_space<vmem>>
      %dma_start3A_117 = arith.constant 0 : i32
      %dma_start3A_118 = tpu.memref_slice %arg9[%add3A_15, %dma_start3A_117] : memref<10240x64xf32, #tpu.memory_space<vmem_shared>> -> memref<128x64xf32, #tpu.memory_space<vmem_shared>>
      %dma_start3A_119 = arith.constant 0 : i32
      %dma_start3A_120 = tpu.memref_slice %arg9[%add3A_15, %dma_start3A_119] : memref<10240x64xf32, #tpu.memory_space<vmem_shared>> -> memref<128x64xf32, #tpu.memory_space<vmem_shared>>
      %dma_start3A_121 = arith.constant 0 : i32
      %dma_start3A_122 = arith.constant 0 : i32
      %dma_start3A_123 = tpu.memref_slice %arg8[%run_scoped3A_16, %dma_start3A_121, %dma_start3A_122] : memref<2x128x64xf32, #tpu.memory_space<vmem>> -> memref<1x128x64xf32, #tpu.memory_space<vmem>>
      %dma_start3A_124 = tpu.memref_squeeze %dma_start3A_123 : memref<1x128x64xf32, #tpu.memory_space<vmem>> -> memref<128x64xf32, #tpu.memory_space<vmem>>
      tpu.enqueue_dma source(%dma_start3A_124 : memref<128x64xf32, #tpu.memory_space<vmem>>) target(%dma_start3A_120 : memref<128x64xf32, #tpu.memory_space<vmem_shared>>) target_semaphore(%run_scoped3A_112 : memref<!tpu.dma_semaphore, #tpu.memory_space<semaphore_mem>>)
      %dma_wait3A = arith.constant 0 : i32
      %dma_wait3A_125 = arith.constant 0 : i32
      %dma_wait3A_126 = tpu.memref_slice %arg8[%run_scoped3A_16, %dma_wait3A, %dma_wait3A_125] : memref<2x128x64xf32, #tpu.memory_space<vmem>> -> memref<1x128x64xf32, #tpu.memory_space<vmem>>
      %dma_wait3A_127 = tpu.memref_squeeze %dma_wait3A_126 : memref<1x128x64xf32, #tpu.memory_space<vmem>> -> memref<128x64xf32, #tpu.memory_space<vmem>>
      %dma_wait3A_128 = arith.constant 0 : i32
      %dma_wait3A_129 = tpu.memref_slice %arg9[%add3A_15, %dma_wait3A_128] : memref<10240x64xf32, #tpu.memory_space<vmem_shared>> -> memref<128x64xf32, #tpu.memory_space<vmem_shared>>
      %dma_wait3A_130 = arith.constant 0 : i32
      %dma_wait3A_131 = tpu.memref_slice %arg9[%add3A_15, %dma_wait3A_130] : memref<10240x64xf32, #tpu.memory_space<vmem_shared>> -> memref<128x64xf32, #tpu.memory_space<vmem_shared>>
      %dma_wait3A_132 = arith.constant 0 : i32
      %dma_wait3A_133 = arith.constant 0 : i32
      %dma_wait3A_134 = tpu.memref_slice %arg8[%run_scoped3A_16, %dma_wait3A_132, %dma_wait3A_133] : memref<2x128x64xf32, #tpu.memory_space<vmem>> -> memref<1x128x64xf32, #tpu.memory_space<vmem>>
      %dma_wait3A_135 = tpu.memref_squeeze %dma_wait3A_134 : memref<1x128x64xf32, #tpu.memory_space<vmem>> -> memref<128x64xf32, #tpu.memory_space<vmem>>
      tpu.wait_dma2 semaphore(%run_scoped3A_112 : memref<!tpu.dma_semaphore, #tpu.memory_space<semaphore_mem>>) src(%dma_wait3A_135 : memref<128x64xf32, #tpu.memory_space<vmem>>) dst(%dma_wait3A_131 : memref<128x64xf32, #tpu.memory_space<vmem_shared>>)
      tpu.yield
    }) : () -> ()
    %mul3A_17 = arith.constant 640 : i32
    %mul3A_18 = arith.muli %arg1, %mul3A_17 : i32
    %add3A_19 = arith.constant 256 : i32
    %add3A_20 = arith.addi %mul3A_18, %add3A_19 : i32
    %run_scoped3A_21 = arith.constant 0 : i32
    "tpu.region"() ({
      %run_scoped3A_112 = tpu.sem_alloc : memref<!tpu.dma_semaphore, #tpu.memory_space<semaphore_mem>>
      %dma_start3A_113 = arith.constant 0 : i32
      %dma_start3A_114 = arith.constant 0 : i32
      %dma_start3A_115 = tpu.memref_slice %arg8[%run_scoped3A_21, %dma_start3A_113, %dma_start3A_114] : memref<2x128x64xf32, #tpu.memory_space<vmem>> -> memref<1x128x64xf32, #tpu.memory_space<vmem>>
      %dma_start3A_116 = tpu.memref_squeeze %dma_start3A_115 : memref<1x128x64xf32, #tpu.memory_space<vmem>> -> memref<128x64xf32, #tpu.memory_space<vmem>>
      %dma_start3A_117 = arith.constant 0 : i32
      %dma_start3A_118 = tpu.memref_slice %arg9[%add3A_20, %dma_start3A_117] : memref<10240x64xf32, #tpu.memory_space<vmem_shared>> -> memref<128x64xf32, #tpu.memory_space<vmem_shared>>
      %dma_start3A_119 = arith.constant 0 : i32
      %dma_start3A_120 = tpu.memref_slice %arg9[%add3A_20, %dma_start3A_119] : memref<10240x64xf32, #tpu.memory_space<vmem_shared>> -> memref<128x64xf32, #tpu.memory_space<vmem_shared>>
      %dma_start3A_121 = arith.constant 0 : i32
      %dma_start3A_122 = arith.constant 0 : i32
      %dma_start3A_123 = tpu.memref_slice %arg8[%run_scoped3A_21, %dma_start3A_121, %dma_start3A_122] : memref<2x128x64xf32, #tpu.memory_space<vmem>> -> memref<1x128x64xf32, #tpu.memory_space<vmem>>
      %dma_start3A_124 = tpu.memref_squeeze %dma_start3A_123 : memref<1x128x64xf32, #tpu.memory_space<vmem>> -> memref<128x64xf32, #tpu.memory_space<vmem>>
      tpu.enqueue_dma source(%dma_start3A_124 : memref<128x64xf32, #tpu.memory_space<vmem>>) target(%dma_start3A_120 : memref<128x64xf32, #tpu.memory_space<vmem_shared>>) target_semaphore(%run_scoped3A_112 : memref<!tpu.dma_semaphore, #tpu.memory_space<semaphore_mem>>)
      %dma_wait3A = arith.constant 0 : i32
      %dma_wait3A_125 = arith.constant 0 : i32
      %dma_wait3A_126 = tpu.memref_slice %arg8[%run_scoped3A_21, %dma_wait3A, %dma_wait3A_125] : memref<2x128x64xf32, #tpu.memory_space<vmem>> -> memref<1x128x64xf32, #tpu.memory_space<vmem>>
      %dma_wait3A_127 = tpu.memref_squeeze %dma_wait3A_126 : memref<1x128x64xf32, #tpu.memory_space<vmem>> -> memref<128x64xf32, #tpu.memory_space<vmem>>
      %dma_wait3A_128 = arith.constant 0 : i32
      %dma_wait3A_129 = tpu.memref_slice %arg9[%add3A_20, %dma_wait3A_128] : memref<10240x64xf32, #tpu.memory_space<vmem_shared>> -> memref<128x64xf32, #tpu.memory_space<vmem_shared>>
      %dma_wait3A_130 = arith.constant 0 : i32
      %dma_wait3A_131 = tpu.memref_slice %arg9[%add3A_20, %dma_wait3A_130] : memref<10240x64xf32, #tpu.memory_space<vmem_shared>> -> memref<128x64xf32, #tpu.memory_space<vmem_shared>>
      %dma_wait3A_132 = arith.constant 0 : i32
      %dma_wait3A_133 = arith.constant 0 : i32
      %dma_wait3A_134 = tpu.memref_slice %arg8[%run_scoped3A_21, %dma_wait3A_132, %dma_wait3A_133] : memref<2x128x64xf32, #tpu.memory_space<vmem>> -> memref<1x128x64xf32, #tpu.memory_space<vmem>>
      %dma_wait3A_135 = tpu.memref_squeeze %dma_wait3A_134 : memref<1x128x64xf32, #tpu.memory_space<vmem>> -> memref<128x64xf32, #tpu.memory_space<vmem>>
      tpu.wait_dma2 semaphore(%run_scoped3A_112 : memref<!tpu.dma_semaphore, #tpu.memory_space<semaphore_mem>>) src(%dma_wait3A_135 : memref<128x64xf32, #tpu.memory_space<vmem>>) dst(%dma_wait3A_131 : memref<128x64xf32, #tpu.memory_space<vmem_shared>>)
      tpu.yield
    }) : () -> ()
    %mul3A_22 = arith.constant 640 : i32
    %mul3A_23 = arith.muli %arg1, %mul3A_22 : i32
    %add3A_24 = arith.constant 384 : i32
    %add3A_25 = arith.addi %mul3A_23, %add3A_24 : i32
    %run_scoped3A_26 = arith.constant 0 : i32
    "tpu.region"() ({
      %run_scoped3A_112 = tpu.sem_alloc : memref<!tpu.dma_semaphore, #tpu.memory_space<semaphore_mem>>
      %dma_start3A_113 = arith.constant 0 : i32
      %dma_start3A_114 = arith.constant 0 : i32
      %dma_start3A_115 = tpu.memref_slice %arg8[%run_scoped3A_26, %dma_start3A_113, %dma_start3A_114] : memref<2x128x64xf32, #tpu.memory_space<vmem>> -> memref<1x128x64xf32, #tpu.memory_space<vmem>>
      %dma_start3A_116 = tpu.memref_squeeze %dma_start3A_115 : memref<1x128x64xf32, #tpu.memory_space<vmem>> -> memref<128x64xf32, #tpu.memory_space<vmem>>
      %dma_start3A_117 = arith.constant 0 : i32
      %dma_start3A_118 = tpu.memref_slice %arg9[%add3A_25, %dma_start3A_117] : memref<10240x64xf32, #tpu.memory_space<vmem_shared>> -> memref<128x64xf32, #tpu.memory_space<vmem_shared>>
      %dma_start3A_119 = arith.constant 0 : i32
      %dma_start3A_120 = tpu.memref_slice %arg9[%add3A_25, %dma_start3A_119] : memref<10240x64xf32, #tpu.memory_space<vmem_shared>> -> memref<128x64xf32, #tpu.memory_space<vmem_shared>>
      %dma_start3A_121 = arith.constant 0 : i32
      %dma_start3A_122 = arith.constant 0 : i32
      %dma_start3A_123 = tpu.memref_slice %arg8[%run_scoped3A_26, %dma_start3A_121, %dma_start3A_122] : memref<2x128x64xf32, #tpu.memory_space<vmem>> -> memref<1x128x64xf32, #tpu.memory_space<vmem>>
      %dma_start3A_124 = tpu.memref_squeeze %dma_start3A_123 : memref<1x128x64xf32, #tpu.memory_space<vmem>> -> memref<128x64xf32, #tpu.memory_space<vmem>>
      tpu.enqueue_dma source(%dma_start3A_124 : memref<128x64xf32, #tpu.memory_space<vmem>>) target(%dma_start3A_120 : memref<128x64xf32, #tpu.memory_space<vmem_shared>>) target_semaphore(%run_scoped3A_112 : memref<!tpu.dma_semaphore, #tpu.memory_space<semaphore_mem>>)
      %dma_wait3A = arith.constant 0 : i32
      %dma_wait3A_125 = arith.constant 0 : i32
      %dma_wait3A_126 = tpu.memref_slice %arg8[%run_scoped3A_26, %dma_wait3A, %dma_wait3A_125] : memref<2x128x64xf32, #tpu.memory_space<vmem>> -> memref<1x128x64xf32, #tpu.memory_space<vmem>>
      %dma_wait3A_127 = tpu.memref_squeeze %dma_wait3A_126 : memref<1x128x64xf32, #tpu.memory_space<vmem>> -> memref<128x64xf32, #tpu.memory_space<vmem>>
      %dma_wait3A_128 = arith.constant 0 : i32
      %dma_wait3A_129 = tpu.memref_slice %arg9[%add3A_25, %dma_wait3A_128] : memref<10240x64xf32, #tpu.memory_space<vmem_shared>> -> memref<128x64xf32, #tpu.memory_space<vmem_shared>>
      %dma_wait3A_130 = arith.constant 0 : i32
      %dma_wait3A_131 = tpu.memref_slice %arg9[%add3A_25, %dma_wait3A_130] : memref<10240x64xf32, #tpu.memory_space<vmem_shared>> -> memref<128x64xf32, #tpu.memory_space<vmem_shared>>
      %dma_wait3A_132 = arith.constant 0 : i32
      %dma_wait3A_133 = arith.constant 0 : i32
      %dma_wait3A_134 = tpu.memref_slice %arg8[%run_scoped3A_26, %dma_wait3A_132, %dma_wait3A_133] : memref<2x128x64xf32, #tpu.memory_space<vmem>> -> memref<1x128x64xf32, #tpu.memory_space<vmem>>
      %dma_wait3A_135 = tpu.memref_squeeze %dma_wait3A_134 : memref<1x128x64xf32, #tpu.memory_space<vmem>> -> memref<128x64xf32, #tpu.memory_space<vmem>>
      tpu.wait_dma2 semaphore(%run_scoped3A_112 : memref<!tpu.dma_semaphore, #tpu.memory_space<semaphore_mem>>) src(%dma_wait3A_135 : memref<128x64xf32, #tpu.memory_space<vmem>>) dst(%dma_wait3A_131 : memref<128x64xf32, #tpu.memory_space<vmem_shared>>)
      tpu.yield
    }) : () -> ()
    %mul3A_27 = arith.constant 640 : i32
    %mul3A_28 = arith.muli %arg1, %mul3A_27 : i32
    %add3A_29 = arith.constant 512 : i32
    %add3A_30 = arith.addi %mul3A_28, %add3A_29 : i32
    %run_scoped3A_31 = arith.constant 0 : i32
    "tpu.region"() ({
      %run_scoped3A_112 = tpu.sem_alloc : memref<!tpu.dma_semaphore, #tpu.memory_space<semaphore_mem>>
      %dma_start3A_113 = arith.constant 0 : i32
      %dma_start3A_114 = arith.constant 0 : i32
      %dma_start3A_115 = tpu.memref_slice %arg8[%run_scoped3A_31, %dma_start3A_113, %dma_start3A_114] : memref<2x128x64xf32, #tpu.memory_space<vmem>> -> memref<1x128x64xf32, #tpu.memory_space<vmem>>
      %dma_start3A_116 = tpu.memref_squeeze %dma_start3A_115 : memref<1x128x64xf32, #tpu.memory_space<vmem>> -> memref<128x64xf32, #tpu.memory_space<vmem>>
      %dma_start3A_117 = arith.constant 0 : i32
      %dma_start3A_118 = tpu.memref_slice %arg9[%add3A_30, %dma_start3A_117] : memref<10240x64xf32, #tpu.memory_space<vmem_shared>> -> memref<128x64xf32, #tpu.memory_space<vmem_shared>>
      %dma_start3A_119 = arith.constant 0 : i32
      %dma_start3A_120 = tpu.memref_slice %arg9[%add3A_30, %dma_start3A_119] : memref<10240x64xf32, #tpu.memory_space<vmem_shared>> -> memref<128x64xf32, #tpu.memory_space<vmem_shared>>
      %dma_start3A_121 = arith.constant 0 : i32
      %dma_start3A_122 = arith.constant 0 : i32
      %dma_start3A_123 = tpu.memref_slice %arg8[%run_scoped3A_31, %dma_start3A_121, %dma_start3A_122] : memref<2x128x64xf32, #tpu.memory_space<vmem>> -> memref<1x128x64xf32, #tpu.memory_space<vmem>>
      %dma_start3A_124 = tpu.memref_squeeze %dma_start3A_123 : memref<1x128x64xf32, #tpu.memory_space<vmem>> -> memref<128x64xf32, #tpu.memory_space<vmem>>
      tpu.enqueue_dma source(%dma_start3A_124 : memref<128x64xf32, #tpu.memory_space<vmem>>) target(%dma_start3A_120 : memref<128x64xf32, #tpu.memory_space<vmem_shared>>) target_semaphore(%run_scoped3A_112 : memref<!tpu.dma_semaphore, #tpu.memory_space<semaphore_mem>>)
      %dma_wait3A = arith.constant 0 : i32
      %dma_wait3A_125 = arith.constant 0 : i32
      %dma_wait3A_126 = tpu.memref_slice %arg8[%run_scoped3A_31, %dma_wait3A, %dma_wait3A_125] : memref<2x128x64xf32, #tpu.memory_space<vmem>> -> memref<1x128x64xf32, #tpu.memory_space<vmem>>
      %dma_wait3A_127 = tpu.memref_squeeze %dma_wait3A_126 : memref<1x128x64xf32, #tpu.memory_space<vmem>> -> memref<128x64xf32, #tpu.memory_space<vmem>>
      %dma_wait3A_128 = arith.constant 0 : i32
      %dma_wait3A_129 = tpu.memref_slice %arg9[%add3A_30, %dma_wait3A_128] : memref<10240x64xf32, #tpu.memory_space<vmem_shared>> -> memref<128x64xf32, #tpu.memory_space<vmem_shared>>
      %dma_wait3A_130 = arith.constant 0 : i32
      %dma_wait3A_131 = tpu.memref_slice %arg9[%add3A_30, %dma_wait3A_130] : memref<10240x64xf32, #tpu.memory_space<vmem_shared>> -> memref<128x64xf32, #tpu.memory_space<vmem_shared>>
      %dma_wait3A_132 = arith.constant 0 : i32
      %dma_wait3A_133 = arith.constant 0 : i32
      %dma_wait3A_134 = tpu.memref_slice %arg8[%run_scoped3A_31, %dma_wait3A_132, %dma_wait3A_133] : memref<2x128x64xf32, #tpu.memory_space<vmem>> -> memref<1x128x64xf32, #tpu.memory_space<vmem>>
      %dma_wait3A_135 = tpu.memref_squeeze %dma_wait3A_134 : memref<1x128x64xf32, #tpu.memory_space<vmem>> -> memref<128x64xf32, #tpu.memory_space<vmem>>
      tpu.wait_dma2 semaphore(%run_scoped3A_112 : memref<!tpu.dma_semaphore, #tpu.memory_space<semaphore_mem>>) src(%dma_wait3A_135 : memref<128x64xf32, #tpu.memory_space<vmem>>) dst(%dma_wait3A_131 : memref<128x64xf32, #tpu.memory_space<vmem_shared>>)
      tpu.yield
    }) : () -> ()
    %barrier3A = arith.constant 0 : index
    tpu.barrier barrier_id(%barrier3A)
    %lt3A = arith.constant 31 : i32
    %lt3A_32 = arith.cmpi slt, %add3A, %lt3A : i32
    %convert_element_type3A = arith.extui %lt3A_32 : i1 to i32
    %cond3A = arith.constant 0 : i32
    %cond3A_33 = arith.cmpi ne, %convert_element_type3A, %cond3A : i32
    scf.if %cond3A_33 {
      %mul3A_112 = arith.constant 80 : i32
      %mul3A_113 = arith.muli %add3A, %mul3A_112 : i32
      %add3A_114 = arith.constant 0 : i32
      %add3A_115 = arith.addi %mul3A_113, %add3A_114 : i32
      %run_scoped3A_116 = arith.constant 0 : i32
      "tpu.region"() ({
        %run_scoped3A_122 = tpu.sem_alloc : memref<!tpu.dma_semaphore, #tpu.memory_space<semaphore_mem>>
        %dma_start3A_123 = arith.constant 0 : i32
        %dma_start3A_124 = tpu.memref_slice %arg3[%run_scoped3A_116, %add3A_115, %dma_start3A_123] : memref<2x2500x128xi32, #tpu.memory_space<hbm>> -> memref<1x40x128xi32, #tpu.memory_space<hbm>>
        %dma_start3A_125 = tpu.memref_squeeze %dma_start3A_124 : memref<1x40x128xi32, #tpu.memory_space<hbm>> -> memref<40x128xi32, #tpu.memory_space<hbm>>
        %dma_start3A_126 = arith.constant 0 : i32
        %dma_start3A_127 = tpu.memref_slice %arg3[%run_scoped3A_116, %add3A_115, %dma_start3A_126] : memref<2x2500x128xi32, #tpu.memory_space<hbm>> -> memref<1x40x128xi32, #tpu.memory_space<hbm>>
        %dma_start3A_128 = tpu.memref_squeeze %dma_start3A_127 : memref<1x40x128xi32, #tpu.memory_space<hbm>> -> memref<40x128xi32, #tpu.memory_space<hbm>>
        tpu.enqueue_dma source(%dma_start3A_128 : memref<40x128xi32, #tpu.memory_space<hbm>>) target(%arg6 : memref<40x128xi32, #tpu.memory_space<vmem>>) target_semaphore(%run_scoped3A_122 : memref<!tpu.dma_semaphore, #tpu.memory_space<semaphore_mem>>)
        %dma_wait3A = arith.constant 0 : i32
        %dma_wait3A_129 = tpu.memref_slice %arg3[%run_scoped3A_116, %add3A_115, %dma_wait3A] : memref<2x2500x128xi32, #tpu.memory_space<hbm>> -> memref<1x40x128xi32, #tpu.memory_space<hbm>>
        %dma_wait3A_130 = tpu.memref_squeeze %dma_wait3A_129 : memref<1x40x128xi32, #tpu.memory_space<hbm>> -> memref<40x128xi32, #tpu.memory_space<hbm>>
        %dma_wait3A_131 = arith.constant 0 : i32
        %dma_wait3A_132 = tpu.memref_slice %arg3[%run_scoped3A_116, %add3A_115, %dma_wait3A_131] : memref<2x2500x128xi32, #tpu.memory_space<hbm>> -> memref<1x40x128xi32, #tpu.memory_space<hbm>>
        %dma_wait3A_133 = tpu.memref_squeeze %dma_wait3A_132 : memref<1x40x128xi32, #tpu.memory_space<hbm>> -> memref<40x128xi32, #tpu.memory_space<hbm>>
        tpu.wait_dma2 semaphore(%run_scoped3A_122 : memref<!tpu.dma_semaphore, #tpu.memory_space<semaphore_mem>>) src(%dma_wait3A_133 : memref<40x128xi32, #tpu.memory_space<hbm>>) dst(%arg6 : memref<40x128xi32, #tpu.memory_space<vmem>>)
        tpu.yield
      }) : () -> ()
      %mul3A_117 = arith.constant 80 : i32
      %mul3A_118 = arith.muli %add3A, %mul3A_117 : i32
      %add3A_119 = arith.constant 0 : i32
      %add3A_120 = arith.addi %mul3A_118, %add3A_119 : i32
      %run_scoped3A_121 = arith.constant 1 : i32
      "tpu.region"() ({
        %run_scoped3A_122 = tpu.sem_alloc : memref<!tpu.dma_semaphore, #tpu.memory_space<semaphore_mem>>
        %dma_start3A_123 = arith.constant 0 : i32
        %dma_start3A_124 = tpu.memref_slice %arg3[%run_scoped3A_121, %add3A_120, %dma_start3A_123] : memref<2x2500x128xi32, #tpu.memory_space<hbm>> -> memref<1x40x128xi32, #tpu.memory_space<hbm>>
        %dma_start3A_125 = tpu.memref_squeeze %dma_start3A_124 : memref<1x40x128xi32, #tpu.memory_space<hbm>> -> memref<40x128xi32, #tpu.memory_space<hbm>>
        %dma_start3A_126 = arith.constant 0 : i32
        %dma_start3A_127 = tpu.memref_slice %arg3[%run_scoped3A_121, %add3A_120, %dma_start3A_126] : memref<2x2500x128xi32, #tpu.memory_space<hbm>> -> memref<1x40x128xi32, #tpu.memory_space<hbm>>
        %dma_start3A_128 = tpu.memref_squeeze %dma_start3A_127 : memref<1x40x128xi32, #tpu.memory_space<hbm>> -> memref<40x128xi32, #tpu.memory_space<hbm>>
        tpu.enqueue_dma source(%dma_start3A_128 : memref<40x128xi32, #tpu.memory_space<hbm>>) target(%arg7 : memref<40x128xi32, #tpu.memory_space<vmem>>) target_semaphore(%run_scoped3A_122 : memref<!tpu.dma_semaphore, #tpu.memory_space<semaphore_mem>>)
        %dma_wait3A = arith.constant 0 : i32
        %dma_wait3A_129 = tpu.memref_slice %arg3[%run_scoped3A_121, %add3A_120, %dma_wait3A] : memref<2x2500x128xi32, #tpu.memory_space<hbm>> -> memref<1x40x128xi32, #tpu.memory_space<hbm>>
        %dma_wait3A_130 = tpu.memref_squeeze %dma_wait3A_129 : memref<1x40x128xi32, #tpu.memory_space<hbm>> -> memref<40x128xi32, #tpu.memory_space<hbm>>
        %dma_wait3A_131 = arith.constant 0 : i32
        %dma_wait3A_132 = tpu.memref_slice %arg3[%run_scoped3A_121, %add3A_120, %dma_wait3A_131] : memref<2x2500x128xi32, #tpu.memory_space<hbm>> -> memref<1x40x128xi32, #tpu.memory_space<hbm>>
        %dma_wait3A_133 = tpu.memref_squeeze %dma_wait3A_132 : memref<1x40x128xi32, #tpu.memory_space<hbm>> -> memref<40x128xi32, #tpu.memory_space<hbm>>
        tpu.wait_dma2 semaphore(%run_scoped3A_122 : memref<!tpu.dma_semaphore, #tpu.memory_space<semaphore_mem>>) src(%dma_wait3A_133 : memref<40x128xi32, #tpu.memory_space<hbm>>) dst(%arg7 : memref<40x128xi32, #tpu.memory_space<vmem>>)
        tpu.yield
      }) : () -> ()
    } else {
    }
    %eq3A = arith.constant 31 : i32
    %eq3A_34 = arith.cmpi eq, %add3A, %eq3A : i32
    %convert_element_type3A_35 = arith.extui %eq3A_34 : i1 to i32
    %cond3A_36 = arith.constant 0 : i32
    %cond3A_37 = arith.cmpi ne, %convert_element_type3A_35, %cond3A_36 : i32
    scf.if %cond3A_37 {
      %run_scoped3A_112 = arith.constant 0 : i32
      "tpu.region"() ({
        %run_scoped3A_116 = tpu.sem_alloc : memref<!tpu.dma_semaphore, #tpu.memory_space<semaphore_mem>>
        %dma_start3A_117 = arith.constant 0 : i32
        %dma_start3A_118 = arith.constant 0 : i32
        %dma_start3A_119 = tpu.memref_slice %arg6[%dma_start3A_117, %dma_start3A_118] : memref<40x128xi32, #tpu.memory_space<vmem>> -> memref<20x128xi32, #tpu.memory_space<vmem>>
        %dma_start3A_120 = arith.constant 2480 : i32
        %dma_start3A_121 = arith.constant 0 : i32
        %dma_start3A_122 = tpu.memref_slice %arg3[%run_scoped3A_112, %dma_start3A_120, %dma_start3A_121] : memref<2x2500x128xi32, #tpu.memory_space<hbm>> -> memref<1x20x128xi32, #tpu.memory_space<hbm>>
        %dma_start3A_123 = tpu.memref_squeeze %dma_start3A_122 : memref<1x20x128xi32, #tpu.memory_space<hbm>> -> memref<20x128xi32, #tpu.memory_space<hbm>>
        %dma_start3A_124 = arith.constant 0 : i32
        %dma_start3A_125 = arith.constant 0 : i32
        %dma_start3A_126 = tpu.memref_slice %arg6[%dma_start3A_124, %dma_start3A_125] : memref<40x128xi32, #tpu.memory_space<vmem>> -> memref<20x128xi32, #tpu.memory_space<vmem>>
        %dma_start3A_127 = arith.constant 2480 : i32
        %dma_start3A_128 = arith.constant 0 : i32
        %dma_start3A_129 = tpu.memref_slice %arg3[%run_scoped3A_112, %dma_start3A_127, %dma_start3A_128] : memref<2x2500x128xi32, #tpu.memory_space<hbm>> -> memref<1x20x128xi32, #tpu.memory_space<hbm>>
        %dma_start3A_130 = tpu.memref_squeeze %dma_start3A_129 : memref<1x20x128xi32, #tpu.memory_space<hbm>> -> memref<20x128xi32, #tpu.memory_space<hbm>>
        tpu.enqueue_dma source(%dma_start3A_130 : memref<20x128xi32, #tpu.memory_space<hbm>>) target(%dma_start3A_126 : memref<20x128xi32, #tpu.memory_space<vmem>>) target_semaphore(%run_scoped3A_116 : memref<!tpu.dma_semaphore, #tpu.memory_space<semaphore_mem>>)
        %dma_wait3A = arith.constant 0 : i32
        %dma_wait3A_131 = arith.constant 0 : i32
        %dma_wait3A_132 = tpu.memref_slice %arg6[%dma_wait3A, %dma_wait3A_131] : memref<40x128xi32, #tpu.memory_space<vmem>> -> memref<20x128xi32, #tpu.memory_space<vmem>>
        %dma_wait3A_133 = arith.constant 2480 : i32
        %dma_wait3A_134 = arith.constant 0 : i32
        %dma_wait3A_135 = tpu.memref_slice %arg3[%run_scoped3A_112, %dma_wait3A_133, %dma_wait3A_134] : memref<2x2500x128xi32, #tpu.memory_space<hbm>> -> memref<1x20x128xi32, #tpu.memory_space<hbm>>
        %dma_wait3A_136 = tpu.memref_squeeze %dma_wait3A_135 : memref<1x20x128xi32, #tpu.memory_space<hbm>> -> memref<20x128xi32, #tpu.memory_space<hbm>>
        %dma_wait3A_137 = arith.constant 0 : i32
        %dma_wait3A_138 = arith.constant 0 : i32
        %dma_wait3A_139 = tpu.memref_slice %arg6[%dma_wait3A_137, %dma_wait3A_138] : memref<40x128xi32, #tpu.memory_space<vmem>> -> memref<20x128xi32, #tpu.memory_space<vmem>>
        %dma_wait3A_140 = arith.constant 2480 : i32
        %dma_wait3A_141 = arith.constant 0 : i32
        %dma_wait3A_142 = tpu.memref_slice %arg3[%run_scoped3A_112, %dma_wait3A_140, %dma_wait3A_141] : memref<2x2500x128xi32, #tpu.memory_space<hbm>> -> memref<1x20x128xi32, #tpu.memory_space<hbm>>
        %dma_wait3A_143 = tpu.memref_squeeze %dma_wait3A_142 : memref<1x20x128xi32, #tpu.memory_space<hbm>> -> memref<20x128xi32, #tpu.memory_space<hbm>>
        tpu.wait_dma2 semaphore(%run_scoped3A_116 : memref<!tpu.dma_semaphore, #tpu.memory_space<semaphore_mem>>) src(%dma_wait3A_143 : memref<20x128xi32, #tpu.memory_space<hbm>>) dst(%dma_wait3A_139 : memref<20x128xi32, #tpu.memory_space<vmem>>)
        tpu.yield
      }) : () -> ()
      %run_scoped3A_113 = arith.constant 0 : i32
      "tpu.region"() ({
        %run_scoped3A_116 = tpu.sem_alloc : memref<!tpu.dma_semaphore, #tpu.memory_space<semaphore_mem>>
        %dma_start3A_117 = arith.constant 20 : i32
        %dma_start3A_118 = arith.constant 0 : i32
        %dma_start3A_119 = tpu.memref_slice %arg6[%dma_start3A_117, %dma_start3A_118] : memref<40x128xi32, #tpu.memory_space<vmem>> -> memref<20x128xi32, #tpu.memory_space<vmem>>
        %dma_start3A_120 = arith.constant 0 : i32
        %dma_start3A_121 = arith.constant 0 : i32
        %dma_start3A_122 = tpu.memref_slice %arg4[%run_scoped3A_113, %dma_start3A_120, %dma_start3A_121] : memref<2x60x128xi32, #tpu.memory_space<hbm>> -> memref<1x20x128xi32, #tpu.memory_space<hbm>>
        %dma_start3A_123 = tpu.memref_squeeze %dma_start3A_122 : memref<1x20x128xi32, #tpu.memory_space<hbm>> -> memref<20x128xi32, #tpu.memory_space<hbm>>
        %dma_start3A_124 = arith.constant 20 : i32
        %dma_start3A_125 = arith.constant 0 : i32
        %dma_start3A_126 = tpu.memref_slice %arg6[%dma_start3A_124, %dma_start3A_125] : memref<40x128xi32, #tpu.memory_space<vmem>> -> memref<20x128xi32, #tpu.memory_space<vmem>>
        %dma_start3A_127 = arith.constant 0 : i32
        %dma_start3A_128 = arith.constant 0 : i32
        %dma_start3A_129 = tpu.memref_slice %arg4[%run_scoped3A_113, %dma_start3A_127, %dma_start3A_128] : memref<2x60x128xi32, #tpu.memory_space<hbm>> -> memref<1x20x128xi32, #tpu.memory_space<hbm>>
        %dma_start3A_130 = tpu.memref_squeeze %dma_start3A_129 : memref<1x20x128xi32, #tpu.memory_space<hbm>> -> memref<20x128xi32, #tpu.memory_space<hbm>>
        tpu.enqueue_dma source(%dma_start3A_130 : memref<20x128xi32, #tpu.memory_space<hbm>>) target(%dma_start3A_126 : memref<20x128xi32, #tpu.memory_space<vmem>>) target_semaphore(%run_scoped3A_116 : memref<!tpu.dma_semaphore, #tpu.memory_space<semaphore_mem>>)
        %dma_wait3A = arith.constant 20 : i32
        %dma_wait3A_131 = arith.constant 0 : i32
        %dma_wait3A_132 = tpu.memref_slice %arg6[%dma_wait3A, %dma_wait3A_131] : memref<40x128xi32, #tpu.memory_space<vmem>> -> memref<20x128xi32, #tpu.memory_space<vmem>>
        %dma_wait3A_133 = arith.constant 0 : i32
        %dma_wait3A_134 = arith.constant 0 : i32
        %dma_wait3A_135 = tpu.memref_slice %arg4[%run_scoped3A_113, %dma_wait3A_133, %dma_wait3A_134] : memref<2x60x128xi32, #tpu.memory_space<hbm>> -> memref<1x20x128xi32, #tpu.memory_space<hbm>>
        %dma_wait3A_136 = tpu.memref_squeeze %dma_wait3A_135 : memref<1x20x128xi32, #tpu.memory_space<hbm>> -> memref<20x128xi32, #tpu.memory_space<hbm>>
        %dma_wait3A_137 = arith.constant 20 : i32
        %dma_wait3A_138 = arith.constant 0 : i32
        %dma_wait3A_139 = tpu.memref_slice %arg6[%dma_wait3A_137, %dma_wait3A_138] : memref<40x128xi32, #tpu.memory_space<vmem>> -> memref<20x128xi32, #tpu.memory_space<vmem>>
        %dma_wait3A_140 = arith.constant 0 : i32
        %dma_wait3A_141 = arith.constant 0 : i32
        %dma_wait3A_142 = tpu.memref_slice %arg4[%run_scoped3A_113, %dma_wait3A_140, %dma_wait3A_141] : memref<2x60x128xi32, #tpu.memory_space<hbm>> -> memref<1x20x128xi32, #tpu.memory_space<hbm>>
        %dma_wait3A_143 = tpu.memref_squeeze %dma_wait3A_142 : memref<1x20x128xi32, #tpu.memory_space<hbm>> -> memref<20x128xi32, #tpu.memory_space<hbm>>
        tpu.wait_dma2 semaphore(%run_scoped3A_116 : memref<!tpu.dma_semaphore, #tpu.memory_space<semaphore_mem>>) src(%dma_wait3A_143 : memref<20x128xi32, #tpu.memory_space<hbm>>) dst(%dma_wait3A_139 : memref<20x128xi32, #tpu.memory_space<vmem>>)
        tpu.yield
      }) : () -> ()
      %run_scoped3A_114 = arith.constant 1 : i32
      "tpu.region"() ({
        %run_scoped3A_116 = tpu.sem_alloc : memref<!tpu.dma_semaphore, #tpu.memory_space<semaphore_mem>>
        %dma_start3A_117 = arith.constant 0 : i32
        %dma_start3A_118 = arith.constant 0 : i32
        %dma_start3A_119 = tpu.memref_slice %arg7[%dma_start3A_117, %dma_start3A_118] : memref<40x128xi32, #tpu.memory_space<vmem>> -> memref<20x128xi32, #tpu.memory_space<vmem>>
        %dma_start3A_120 = arith.constant 2480 : i32
        %dma_start3A_121 = arith.constant 0 : i32
        %dma_start3A_122 = tpu.memref_slice %arg3[%run_scoped3A_114, %dma_start3A_120, %dma_start3A_121] : memref<2x2500x128xi32, #tpu.memory_space<hbm>> -> memref<1x20x128xi32, #tpu.memory_space<hbm>>
        %dma_start3A_123 = tpu.memref_squeeze %dma_start3A_122 : memref<1x20x128xi32, #tpu.memory_space<hbm>> -> memref<20x128xi32, #tpu.memory_space<hbm>>
        %dma_start3A_124 = arith.constant 0 : i32
        %dma_start3A_125 = arith.constant 0 : i32
        %dma_start3A_126 = tpu.memref_slice %arg7[%dma_start3A_124, %dma_start3A_125] : memref<40x128xi32, #tpu.memory_space<vmem>> -> memref<20x128xi32, #tpu.memory_space<vmem>>
        %dma_start3A_127 = arith.constant 2480 : i32
        %dma_start3A_128 = arith.constant 0 : i32
        %dma_start3A_129 = tpu.memref_slice %arg3[%run_scoped3A_114, %dma_start3A_127, %dma_start3A_128] : memref<2x2500x128xi32, #tpu.memory_space<hbm>> -> memref<1x20x128xi32, #tpu.memory_space<hbm>>
        %dma_start3A_130 = tpu.memref_squeeze %dma_start3A_129 : memref<1x20x128xi32, #tpu.memory_space<hbm>> -> memref<20x128xi32, #tpu.memory_space<hbm>>
        tpu.enqueue_dma source(%dma_start3A_130 : memref<20x128xi32, #tpu.memory_space<hbm>>) target(%dma_start3A_126 : memref<20x128xi32, #tpu.memory_space<vmem>>) target_semaphore(%run_scoped3A_116 : memref<!tpu.dma_semaphore, #tpu.memory_space<semaphore_mem>>)
        %dma_wait3A = arith.constant 0 : i32
        %dma_wait3A_131 = arith.constant 0 : i32
        %dma_wait3A_132 = tpu.memref_slice %arg7[%dma_wait3A, %dma_wait3A_131] : memref<40x128xi32, #tpu.memory_space<vmem>> -> memref<20x128xi32, #tpu.memory_space<vmem>>
        %dma_wait3A_133 = arith.constant 2480 : i32
        %dma_wait3A_134 = arith.constant 0 : i32
        %dma_wait3A_135 = tpu.memref_slice %arg3[%run_scoped3A_114, %dma_wait3A_133, %dma_wait3A_134] : memref<2x2500x128xi32, #tpu.memory_space<hbm>> -> memref<1x20x128xi32, #tpu.memory_space<hbm>>
        %dma_wait3A_136 = tpu.memref_squeeze %dma_wait3A_135 : memref<1x20x128xi32, #tpu.memory_space<hbm>> -> memref<20x128xi32, #tpu.memory_space<hbm>>
        %dma_wait3A_137 = arith.constant 0 : i32
        %dma_wait3A_138 = arith.constant 0 : i32
        %dma_wait3A_139 = tpu.memref_slice %arg7[%dma_wait3A_137, %dma_wait3A_138] : memref<40x128xi32, #tpu.memory_space<vmem>> -> memref<20x128xi32, #tpu.memory_space<vmem>>
        %dma_wait3A_140 = arith.constant 2480 : i32
        %dma_wait3A_141 = arith.constant 0 : i32
        %dma_wait3A_142 = tpu.memref_slice %arg3[%run_scoped3A_114, %dma_wait3A_140, %dma_wait3A_141] : memref<2x2500x128xi32, #tpu.memory_space<hbm>> -> memref<1x20x128xi32, #tpu.memory_space<hbm>>
        %dma_wait3A_143 = tpu.memref_squeeze %dma_wait3A_142 : memref<1x20x128xi32, #tpu.memory_space<hbm>> -> memref<20x128xi32, #tpu.memory_space<hbm>>
        tpu.wait_dma2 semaphore(%run_scoped3A_116 : memref<!tpu.dma_semaphore, #tpu.memory_space<semaphore_mem>>) src(%dma_wait3A_143 : memref<20x128xi32, #tpu.memory_space<hbm>>) dst(%dma_wait3A_139 : memref<20x128xi32, #tpu.memory_space<vmem>>)
        tpu.yield
      }) : () -> ()
      %run_scoped3A_115 = arith.constant 1 : i32
      "tpu.region"() ({
        %run_scoped3A_116 = tpu.sem_alloc : memref<!tpu.dma_semaphore, #tpu.memory_space<semaphore_mem>>
        %dma_start3A_117 = arith.constant 20 : i32
        %dma_start3A_118 = arith.constant 0 : i32
        %dma_start3A_119 = tpu.memref_slice %arg7[%dma_start3A_117, %dma_start3A_118] : memref<40x128xi32, #tpu.memory_space<vmem>> -> memref<20x128xi32, #tpu.memory_space<vmem>>
        %dma_start3A_120 = arith.constant 0 : i32
        %dma_start3A_121 = arith.constant 0 : i32
        %dma_start3A_122 = tpu.memref_slice %arg4[%run_scoped3A_115, %dma_start3A_120, %dma_start3A_121] : memref<2x60x128xi32, #tpu.memory_space<hbm>> -> memref<1x20x128xi32, #tpu.memory_space<hbm>>
        %dma_start3A_123 = tpu.memref_squeeze %dma_start3A_122 : memref<1x20x128xi32, #tpu.memory_space<hbm>> -> memref<20x128xi32, #tpu.memory_space<hbm>>
        %dma_start3A_124 = arith.constant 20 : i32
        %dma_start3A_125 = arith.constant 0 : i32
        %dma_start3A_126 = tpu.memref_slice %arg7[%dma_start3A_124, %dma_start3A_125] : memref<40x128xi32, #tpu.memory_space<vmem>> -> memref<20x128xi32, #tpu.memory_space<vmem>>
        %dma_start3A_127 = arith.constant 0 : i32
        %dma_start3A_128 = arith.constant 0 : i32
        %dma_start3A_129 = tpu.memref_slice %arg4[%run_scoped3A_115, %dma_start3A_127, %dma_start3A_128] : memref<2x60x128xi32, #tpu.memory_space<hbm>> -> memref<1x20x128xi32, #tpu.memory_space<hbm>>
        %dma_start3A_130 = tpu.memref_squeeze %dma_start3A_129 : memref<1x20x128xi32, #tpu.memory_space<hbm>> -> memref<20x128xi32, #tpu.memory_space<hbm>>
        tpu.enqueue_dma source(%dma_start3A_130 : memref<20x128xi32, #tpu.memory_space<hbm>>) target(%dma_start3A_126 : memref<20x128xi32, #tpu.memory_space<vmem>>) target_semaphore(%run_scoped3A_116 : memref<!tpu.dma_semaphore, #tpu.memory_space<semaphore_mem>>)
        %dma_wait3A = arith.constant 20 : i32
        %dma_wait3A_131 = arith.constant 0 : i32
        %dma_wait3A_132 = tpu.memref_slice %arg7[%dma_wait3A, %dma_wait3A_131] : memref<40x128xi32, #tpu.memory_space<vmem>> -> memref<20x128xi32, #tpu.memory_space<vmem>>
        %dma_wait3A_133 = arith.constant 0 : i32
        %dma_wait3A_134 = arith.constant 0 : i32
        %dma_wait3A_135 = tpu.memref_slice %arg4[%run_scoped3A_115, %dma_wait3A_133, %dma_wait3A_134] : memref<2x60x128xi32, #tpu.memory_space<hbm>> -> memref<1x20x128xi32, #tpu.memory_space<hbm>>
        %dma_wait3A_136 = tpu.memref_squeeze %dma_wait3A_135 : memref<1x20x128xi32, #tpu.memory_space<hbm>> -> memref<20x128xi32, #tpu.memory_space<hbm>>
        %dma_wait3A_137 = arith.constant 20 : i32
        %dma_wait3A_138 = arith.constant 0 : i32
        %dma_wait3A_139 = tpu.memref_slice %arg7[%dma_wait3A_137, %dma_wait3A_138] : memref<40x128xi32, #tpu.memory_space<vmem>> -> memref<20x128xi32, #tpu.memory_space<vmem>>
        %dma_wait3A_140 = arith.constant 0 : i32
        %dma_wait3A_141 = arith.constant 0 : i32
        %dma_wait3A_142 = tpu.memref_slice %arg4[%run_scoped3A_115, %dma_wait3A_140, %dma_wait3A_141] : memref<2x60x128xi32, #tpu.memory_space<hbm>> -> memref<1x20x128xi32, #tpu.memory_space<hbm>>
        %dma_wait3A_143 = tpu.memref_squeeze %dma_wait3A_142 : memref<1x20x128xi32, #tpu.memory_space<hbm>> -> memref<20x128xi32, #tpu.memory_space<hbm>>
        tpu.wait_dma2 semaphore(%run_scoped3A_116 : memref<!tpu.dma_semaphore, #tpu.memory_space<semaphore_mem>>) src(%dma_wait3A_143 : memref<20x128xi32, #tpu.memory_space<hbm>>) dst(%dma_wait3A_139 : memref<20x128xi32, #tpu.memory_space<vmem>>)
        tpu.yield
      }) : () -> ()
    } else {
    }
    %dma_start3A = arith.constant 0 : i32
    %dma_start3A_38 = arith.constant 0 : i32
    %dma_start3A_39 = arith.constant 0 : i32
    %dma_start3A_40 = arith.constant 0 : i32
    %dma_start3A_41 = tpu.memref_slice %arg8[%dma_start3A_38, %dma_start3A_39, %dma_start3A_40] : memref<2x128x64xf32, #tpu.memory_space<vmem>> -> memref<1x128x64xf32, #tpu.memory_space<vmem>>
    %dma_start3A_42 = tpu.memref_squeeze %dma_start3A_41 : memref<1x128x64xf32, #tpu.memory_space<vmem>> -> memref<128x64xf32, #tpu.memory_space<vmem>>
    %dma_start3A_43 = arith.constant 0 : i32
    %dma_start3A_44 = tpu.memref_slice %arg6[%dma_start3A, %dma_start3A_43] : memref<40x128xi32, #tpu.memory_space<vmem>> -> memref<1x128xi32, #tpu.memory_space<vmem>>
    %dma_start3A_45 = tpu.memref_squeeze %dma_start3A_44 : memref<1x128xi32, #tpu.memory_space<vmem>> -> memref<128xi32, #tpu.memory_space<vmem>>
    %dma_start3A_46 = arith.constant 0 : i32
    %dma_start3A_47 = arith.constant 0 : i32
    %dma_start3A_48 = tpu.memref_slice %arg2[%dma_start3A_46, %dma_start3A_47] : memref<10000x64xf32, #tpu.memory_space<hbm>> -> memref<10000x64xf32, #tpu.memory_space<hbm>>
    tpu.enqueue_indirect_dma source(%dma_start3A_48 : memref<10000x64xf32, #tpu.memory_space<hbm>>) target(%dma_start3A_42 : memref<128x64xf32, #tpu.memory_space<vmem>>) offsets(%dma_start3A_45 : memref<128xi32, #tpu.memory_space<vmem>>) semaphore(%arg10 : memref<!tpu.dma_semaphore, #tpu.memory_space<semaphore_mem>>)
    %dma_start3A_49 = arith.constant 1 : i32
    %dma_start3A_50 = arith.constant 1 : i32
    %dma_start3A_51 = arith.constant 0 : i32
    %dma_start3A_52 = arith.constant 0 : i32
    %dma_start3A_53 = tpu.memref_slice %arg8[%dma_start3A_50, %dma_start3A_51, %dma_start3A_52] : memref<2x128x64xf32, #tpu.memory_space<vmem>> -> memref<1x128x64xf32, #tpu.memory_space<vmem>>
    %dma_start3A_54 = tpu.memref_squeeze %dma_start3A_53 : memref<1x128x64xf32, #tpu.memory_space<vmem>> -> memref<128x64xf32, #tpu.memory_space<vmem>>
    %dma_start3A_55 = arith.constant 0 : i32
    %dma_start3A_56 = tpu.memref_slice %arg6[%dma_start3A_49, %dma_start3A_55] : memref<40x128xi32, #tpu.memory_space<vmem>> -> memref<1x128xi32, #tpu.memory_space<vmem>>
    %dma_start3A_57 = tpu.memref_squeeze %dma_start3A_56 : memref<1x128xi32, #tpu.memory_space<vmem>> -> memref<128xi32, #tpu.memory_space<vmem>>
    %dma_start3A_58 = arith.constant 0 : i32
    %dma_start3A_59 = arith.constant 0 : i32
    %dma_start3A_60 = tpu.memref_slice %arg2[%dma_start3A_58, %dma_start3A_59] : memref<10000x64xf32, #tpu.memory_space<hbm>> -> memref<10000x64xf32, #tpu.memory_space<hbm>>
    tpu.enqueue_indirect_dma source(%dma_start3A_60 : memref<10000x64xf32, #tpu.memory_space<hbm>>) target(%dma_start3A_54 : memref<128x64xf32, #tpu.memory_space<vmem>>) offsets(%dma_start3A_57 : memref<128xi32, #tpu.memory_space<vmem>>) semaphore(%arg11 : memref<!tpu.dma_semaphore, #tpu.memory_space<semaphore_mem>>)
    %scan3A_61 = arith.constant 0 : i32
    %scan3A_62 = arith.constant 0 : i32
    %scan3A_63 = arith.constant 20 : i32
    %scan3A_64 = arith.addi %scan3A_62, %scan3A_63 : i32
    %scan3A_65 = arith.constant 1 : i32
    scf.for %scan3A_112 = %scan3A_62 to %scan3A_64 step %scan3A_65  : i32 {
      %mul3A_113 = arith.constant 2 : i32
      %mul3A_114 = arith.muli %scan3A_112, %mul3A_113 : i32
      %add3A_115 = arith.constant 0 : i32
      %add3A_116 = arith.addi %mul3A_114, %add3A_115 : i32
      %dma_wait3A = arith.constant 0 : i32
      %dma_wait3A_117 = arith.constant 0 : i32
      %dma_wait3A_118 = arith.constant 0 : i32
      %dma_wait3A_119 = tpu.memref_slice %arg8[%dma_wait3A, %dma_wait3A_117, %dma_wait3A_118] : memref<2x128x64xf32, #tpu.memory_space<vmem>> -> memref<1x128x64xf32, #tpu.memory_space<vmem>>
      %dma_wait3A_120 = tpu.memref_squeeze %dma_wait3A_119 : memref<1x128x64xf32, #tpu.memory_space<vmem>> -> memref<128x64xf32, #tpu.memory_space<vmem>>
      %dma_wait3A_121 = arith.constant 0 : i32
      %dma_wait3A_122 = tpu.memref_slice %arg6[%add3A_116, %dma_wait3A_121] : memref<40x128xi32, #tpu.memory_space<vmem>> -> memref<1x128xi32, #tpu.memory_space<vmem>>
      %dma_wait3A_123 = tpu.memref_squeeze %dma_wait3A_122 : memref<1x128xi32, #tpu.memory_space<vmem>> -> memref<128xi32, #tpu.memory_space<vmem>>
      %dma_wait3A_124 = arith.constant 0 : i32
      %dma_wait3A_125 = arith.constant 0 : i32
      %dma_wait3A_126 = tpu.memref_slice %arg2[%dma_wait3A_124, %dma_wait3A_125] : memref<10000x64xf32, #tpu.memory_space<hbm>> -> memref<10000x64xf32, #tpu.memory_space<hbm>>
      tpu.wait_indirect_dma semaphore(%arg10 : memref<!tpu.dma_semaphore, #tpu.memory_space<semaphore_mem>>) src(%dma_wait3A_126 : memref<10000x64xf32, #tpu.memory_space<hbm>>) dst(%dma_wait3A_120 : memref<128x64xf32, #tpu.memory_space<vmem>>)
      %run_scoped3A_127 = arith.constant 0 : i32
      "tpu.region"() ({
        %run_scoped3A_156 = tpu.sem_alloc : memref<!tpu.dma_semaphore, #tpu.memory_space<semaphore_mem>>
        %dma_start3A_157 = arith.constant 0 : i32
        %dma_start3A_158 = arith.constant 0 : i32
        %dma_start3A_159 = tpu.memref_slice %arg8[%run_scoped3A_127, %dma_start3A_157, %dma_start3A_158] : memref<2x128x64xf32, #tpu.memory_space<vmem>> -> memref<1x128x64xf32, #tpu.memory_space<vmem>>
        %dma_start3A_160 = tpu.memref_squeeze %dma_start3A_159 : memref<1x128x64xf32, #tpu.memory_space<vmem>> -> memref<128x64xf32, #tpu.memory_space<vmem>>
        %dma_start3A_161 = arith.constant 0 : i32
        %dma_start3A_162 = tpu.memref_slice %arg7[%add3A_116, %dma_start3A_161] : memref<40x128xi32, #tpu.memory_space<vmem>> -> memref<1x128xi32, #tpu.memory_space<vmem>>
        %dma_start3A_163 = tpu.memref_squeeze %dma_start3A_162 : memref<1x128xi32, #tpu.memory_space<vmem>> -> memref<128xi32, #tpu.memory_space<vmem>>
        %dma_start3A_164 = arith.constant 0 : i32
        %dma_start3A_165 = arith.constant 0 : i32
        %dma_start3A_166 = tpu.memref_slice %arg9[%dma_start3A_164, %dma_start3A_165] : memref<10240x64xf32, #tpu.memory_space<vmem_shared>> -> memref<10240x64xf32, #tpu.memory_space<vmem_shared>>
        tpu.enqueue_indirect_dma source(%dma_start3A_160 : memref<128x64xf32, #tpu.memory_space<vmem>>) target(%dma_start3A_166 : memref<10240x64xf32, #tpu.memory_space<vmem_shared>>) offsets(%dma_start3A_163 : memref<128xi32, #tpu.memory_space<vmem>>) semaphore(%run_scoped3A_156 : memref<!tpu.dma_semaphore, #tpu.memory_space<semaphore_mem>>) {add = true}
        %dma_wait3A_167 = arith.constant 0 : i32
        %dma_wait3A_168 = arith.constant 0 : i32
        %dma_wait3A_169 = tpu.memref_slice %arg8[%run_scoped3A_127, %dma_wait3A_167, %dma_wait3A_168] : memref<2x128x64xf32, #tpu.memory_space<vmem>> -> memref<1x128x64xf32, #tpu.memory_space<vmem>>
        %dma_wait3A_170 = tpu.memref_squeeze %dma_wait3A_169 : memref<1x128x64xf32, #tpu.memory_space<vmem>> -> memref<128x64xf32, #tpu.memory_space<vmem>>
        %dma_wait3A_171 = arith.constant 0 : i32
        %dma_wait3A_172 = tpu.memref_slice %arg7[%add3A_116, %dma_wait3A_171] : memref<40x128xi32, #tpu.memory_space<vmem>> -> memref<1x128xi32, #tpu.memory_space<vmem>>
        %dma_wait3A_173 = tpu.memref_squeeze %dma_wait3A_172 : memref<1x128xi32, #tpu.memory_space<vmem>> -> memref<128xi32, #tpu.memory_space<vmem>>
        %dma_wait3A_174 = arith.constant 0 : i32
        %dma_wait3A_175 = arith.constant 0 : i32
        %dma_wait3A_176 = tpu.memref_slice %arg9[%dma_wait3A_174, %dma_wait3A_175] : memref<10240x64xf32, #tpu.memory_space<vmem_shared>> -> memref<10240x64xf32, #tpu.memory_space<vmem_shared>>
        tpu.wait_indirect_dma semaphore(%run_scoped3A_156 : memref<!tpu.dma_semaphore, #tpu.memory_space<semaphore_mem>>) src(%dma_wait3A_170 : memref<128x64xf32, #tpu.memory_space<vmem>>) dst(%dma_wait3A_176 : memref<10240x64xf32, #tpu.memory_space<vmem_shared>>)
        tpu.yield
      }) : () -> ()
      %add3A_128 = arith.constant 2 : i32
      %add3A_129 = arith.addi %add3A_116, %add3A_128 : i32
      %lt3A_130 = arith.constant 40 : i32
      %lt3A_131 = arith.cmpi slt, %add3A_129, %lt3A_130 : i32
      %convert_element_type3A_132 = arith.extui %lt3A_131 : i1 to i32
      %cond3A_133 = arith.constant 0 : i32
      %cond3A_134 = arith.cmpi ne, %convert_element_type3A_132, %cond3A_133 : i32
      scf.if %cond3A_134 {
        %add3A_156 = arith.constant 2 : i32
        %add3A_157 = arith.addi %add3A_116, %add3A_156 : i32
        %dma_start3A_158 = arith.constant 0 : i32
        %dma_start3A_159 = arith.constant 0 : i32
        %dma_start3A_160 = arith.constant 0 : i32
        %dma_start3A_161 = tpu.memref_slice %arg8[%dma_start3A_158, %dma_start3A_159, %dma_start3A_160] : memref<2x128x64xf32, #tpu.memory_space<vmem>> -> memref<1x128x64xf32, #tpu.memory_space<vmem>>
        %dma_start3A_162 = tpu.memref_squeeze %dma_start3A_161 : memref<1x128x64xf32, #tpu.memory_space<vmem>> -> memref<128x64xf32, #tpu.memory_space<vmem>>
        %dma_start3A_163 = arith.constant 0 : i32
        %dma_start3A_164 = tpu.memref_slice %arg6[%add3A_157, %dma_start3A_163] : memref<40x128xi32, #tpu.memory_space<vmem>> -> memref<1x128xi32, #tpu.memory_space<vmem>>
        %dma_start3A_165 = tpu.memref_squeeze %dma_start3A_164 : memref<1x128xi32, #tpu.memory_space<vmem>> -> memref<128xi32, #tpu.memory_space<vmem>>
        %dma_start3A_166 = arith.constant 0 : i32
        %dma_start3A_167 = arith.constant 0 : i32
        %dma_start3A_168 = tpu.memref_slice %arg2[%dma_start3A_166, %dma_start3A_167] : memref<10000x64xf32, #tpu.memory_space<hbm>> -> memref<10000x64xf32, #tpu.memory_space<hbm>>
        tpu.enqueue_indirect_dma source(%dma_start3A_168 : memref<10000x64xf32, #tpu.memory_space<hbm>>) target(%dma_start3A_162 : memref<128x64xf32, #tpu.memory_space<vmem>>) offsets(%dma_start3A_165 : memref<128xi32, #tpu.memory_space<vmem>>) semaphore(%arg10 : memref<!tpu.dma_semaphore, #tpu.memory_space<semaphore_mem>>)
      } else {
      }
      %add3A_135 = arith.constant 1 : i32
      %add3A_136 = arith.addi %mul3A_114, %add3A_135 : i32
      %dma_wait3A_137 = arith.constant 1 : i32
      %dma_wait3A_138 = arith.constant 0 : i32
      %dma_wait3A_139 = arith.constant 0 : i32
      %dma_wait3A_140 = tpu.memref_slice %arg8[%dma_wait3A_137, %dma_wait3A_138, %dma_wait3A_139] : memref<2x128x64xf32, #tpu.memory_space<vmem>> -> memref<1x128x64xf32, #tpu.memory_space<vmem>>
      %dma_wait3A_141 = tpu.memref_squeeze %dma_wait3A_140 : memref<1x128x64xf32, #tpu.memory_space<vmem>> -> memref<128x64xf32, #tpu.memory_space<vmem>>
      %dma_wait3A_142 = arith.constant 0 : i32
      %dma_wait3A_143 = tpu.memref_slice %arg6[%add3A_136, %dma_wait3A_142] : memref<40x128xi32, #tpu.memory_space<vmem>> -> memref<1x128xi32, #tpu.memory_space<vmem>>
      %dma_wait3A_144 = tpu.memref_squeeze %dma_wait3A_143 : memref<1x128xi32, #tpu.memory_space<vmem>> -> memref<128xi32, #tpu.memory_space<vmem>>
      %dma_wait3A_145 = arith.constant 0 : i32
      %dma_wait3A_146 = arith.constant 0 : i32
      %dma_wait3A_147 = tpu.memref_slice %arg2[%dma_wait3A_145, %dma_wait3A_146] : memref<10000x64xf32, #tpu.memory_space<hbm>> -> memref<10000x64xf32, #tpu.memory_space<hbm>>
      tpu.wait_indirect_dma semaphore(%arg11 : memref<!tpu.dma_semaphore, #tpu.memory_space<semaphore_mem>>) src(%dma_wait3A_147 : memref<10000x64xf32, #tpu.memory_space<hbm>>) dst(%dma_wait3A_141 : memref<128x64xf32, #tpu.memory_space<vmem>>)
      %run_scoped3A_148 = arith.constant 1 : i32
      "tpu.region"() ({
        %run_scoped3A_156 = tpu.sem_alloc : memref<!tpu.dma_semaphore, #tpu.memory_space<semaphore_mem>>
        %dma_start3A_157 = arith.constant 0 : i32
        %dma_start3A_158 = arith.constant 0 : i32
        %dma_start3A_159 = tpu.memref_slice %arg8[%run_scoped3A_148, %dma_start3A_157, %dma_start3A_158] : memref<2x128x64xf32, #tpu.memory_space<vmem>> -> memref<1x128x64xf32, #tpu.memory_space<vmem>>
        %dma_start3A_160 = tpu.memref_squeeze %dma_start3A_159 : memref<1x128x64xf32, #tpu.memory_space<vmem>> -> memref<128x64xf32, #tpu.memory_space<vmem>>
        %dma_start3A_161 = arith.constant 0 : i32
        %dma_start3A_162 = tpu.memref_slice %arg7[%add3A_136, %dma_start3A_161] : memref<40x128xi32, #tpu.memory_space<vmem>> -> memref<1x128xi32, #tpu.memory_space<vmem>>
        %dma_start3A_163 = tpu.memref_squeeze %dma_start3A_162 : memref<1x128xi32, #tpu.memory_space<vmem>> -> memref<128xi32, #tpu.memory_space<vmem>>
        %dma_start3A_164 = arith.constant 0 : i32
        %dma_start3A_165 = arith.constant 0 : i32
        %dma_start3A_166 = tpu.memref_slice %arg9[%dma_start3A_164, %dma_start3A_165] : memref<10240x64xf32, #tpu.memory_space<vmem_shared>> -> memref<10240x64xf32, #tpu.memory_space<vmem_shared>>
        tpu.enqueue_indirect_dma source(%dma_start3A_160 : memref<128x64xf32, #tpu.memory_space<vmem>>) target(%dma_start3A_166 : memref<10240x64xf32, #tpu.memory_space<vmem_shared>>) offsets(%dma_start3A_163 : memref<128xi32, #tpu.memory_space<vmem>>) semaphore(%run_scoped3A_156 : memref<!tpu.dma_semaphore, #tpu.memory_space<semaphore_mem>>) {add = true}
        %dma_wait3A_167 = arith.constant 0 : i32
        %dma_wait3A_168 = arith.constant 0 : i32
        %dma_wait3A_169 = tpu.memref_slice %arg8[%run_scoped3A_148, %dma_wait3A_167, %dma_wait3A_168] : memref<2x128x64xf32, #tpu.memory_space<vmem>> -> memref<1x128x64xf32, #tpu.memory_space<vmem>>
        %dma_wait3A_170 = tpu.memref_squeeze %dma_wait3A_169 : memref<1x128x64xf32, #tpu.memory_space<vmem>> -> memref<128x64xf32, #tpu.memory_space<vmem>>
        %dma_wait3A_171 = arith.constant 0 : i32
        %dma_wait3A_172 = tpu.memref_slice %arg7[%add3A_136, %dma_wait3A_171] : memref<40x128xi32, #tpu.memory_space<vmem>> -> memref<1x128xi32, #tpu.memory_space<vmem>>
        %dma_wait3A_173 = tpu.memref_squeeze %dma_wait3A_172 : memref<1x128xi32, #tpu.memory_space<vmem>> -> memref<128xi32, #tpu.memory_space<vmem>>
        %dma_wait3A_174 = arith.constant 0 : i32
        %dma_wait3A_175 = arith.constant 0 : i32
        %dma_wait3A_176 = tpu.memref_slice %arg9[%dma_wait3A_174, %dma_wait3A_175] : memref<10240x64xf32, #tpu.memory_space<vmem_shared>> -> memref<10240x64xf32, #tpu.memory_space<vmem_shared>>
        tpu.wait_indirect_dma semaphore(%run_scoped3A_156 : memref<!tpu.dma_semaphore, #tpu.memory_space<semaphore_mem>>) src(%dma_wait3A_170 : memref<128x64xf32, #tpu.memory_space<vmem>>) dst(%dma_wait3A_176 : memref<10240x64xf32, #tpu.memory_space<vmem_shared>>)
        tpu.yield
      }) : () -> ()
      %add3A_149 = arith.constant 2 : i32
      %add3A_150 = arith.addi %add3A_136, %add3A_149 : i32
      %lt3A_151 = arith.constant 40 : i32
      %lt3A_152 = arith.cmpi slt, %add3A_150, %lt3A_151 : i32
      %convert_element_type3A_153 = arith.extui %lt3A_152 : i1 to i32
      %cond3A_154 = arith.constant 0 : i32
      %cond3A_155 = arith.cmpi ne, %convert_element_type3A_153, %cond3A_154 : i32
      scf.if %cond3A_155 {
        %add3A_156 = arith.constant 2 : i32
        %add3A_157 = arith.addi %add3A_136, %add3A_156 : i32
        %dma_start3A_158 = arith.constant 1 : i32
        %dma_start3A_159 = arith.constant 0 : i32
        %dma_start3A_160 = arith.constant 0 : i32
        %dma_start3A_161 = tpu.memref_slice %arg8[%dma_start3A_158, %dma_start3A_159, %dma_start3A_160] : memref<2x128x64xf32, #tpu.memory_space<vmem>> -> memref<1x128x64xf32, #tpu.memory_space<vmem>>
        %dma_start3A_162 = tpu.memref_squeeze %dma_start3A_161 : memref<1x128x64xf32, #tpu.memory_space<vmem>> -> memref<128x64xf32, #tpu.memory_space<vmem>>
        %dma_start3A_163 = arith.constant 0 : i32
        %dma_start3A_164 = tpu.memref_slice %arg6[%add3A_157, %dma_start3A_163] : memref<40x128xi32, #tpu.memory_space<vmem>> -> memref<1x128xi32, #tpu.memory_space<vmem>>
        %dma_start3A_165 = tpu.memref_squeeze %dma_start3A_164 : memref<1x128xi32, #tpu.memory_space<vmem>> -> memref<128xi32, #tpu.memory_space<vmem>>
        %dma_start3A_166 = arith.constant 0 : i32
        %dma_start3A_167 = arith.constant 0 : i32
        %dma_start3A_168 = tpu.memref_slice %arg2[%dma_start3A_166, %dma_start3A_167] : memref<10000x64xf32, #tpu.memory_space<hbm>> -> memref<10000x64xf32, #tpu.memory_space<hbm>>
        tpu.enqueue_indirect_dma source(%dma_start3A_168 : memref<10000x64xf32, #tpu.memory_space<hbm>>) target(%dma_start3A_162 : memref<128x64xf32, #tpu.memory_space<vmem>>) offsets(%dma_start3A_165 : memref<128xi32, #tpu.memory_space<vmem>>) semaphore(%arg11 : memref<!tpu.dma_semaphore, #tpu.memory_space<semaphore_mem>>)
      } else {
      }
    }
    %scan3A_66 = arith.constant 20 : i32
    %lt3A_67 = arith.constant 31 : i32
    %lt3A_68 = arith.cmpi slt, %add3A, %lt3A_67 : i32
    %convert_element_type3A_69 = arith.extui %lt3A_68 : i1 to i32
    %cond3A_70 = arith.constant 0 : i32
    %cond3A_71 = arith.cmpi ne, %convert_element_type3A_69, %cond3A_70 : i32
    scf.if %cond3A_71 {
      %mul3A_112 = arith.constant 80 : i32
      %mul3A_113 = arith.muli %add3A, %mul3A_112 : i32
      %add3A_114 = arith.constant 40 : i32
      %add3A_115 = arith.addi %mul3A_113, %add3A_114 : i32
      %run_scoped3A_116 = arith.constant 0 : i32
      "tpu.region"() ({
        %run_scoped3A_122 = tpu.sem_alloc : memref<!tpu.dma_semaphore, #tpu.memory_space<semaphore_mem>>
        %dma_start3A_123 = arith.constant 0 : i32
        %dma_start3A_124 = tpu.memref_slice %arg3[%run_scoped3A_116, %add3A_115, %dma_start3A_123] : memref<2x2500x128xi32, #tpu.memory_space<hbm>> -> memref<1x40x128xi32, #tpu.memory_space<hbm>>
        %dma_start3A_125 = tpu.memref_squeeze %dma_start3A_124 : memref<1x40x128xi32, #tpu.memory_space<hbm>> -> memref<40x128xi32, #tpu.memory_space<hbm>>
        %dma_start3A_126 = arith.constant 0 : i32
        %dma_start3A_127 = tpu.memref_slice %arg3[%run_scoped3A_116, %add3A_115, %dma_start3A_126] : memref<2x2500x128xi32, #tpu.memory_space<hbm>> -> memref<1x40x128xi32, #tpu.memory_space<hbm>>
        %dma_start3A_128 = tpu.memref_squeeze %dma_start3A_127 : memref<1x40x128xi32, #tpu.memory_space<hbm>> -> memref<40x128xi32, #tpu.memory_space<hbm>>
        tpu.enqueue_dma source(%dma_start3A_128 : memref<40x128xi32, #tpu.memory_space<hbm>>) target(%arg6 : memref<40x128xi32, #tpu.memory_space<vmem>>) target_semaphore(%run_scoped3A_122 : memref<!tpu.dma_semaphore, #tpu.memory_space<semaphore_mem>>)
        %dma_wait3A = arith.constant 0 : i32
        %dma_wait3A_129 = tpu.memref_slice %arg3[%run_scoped3A_116, %add3A_115, %dma_wait3A] : memref<2x2500x128xi32, #tpu.memory_space<hbm>> -> memref<1x40x128xi32, #tpu.memory_space<hbm>>
        %dma_wait3A_130 = tpu.memref_squeeze %dma_wait3A_129 : memref<1x40x128xi32, #tpu.memory_space<hbm>> -> memref<40x128xi32, #tpu.memory_space<hbm>>
        %dma_wait3A_131 = arith.constant 0 : i32
        %dma_wait3A_132 = tpu.memref_slice %arg3[%run_scoped3A_116, %add3A_115, %dma_wait3A_131] : memref<2x2500x128xi32, #tpu.memory_space<hbm>> -> memref<1x40x128xi32, #tpu.memory_space<hbm>>
        %dma_wait3A_133 = tpu.memref_squeeze %dma_wait3A_132 : memref<1x40x128xi32, #tpu.memory_space<hbm>> -> memref<40x128xi32, #tpu.memory_space<hbm>>
        tpu.wait_dma2 semaphore(%run_scoped3A_122 : memref<!tpu.dma_semaphore, #tpu.memory_space<semaphore_mem>>) src(%dma_wait3A_133 : memref<40x128xi32, #tpu.memory_space<hbm>>) dst(%arg6 : memref<40x128xi32, #tpu.memory_space<vmem>>)
        tpu.yield
      }) : () -> ()
      %mul3A_117 = arith.constant 80 : i32
      %mul3A_118 = arith.muli %add3A, %mul3A_117 : i32
      %add3A_119 = arith.constant 40 : i32
      %add3A_120 = arith.addi %mul3A_118, %add3A_119 : i32
      %run_scoped3A_121 = arith.constant 1 : i32
      "tpu.region"() ({
        %run_scoped3A_122 = tpu.sem_alloc : memref<!tpu.dma_semaphore, #tpu.memory_space<semaphore_mem>>
        %dma_start3A_123 = arith.constant 0 : i32
        %dma_start3A_124 = tpu.memref_slice %arg3[%run_scoped3A_121, %add3A_120, %dma_start3A_123] : memref<2x2500x128xi32, #tpu.memory_space<hbm>> -> memref<1x40x128xi32, #tpu.memory_space<hbm>>
        %dma_start3A_125 = tpu.memref_squeeze %dma_start3A_124 : memref<1x40x128xi32, #tpu.memory_space<hbm>> -> memref<40x128xi32, #tpu.memory_space<hbm>>
        %dma_start3A_126 = arith.constant 0 : i32
        %dma_start3A_127 = tpu.memref_slice %arg3[%run_scoped3A_121, %add3A_120, %dma_start3A_126] : memref<2x2500x128xi32, #tpu.memory_space<hbm>> -> memref<1x40x128xi32, #tpu.memory_space<hbm>>
        %dma_start3A_128 = tpu.memref_squeeze %dma_start3A_127 : memref<1x40x128xi32, #tpu.memory_space<hbm>> -> memref<40x128xi32, #tpu.memory_space<hbm>>
        tpu.enqueue_dma source(%dma_start3A_128 : memref<40x128xi32, #tpu.memory_space<hbm>>) target(%arg7 : memref<40x128xi32, #tpu.memory_space<vmem>>) target_semaphore(%run_scoped3A_122 : memref<!tpu.dma_semaphore, #tpu.memory_space<semaphore_mem>>)
        %dma_wait3A = arith.constant 0 : i32
        %dma_wait3A_129 = tpu.memref_slice %arg3[%run_scoped3A_121, %add3A_120, %dma_wait3A] : memref<2x2500x128xi32, #tpu.memory_space<hbm>> -> memref<1x40x128xi32, #tpu.memory_space<hbm>>
        %dma_wait3A_130 = tpu.memref_squeeze %dma_wait3A_129 : memref<1x40x128xi32, #tpu.memory_space<hbm>> -> memref<40x128xi32, #tpu.memory_space<hbm>>
        %dma_wait3A_131 = arith.constant 0 : i32
        %dma_wait3A_132 = tpu.memref_slice %arg3[%run_scoped3A_121, %add3A_120, %dma_wait3A_131] : memref<2x2500x128xi32, #tpu.memory_space<hbm>> -> memref<1x40x128xi32, #tpu.memory_space<hbm>>
        %dma_wait3A_133 = tpu.memref_squeeze %dma_wait3A_132 : memref<1x40x128xi32, #tpu.memory_space<hbm>> -> memref<40x128xi32, #tpu.memory_space<hbm>>
        tpu.wait_dma2 semaphore(%run_scoped3A_122 : memref<!tpu.dma_semaphore, #tpu.memory_space<semaphore_mem>>) src(%dma_wait3A_133 : memref<40x128xi32, #tpu.memory_space<hbm>>) dst(%arg7 : memref<40x128xi32, #tpu.memory_space<vmem>>)
        tpu.yield
      }) : () -> ()
    } else {
    }
    %eq3A_72 = arith.constant 31 : i32
    %eq3A_73 = arith.cmpi eq, %add3A, %eq3A_72 : i32
    %convert_element_type3A_74 = arith.extui %eq3A_73 : i1 to i32
    %cond3A_75 = arith.constant 0 : i32
    %cond3A_76 = arith.cmpi ne, %convert_element_type3A_74, %cond3A_75 : i32
    scf.if %cond3A_76 {
      %run_scoped3A_112 = arith.constant 0 : i32
      "tpu.region"() ({
        %run_scoped3A_114 = tpu.sem_alloc : memref<!tpu.dma_semaphore, #tpu.memory_space<semaphore_mem>>
        %dma_start3A_115 = arith.constant 20 : i32
        %dma_start3A_116 = arith.constant 0 : i32
        %dma_start3A_117 = tpu.memref_slice %arg4[%run_scoped3A_112, %dma_start3A_115, %dma_start3A_116] : memref<2x60x128xi32, #tpu.memory_space<hbm>> -> memref<1x40x128xi32, #tpu.memory_space<hbm>>
        %dma_start3A_118 = tpu.memref_squeeze %dma_start3A_117 : memref<1x40x128xi32, #tpu.memory_space<hbm>> -> memref<40x128xi32, #tpu.memory_space<hbm>>
        %dma_start3A_119 = arith.constant 20 : i32
        %dma_start3A_120 = arith.constant 0 : i32
        %dma_start3A_121 = tpu.memref_slice %arg4[%run_scoped3A_112, %dma_start3A_119, %dma_start3A_120] : memref<2x60x128xi32, #tpu.memory_space<hbm>> -> memref<1x40x128xi32, #tpu.memory_space<hbm>>
        %dma_start3A_122 = tpu.memref_squeeze %dma_start3A_121 : memref<1x40x128xi32, #tpu.memory_space<hbm>> -> memref<40x128xi32, #tpu.memory_space<hbm>>
        tpu.enqueue_dma source(%dma_start3A_122 : memref<40x128xi32, #tpu.memory_space<hbm>>) target(%arg6 : memref<40x128xi32, #tpu.memory_space<vmem>>) target_semaphore(%run_scoped3A_114 : memref<!tpu.dma_semaphore, #tpu.memory_space<semaphore_mem>>)
        %dma_wait3A = arith.constant 20 : i32
        %dma_wait3A_123 = arith.constant 0 : i32
        %dma_wait3A_124 = tpu.memref_slice %arg4[%run_scoped3A_112, %dma_wait3A, %dma_wait3A_123] : memref<2x60x128xi32, #tpu.memory_space<hbm>> -> memref<1x40x128xi32, #tpu.memory_space<hbm>>
        %dma_wait3A_125 = tpu.memref_squeeze %dma_wait3A_124 : memref<1x40x128xi32, #tpu.memory_space<hbm>> -> memref<40x128xi32, #tpu.memory_space<hbm>>
        %dma_wait3A_126 = arith.constant 20 : i32
        %dma_wait3A_127 = arith.constant 0 : i32
        %dma_wait3A_128 = tpu.memref_slice %arg4[%run_scoped3A_112, %dma_wait3A_126, %dma_wait3A_127] : memref<2x60x128xi32, #tpu.memory_space<hbm>> -> memref<1x40x128xi32, #tpu.memory_space<hbm>>
        %dma_wait3A_129 = tpu.memref_squeeze %dma_wait3A_128 : memref<1x40x128xi32, #tpu.memory_space<hbm>> -> memref<40x128xi32, #tpu.memory_space<hbm>>
        tpu.wait_dma2 semaphore(%run_scoped3A_114 : memref<!tpu.dma_semaphore, #tpu.memory_space<semaphore_mem>>) src(%dma_wait3A_129 : memref<40x128xi32, #tpu.memory_space<hbm>>) dst(%arg6 : memref<40x128xi32, #tpu.memory_space<vmem>>)
        tpu.yield
      }) : () -> ()
      %run_scoped3A_113 = arith.constant 1 : i32
      "tpu.region"() ({
        %run_scoped3A_114 = tpu.sem_alloc : memref<!tpu.dma_semaphore, #tpu.memory_space<semaphore_mem>>
        %dma_start3A_115 = arith.constant 20 : i32
        %dma_start3A_116 = arith.constant 0 : i32
        %dma_start3A_117 = tpu.memref_slice %arg4[%run_scoped3A_113, %dma_start3A_115, %dma_start3A_116] : memref<2x60x128xi32, #tpu.memory_space<hbm>> -> memref<1x40x128xi32, #tpu.memory_space<hbm>>
        %dma_start3A_118 = tpu.memref_squeeze %dma_start3A_117 : memref<1x40x128xi32, #tpu.memory_space<hbm>> -> memref<40x128xi32, #tpu.memory_space<hbm>>
        %dma_start3A_119 = arith.constant 20 : i32
        %dma_start3A_120 = arith.constant 0 : i32
        %dma_start3A_121 = tpu.memref_slice %arg4[%run_scoped3A_113, %dma_start3A_119, %dma_start3A_120] : memref<2x60x128xi32, #tpu.memory_space<hbm>> -> memref<1x40x128xi32, #tpu.memory_space<hbm>>
        %dma_start3A_122 = tpu.memref_squeeze %dma_start3A_121 : memref<1x40x128xi32, #tpu.memory_space<hbm>> -> memref<40x128xi32, #tpu.memory_space<hbm>>
        tpu.enqueue_dma source(%dma_start3A_122 : memref<40x128xi32, #tpu.memory_space<hbm>>) target(%arg7 : memref<40x128xi32, #tpu.memory_space<vmem>>) target_semaphore(%run_scoped3A_114 : memref<!tpu.dma_semaphore, #tpu.memory_space<semaphore_mem>>)
        %dma_wait3A = arith.constant 20 : i32
        %dma_wait3A_123 = arith.constant 0 : i32
        %dma_wait3A_124 = tpu.memref_slice %arg4[%run_scoped3A_113, %dma_wait3A, %dma_wait3A_123] : memref<2x60x128xi32, #tpu.memory_space<hbm>> -> memref<1x40x128xi32, #tpu.memory_space<hbm>>
        %dma_wait3A_125 = tpu.memref_squeeze %dma_wait3A_124 : memref<1x40x128xi32, #tpu.memory_space<hbm>> -> memref<40x128xi32, #tpu.memory_space<hbm>>
        %dma_wait3A_126 = arith.constant 20 : i32
        %dma_wait3A_127 = arith.constant 0 : i32
        %dma_wait3A_128 = tpu.memref_slice %arg4[%run_scoped3A_113, %dma_wait3A_126, %dma_wait3A_127] : memref<2x60x128xi32, #tpu.memory_space<hbm>> -> memref<1x40x128xi32, #tpu.memory_space<hbm>>
        %dma_wait3A_129 = tpu.memref_squeeze %dma_wait3A_128 : memref<1x40x128xi32, #tpu.memory_space<hbm>> -> memref<40x128xi32, #tpu.memory_space<hbm>>
        tpu.wait_dma2 semaphore(%run_scoped3A_114 : memref<!tpu.dma_semaphore, #tpu.memory_space<semaphore_mem>>) src(%dma_wait3A_129 : memref<40x128xi32, #tpu.memory_space<hbm>>) dst(%arg7 : memref<40x128xi32, #tpu.memory_space<vmem>>)
        tpu.yield
      }) : () -> ()
    } else {
    }
    %dma_start3A_77 = arith.constant 0 : i32
    %dma_start3A_78 = arith.constant 0 : i32
    %dma_start3A_79 = arith.constant 0 : i32
    %dma_start3A_80 = arith.constant 0 : i32
    %dma_start3A_81 = tpu.memref_slice %arg8[%dma_start3A_78, %dma_start3A_79, %dma_start3A_80] : memref<2x128x64xf32, #tpu.memory_space<vmem>> -> memref<1x128x64xf32, #tpu.memory_space<vmem>>
    %dma_start3A_82 = tpu.memref_squeeze %dma_start3A_81 : memref<1x128x64xf32, #tpu.memory_space<vmem>> -> memref<128x64xf32, #tpu.memory_space<vmem>>
    %dma_start3A_83 = arith.constant 0 : i32
    %dma_start3A_84 = tpu.memref_slice %arg6[%dma_start3A_77, %dma_start3A_83] : memref<40x128xi32, #tpu.memory_space<vmem>> -> memref<1x128xi32, #tpu.memory_space<vmem>>
    %dma_start3A_85 = tpu.memref_squeeze %dma_start3A_84 : memref<1x128xi32, #tpu.memory_space<vmem>> -> memref<128xi32, #tpu.memory_space<vmem>>
    %dma_start3A_86 = arith.constant 0 : i32
    %dma_start3A_87 = arith.constant 0 : i32
    %dma_start3A_88 = tpu.memref_slice %arg2[%dma_start3A_86, %dma_start3A_87] : memref<10000x64xf32, #tpu.memory_space<hbm>> -> memref<10000x64xf32, #tpu.memory_space<hbm>>
    tpu.enqueue_indirect_dma source(%dma_start3A_88 : memref<10000x64xf32, #tpu.memory_space<hbm>>) target(%dma_start3A_82 : memref<128x64xf32, #tpu.memory_space<vmem>>) offsets(%dma_start3A_85 : memref<128xi32, #tpu.memory_space<vmem>>) semaphore(%arg10 : memref<!tpu.dma_semaphore, #tpu.memory_space<semaphore_mem>>)
    %dma_start3A_89 = arith.constant 1 : i32
    %dma_start3A_90 = arith.constant 1 : i32
    %dma_start3A_91 = arith.constant 0 : i32
    %dma_start3A_92 = arith.constant 0 : i32
    %dma_start3A_93 = tpu.memref_slice %arg8[%dma_start3A_90, %dma_start3A_91, %dma_start3A_92] : memref<2x128x64xf32, #tpu.memory_space<vmem>> -> memref<1x128x64xf32, #tpu.memory_space<vmem>>
    %dma_start3A_94 = tpu.memref_squeeze %dma_start3A_93 : memref<1x128x64xf32, #tpu.memory_space<vmem>> -> memref<128x64xf32, #tpu.memory_space<vmem>>
    %dma_start3A_95 = arith.constant 0 : i32
    %dma_start3A_96 = tpu.memref_slice %arg6[%dma_start3A_89, %dma_start3A_95] : memref<40x128xi32, #tpu.memory_space<vmem>> -> memref<1x128xi32, #tpu.memory_space<vmem>>
    %dma_start3A_97 = tpu.memref_squeeze %dma_start3A_96 : memref<1x128xi32, #tpu.memory_space<vmem>> -> memref<128xi32, #tpu.memory_space<vmem>>
    %dma_start3A_98 = arith.constant 0 : i32
    %dma_start3A_99 = arith.constant 0 : i32
    %dma_start3A_100 = tpu.memref_slice %arg2[%dma_start3A_98, %dma_start3A_99] : memref<10000x64xf32, #tpu.memory_space<hbm>> -> memref<10000x64xf32, #tpu.memory_space<hbm>>
    tpu.enqueue_indirect_dma source(%dma_start3A_100 : memref<10000x64xf32, #tpu.memory_space<hbm>>) target(%dma_start3A_94 : memref<128x64xf32, #tpu.memory_space<vmem>>) offsets(%dma_start3A_97 : memref<128xi32, #tpu.memory_space<vmem>>) semaphore(%arg11 : memref<!tpu.dma_semaphore, #tpu.memory_space<semaphore_mem>>)
    %scan3A_101 = arith.constant 0 : i32
    %scan3A_102 = arith.constant 0 : i32
    %scan3A_103 = arith.constant 20 : i32
    %scan3A_104 = arith.addi %scan3A_102, %scan3A_103 : i32
    %scan3A_105 = arith.constant 1 : i32
    scf.for %scan3A_112 = %scan3A_102 to %scan3A_104 step %scan3A_105  : i32 {
      %mul3A_113 = arith.constant 2 : i32
      %mul3A_114 = arith.muli %scan3A_112, %mul3A_113 : i32
      %add3A_115 = arith.constant 0 : i32
      %add3A_116 = arith.addi %mul3A_114, %add3A_115 : i32
      %dma_wait3A = arith.constant 0 : i32
      %dma_wait3A_117 = arith.constant 0 : i32
      %dma_wait3A_118 = arith.constant 0 : i32
      %dma_wait3A_119 = tpu.memref_slice %arg8[%dma_wait3A, %dma_wait3A_117, %dma_wait3A_118] : memref<2x128x64xf32, #tpu.memory_space<vmem>> -> memref<1x128x64xf32, #tpu.memory_space<vmem>>
      %dma_wait3A_120 = tpu.memref_squeeze %dma_wait3A_119 : memref<1x128x64xf32, #tpu.memory_space<vmem>> -> memref<128x64xf32, #tpu.memory_space<vmem>>
      %dma_wait3A_121 = arith.constant 0 : i32
      %dma_wait3A_122 = tpu.memref_slice %arg6[%add3A_116, %dma_wait3A_121] : memref<40x128xi32, #tpu.memory_space<vmem>> -> memref<1x128xi32, #tpu.memory_space<vmem>>
      %dma_wait3A_123 = tpu.memref_squeeze %dma_wait3A_122 : memref<1x128xi32, #tpu.memory_space<vmem>> -> memref<128xi32, #tpu.memory_space<vmem>>
      %dma_wait3A_124 = arith.constant 0 : i32
      %dma_wait3A_125 = arith.constant 0 : i32
      %dma_wait3A_126 = tpu.memref_slice %arg2[%dma_wait3A_124, %dma_wait3A_125] : memref<10000x64xf32, #tpu.memory_space<hbm>> -> memref<10000x64xf32, #tpu.memory_space<hbm>>
      tpu.wait_indirect_dma semaphore(%arg10 : memref<!tpu.dma_semaphore, #tpu.memory_space<semaphore_mem>>) src(%dma_wait3A_126 : memref<10000x64xf32, #tpu.memory_space<hbm>>) dst(%dma_wait3A_120 : memref<128x64xf32, #tpu.memory_space<vmem>>)
      %run_scoped3A_127 = arith.constant 0 : i32
      "tpu.region"() ({
        %run_scoped3A_156 = tpu.sem_alloc : memref<!tpu.dma_semaphore, #tpu.memory_space<semaphore_mem>>
        %dma_start3A_157 = arith.constant 0 : i32
        %dma_start3A_158 = arith.constant 0 : i32
        %dma_start3A_159 = tpu.memref_slice %arg8[%run_scoped3A_127, %dma_start3A_157, %dma_start3A_158] : memref<2x128x64xf32, #tpu.memory_space<vmem>> -> memref<1x128x64xf32, #tpu.memory_space<vmem>>
        %dma_start3A_160 = tpu.memref_squeeze %dma_start3A_159 : memref<1x128x64xf32, #tpu.memory_space<vmem>> -> memref<128x64xf32, #tpu.memory_space<vmem>>
        %dma_start3A_161 = arith.constant 0 : i32
        %dma_start3A_162 = tpu.memref_slice %arg7[%add3A_116, %dma_start3A_161] : memref<40x128xi32, #tpu.memory_space<vmem>> -> memref<1x128xi32, #tpu.memory_space<vmem>>
        %dma_start3A_163 = tpu.memref_squeeze %dma_start3A_162 : memref<1x128xi32, #tpu.memory_space<vmem>> -> memref<128xi32, #tpu.memory_space<vmem>>
        %dma_start3A_164 = arith.constant 0 : i32
        %dma_start3A_165 = arith.constant 0 : i32
        %dma_start3A_166 = tpu.memref_slice %arg9[%dma_start3A_164, %dma_start3A_165] : memref<10240x64xf32, #tpu.memory_space<vmem_shared>> -> memref<10240x64xf32, #tpu.memory_space<vmem_shared>>
        tpu.enqueue_indirect_dma source(%dma_start3A_160 : memref<128x64xf32, #tpu.memory_space<vmem>>) target(%dma_start3A_166 : memref<10240x64xf32, #tpu.memory_space<vmem_shared>>) offsets(%dma_start3A_163 : memref<128xi32, #tpu.memory_space<vmem>>) semaphore(%run_scoped3A_156 : memref<!tpu.dma_semaphore, #tpu.memory_space<semaphore_mem>>) {add = true}
        %dma_wait3A_167 = arith.constant 0 : i32
        %dma_wait3A_168 = arith.constant 0 : i32
        %dma_wait3A_169 = tpu.memref_slice %arg8[%run_scoped3A_127, %dma_wait3A_167, %dma_wait3A_168] : memref<2x128x64xf32, #tpu.memory_space<vmem>> -> memref<1x128x64xf32, #tpu.memory_space<vmem>>
        %dma_wait3A_170 = tpu.memref_squeeze %dma_wait3A_169 : memref<1x128x64xf32, #tpu.memory_space<vmem>> -> memref<128x64xf32, #tpu.memory_space<vmem>>
        %dma_wait3A_171 = arith.constant 0 : i32
        %dma_wait3A_172 = tpu.memref_slice %arg7[%add3A_116, %dma_wait3A_171] : memref<40x128xi32, #tpu.memory_space<vmem>> -> memref<1x128xi32, #tpu.memory_space<vmem>>
        %dma_wait3A_173 = tpu.memref_squeeze %dma_wait3A_172 : memref<1x128xi32, #tpu.memory_space<vmem>> -> memref<128xi32, #tpu.memory_space<vmem>>
        %dma_wait3A_174 = arith.constant 0 : i32
        %dma_wait3A_175 = arith.constant 0 : i32
        %dma_wait3A_176 = tpu.memref_slice %arg9[%dma_wait3A_174, %dma_wait3A_175] : memref<10240x64xf32, #tpu.memory_space<vmem_shared>> -> memref<10240x64xf32, #tpu.memory_space<vmem_shared>>
        tpu.wait_indirect_dma semaphore(%run_scoped3A_156 : memref<!tpu.dma_semaphore, #tpu.memory_space<semaphore_mem>>) src(%dma_wait3A_170 : memref<128x64xf32, #tpu.memory_space<vmem>>) dst(%dma_wait3A_176 : memref<10240x64xf32, #tpu.memory_space<vmem_shared>>)
        tpu.yield
      }) : () -> ()
      %add3A_128 = arith.constant 2 : i32
      %add3A_129 = arith.addi %add3A_116, %add3A_128 : i32
      %lt3A_130 = arith.constant 40 : i32
      %lt3A_131 = arith.cmpi slt, %add3A_129, %lt3A_130 : i32
      %convert_element_type3A_132 = arith.extui %lt3A_131 : i1 to i32
      %cond3A_133 = arith.constant 0 : i32
      %cond3A_134 = arith.cmpi ne, %convert_element_type3A_132, %cond3A_133 : i32
      scf.if %cond3A_134 {
        %add3A_156 = arith.constant 2 : i32
        %add3A_157 = arith.addi %add3A_116, %add3A_156 : i32
        %dma_start3A_158 = arith.constant 0 : i32
        %dma_start3A_159 = arith.constant 0 : i32
        %dma_start3A_160 = arith.constant 0 : i32
        %dma_start3A_161 = tpu.memref_slice %arg8[%dma_start3A_158, %dma_start3A_159, %dma_start3A_160] : memref<2x128x64xf32, #tpu.memory_space<vmem>> -> memref<1x128x64xf32, #tpu.memory_space<vmem>>
        %dma_start3A_162 = tpu.memref_squeeze %dma_start3A_161 : memref<1x128x64xf32, #tpu.memory_space<vmem>> -> memref<128x64xf32, #tpu.memory_space<vmem>>
        %dma_start3A_163 = arith.constant 0 : i32
        %dma_start3A_164 = tpu.memref_slice %arg6[%add3A_157, %dma_start3A_163] : memref<40x128xi32, #tpu.memory_space<vmem>> -> memref<1x128xi32, #tpu.memory_space<vmem>>
        %dma_start3A_165 = tpu.memref_squeeze %dma_start3A_164 : memref<1x128xi32, #tpu.memory_space<vmem>> -> memref<128xi32, #tpu.memory_space<vmem>>
        %dma_start3A_166 = arith.constant 0 : i32
        %dma_start3A_167 = arith.constant 0 : i32
        %dma_start3A_168 = tpu.memref_slice %arg2[%dma_start3A_166, %dma_start3A_167] : memref<10000x64xf32, #tpu.memory_space<hbm>> -> memref<10000x64xf32, #tpu.memory_space<hbm>>
        tpu.enqueue_indirect_dma source(%dma_start3A_168 : memref<10000x64xf32, #tpu.memory_space<hbm>>) target(%dma_start3A_162 : memref<128x64xf32, #tpu.memory_space<vmem>>) offsets(%dma_start3A_165 : memref<128xi32, #tpu.memory_space<vmem>>) semaphore(%arg10 : memref<!tpu.dma_semaphore, #tpu.memory_space<semaphore_mem>>)
      } else {
      }
      %add3A_135 = arith.constant 1 : i32
      %add3A_136 = arith.addi %mul3A_114, %add3A_135 : i32
      %dma_wait3A_137 = arith.constant 1 : i32
      %dma_wait3A_138 = arith.constant 0 : i32
      %dma_wait3A_139 = arith.constant 0 : i32
      %dma_wait3A_140 = tpu.memref_slice %arg8[%dma_wait3A_137, %dma_wait3A_138, %dma_wait3A_139] : memref<2x128x64xf32, #tpu.memory_space<vmem>> -> memref<1x128x64xf32, #tpu.memory_space<vmem>>
      %dma_wait3A_141 = tpu.memref_squeeze %dma_wait3A_140 : memref<1x128x64xf32, #tpu.memory_space<vmem>> -> memref<128x64xf32, #tpu.memory_space<vmem>>
      %dma_wait3A_142 = arith.constant 0 : i32
      %dma_wait3A_143 = tpu.memref_slice %arg6[%add3A_136, %dma_wait3A_142] : memref<40x128xi32, #tpu.memory_space<vmem>> -> memref<1x128xi32, #tpu.memory_space<vmem>>
      %dma_wait3A_144 = tpu.memref_squeeze %dma_wait3A_143 : memref<1x128xi32, #tpu.memory_space<vmem>> -> memref<128xi32, #tpu.memory_space<vmem>>
      %dma_wait3A_145 = arith.constant 0 : i32
      %dma_wait3A_146 = arith.constant 0 : i32
      %dma_wait3A_147 = tpu.memref_slice %arg2[%dma_wait3A_145, %dma_wait3A_146] : memref<10000x64xf32, #tpu.memory_space<hbm>> -> memref<10000x64xf32, #tpu.memory_space<hbm>>
      tpu.wait_indirect_dma semaphore(%arg11 : memref<!tpu.dma_semaphore, #tpu.memory_space<semaphore_mem>>) src(%dma_wait3A_147 : memref<10000x64xf32, #tpu.memory_space<hbm>>) dst(%dma_wait3A_141 : memref<128x64xf32, #tpu.memory_space<vmem>>)
      %run_scoped3A_148 = arith.constant 1 : i32
      "tpu.region"() ({
        %run_scoped3A_156 = tpu.sem_alloc : memref<!tpu.dma_semaphore, #tpu.memory_space<semaphore_mem>>
        %dma_start3A_157 = arith.constant 0 : i32
        %dma_start3A_158 = arith.constant 0 : i32
        %dma_start3A_159 = tpu.memref_slice %arg8[%run_scoped3A_148, %dma_start3A_157, %dma_start3A_158] : memref<2x128x64xf32, #tpu.memory_space<vmem>> -> memref<1x128x64xf32, #tpu.memory_space<vmem>>
        %dma_start3A_160 = tpu.memref_squeeze %dma_start3A_159 : memref<1x128x64xf32, #tpu.memory_space<vmem>> -> memref<128x64xf32, #tpu.memory_space<vmem>>
        %dma_start3A_161 = arith.constant 0 : i32
        %dma_start3A_162 = tpu.memref_slice %arg7[%add3A_136, %dma_start3A_161] : memref<40x128xi32, #tpu.memory_space<vmem>> -> memref<1x128xi32, #tpu.memory_space<vmem>>
        %dma_start3A_163 = tpu.memref_squeeze %dma_start3A_162 : memref<1x128xi32, #tpu.memory_space<vmem>> -> memref<128xi32, #tpu.memory_space<vmem>>
        %dma_start3A_164 = arith.constant 0 : i32
        %dma_start3A_165 = arith.constant 0 : i32
        %dma_start3A_166 = tpu.memref_slice %arg9[%dma_start3A_164, %dma_start3A_165] : memref<10240x64xf32, #tpu.memory_space<vmem_shared>> -> memref<10240x64xf32, #tpu.memory_space<vmem_shared>>
        tpu.enqueue_indirect_dma source(%dma_start3A_160 : memref<128x64xf32, #tpu.memory_space<vmem>>) target(%dma_start3A_166 : memref<10240x64xf32, #tpu.memory_space<vmem_shared>>) offsets(%dma_start3A_163 : memref<128xi32, #tpu.memory_space<vmem>>) semaphore(%run_scoped3A_156 : memref<!tpu.dma_semaphore, #tpu.memory_space<semaphore_mem>>) {add = true}
        %dma_wait3A_167 = arith.constant 0 : i32
        %dma_wait3A_168 = arith.constant 0 : i32
        %dma_wait3A_169 = tpu.memref_slice %arg8[%run_scoped3A_148, %dma_wait3A_167, %dma_wait3A_168] : memref<2x128x64xf32, #tpu.memory_space<vmem>> -> memref<1x128x64xf32, #tpu.memory_space<vmem>>
        %dma_wait3A_170 = tpu.memref_squeeze %dma_wait3A_169 : memref<1x128x64xf32, #tpu.memory_space<vmem>> -> memref<128x64xf32, #tpu.memory_space<vmem>>
        %dma_wait3A_171 = arith.constant 0 : i32
        %dma_wait3A_172 = tpu.memref_slice %arg7[%add3A_136, %dma_wait3A_171] : memref<40x128xi32, #tpu.memory_space<vmem>> -> memref<1x128xi32, #tpu.memory_space<vmem>>
        %dma_wait3A_173 = tpu.memref_squeeze %dma_wait3A_172 : memref<1x128xi32, #tpu.memory_space<vmem>> -> memref<128xi32, #tpu.memory_space<vmem>>
        %dma_wait3A_174 = arith.constant 0 : i32
        %dma_wait3A_175 = arith.constant 0 : i32
        %dma_wait3A_176 = tpu.memref_slice %arg9[%dma_wait3A_174, %dma_wait3A_175] : memref<10240x64xf32, #tpu.memory_space<vmem_shared>> -> memref<10240x64xf32, #tpu.memory_space<vmem_shared>>
        tpu.wait_indirect_dma semaphore(%run_scoped3A_156 : memref<!tpu.dma_semaphore, #tpu.memory_space<semaphore_mem>>) src(%dma_wait3A_170 : memref<128x64xf32, #tpu.memory_space<vmem>>) dst(%dma_wait3A_176 : memref<10240x64xf32, #tpu.memory_space<vmem_shared>>)
        tpu.yield
      }) : () -> ()
      %add3A_149 = arith.constant 2 : i32
      %add3A_150 = arith.addi %add3A_136, %add3A_149 : i32
      %lt3A_151 = arith.constant 40 : i32
      %lt3A_152 = arith.cmpi slt, %add3A_150, %lt3A_151 : i32
      %convert_element_type3A_153 = arith.extui %lt3A_152 : i1 to i32
      %cond3A_154 = arith.constant 0 : i32
      %cond3A_155 = arith.cmpi ne, %convert_element_type3A_153, %cond3A_154 : i32
      scf.if %cond3A_155 {
        %add3A_156 = arith.constant 2 : i32
        %add3A_157 = arith.addi %add3A_136, %add3A_156 : i32
        %dma_start3A_158 = arith.constant 1 : i32
        %dma_start3A_159 = arith.constant 0 : i32
        %dma_start3A_160 = arith.constant 0 : i32
        %dma_start3A_161 = tpu.memref_slice %arg8[%dma_start3A_158, %dma_start3A_159, %dma_start3A_160] : memref<2x128x64xf32, #tpu.memory_space<vmem>> -> memref<1x128x64xf32, #tpu.memory_space<vmem>>
        %dma_start3A_162 = tpu.memref_squeeze %dma_start3A_161 : memref<1x128x64xf32, #tpu.memory_space<vmem>> -> memref<128x64xf32, #tpu.memory_space<vmem>>
        %dma_start3A_163 = arith.constant 0 : i32
        %dma_start3A_164 = tpu.memref_slice %arg6[%add3A_157, %dma_start3A_163] : memref<40x128xi32, #tpu.memory_space<vmem>> -> memref<1x128xi32, #tpu.memory_space<vmem>>
        %dma_start3A_165 = tpu.memref_squeeze %dma_start3A_164 : memref<1x128xi32, #tpu.memory_space<vmem>> -> memref<128xi32, #tpu.memory_space<vmem>>
        %dma_start3A_166 = arith.constant 0 : i32
        %dma_start3A_167 = arith.constant 0 : i32
        %dma_start3A_168 = tpu.memref_slice %arg2[%dma_start3A_166, %dma_start3A_167] : memref<10000x64xf32, #tpu.memory_space<hbm>> -> memref<10000x64xf32, #tpu.memory_space<hbm>>
        tpu.enqueue_indirect_dma source(%dma_start3A_168 : memref<10000x64xf32, #tpu.memory_space<hbm>>) target(%dma_start3A_162 : memref<128x64xf32, #tpu.memory_space<vmem>>) offsets(%dma_start3A_165 : memref<128xi32, #tpu.memory_space<vmem>>) semaphore(%arg11 : memref<!tpu.dma_semaphore, #tpu.memory_space<semaphore_mem>>)
      } else {
      }
    }
    %scan3A_106 = arith.constant 20 : i32
    %barrier3A_107 = arith.constant 0 : index
    tpu.barrier barrier_id(%barrier3A_107)
    %mul3A_108 = arith.constant 640 : i32
    %mul3A_109 = arith.muli %arg1, %mul3A_108 : i32
    %mul3A_110 = arith.constant 640 : i32
    %mul3A_111 = arith.muli %arg1, %mul3A_110 : i32
    "tpu.region"() ({
      %run_scoped3A_112 = tpu.sem_alloc : memref<!tpu.dma_semaphore, #tpu.memory_space<semaphore_mem>>
      %dma_start3A_113 = arith.constant 0 : i32
      %dma_start3A_114 = tpu.memref_slice %arg5[%arg0, %mul3A_111, %dma_start3A_113] : memref<2x10240x64xf32, #tpu.memory_space<hbm>> -> memref<1x640x64xf32, #tpu.memory_space<hbm>>
      %dma_start3A_115 = tpu.memref_squeeze %dma_start3A_114 : memref<1x640x64xf32, #tpu.memory_space<hbm>> -> memref<640x64xf32, #tpu.memory_space<hbm>>
      %dma_start3A_116 = arith.constant 0 : i32
      %dma_start3A_117 = tpu.memref_slice %arg9[%mul3A_109, %dma_start3A_116] : memref<10240x64xf32, #tpu.memory_space<vmem_shared>> -> memref<640x64xf32, #tpu.memory_space<vmem_shared>>
      tpu.enqueue_dma source(%dma_start3A_117 : memref<640x64xf32, #tpu.memory_space<vmem_shared>>) target(%dma_start3A_115 : memref<640x64xf32, #tpu.memory_space<hbm>>) target_semaphore(%run_scoped3A_112 : memref<!tpu.dma_semaphore, #tpu.memory_space<semaphore_mem>>)
      %dma_wait3A = arith.constant 0 : i32
      %dma_wait3A_118 = tpu.memref_slice %arg5[%arg0, %mul3A_111, %dma_wait3A] : memref<2x10240x64xf32, #tpu.memory_space<hbm>> -> memref<1x640x64xf32, #tpu.memory_space<hbm>>
      %dma_wait3A_119 = tpu.memref_squeeze %dma_wait3A_118 : memref<1x640x64xf32, #tpu.memory_space<hbm>> -> memref<640x64xf32, #tpu.memory_space<hbm>>
      %dma_wait3A_120 = arith.constant 0 : i32
      %dma_wait3A_121 = tpu.memref_slice %arg9[%mul3A_109, %dma_wait3A_120] : memref<10240x64xf32, #tpu.memory_space<vmem_shared>> -> memref<640x64xf32, #tpu.memory_space<vmem_shared>>
      tpu.wait_dma2 semaphore(%run_scoped3A_112 : memref<!tpu.dma_semaphore, #tpu.memory_space<semaphore_mem>>) src(%dma_wait3A_121 : memref<640x64xf32, #tpu.memory_space<vmem_shared>>) dst(%dma_wait3A_119 : memref<640x64xf32, #tpu.memory_space<hbm>>)
      tpu.yield
    }) : () -> ()
    return
  }
}

module attributes {stable_mosaic.version = 14 : i64} {
  func.func @_tc1a_body(%arg0: i32, %arg1: memref<1280x128xf32, #tpu.memory_space<vmem>>, %arg2: memref<128x128xf32, #tpu.memory_space<vmem>>, %arg3: memref<1280x128xf32, #tpu.memory_space<vmem>>) attributes {dimension_semantics = [#tpu.dimension_semantics<arbitrary>], iteration_bounds = array<i64: 8>, scalar_prefetch = 0 : i64, scratch_operands = 0 : i64, tpu.core_type = #tpu.core_type<tc>, window_params = [{transform_indices = @transform_0, window_bounds = array<i64: 1280, 128>}, {pipeline_mode = #tpu.pipeline_mode<synchronous>, transform_indices = @transform_1, window_bounds = array<i64: 128, 128>}, {transform_indices = @transform_2, window_bounds = array<i64: 1280, 128>}]} {
    %get3A = arith.constant 0 : index
    %get3A_0 = arith.constant 0 : index
    %get3A_1 = vector.load %arg1[%get3A, %get3A_0] : memref<1280x128xf32, #tpu.memory_space<vmem>>, vector<1280x128xf32>
    %get3A_2 = arith.constant 0 : index
    %get3A_3 = arith.constant 0 : index
    %get3A_4 = vector.load %arg2[%get3A_2, %get3A_3] : memref<128x128xf32, #tpu.memory_space<vmem>>, vector<128x128xf32>
    %dot_general3A = arith.constant dense<0.000000e+00> : vector<1280x128xf32>
    %dot_general3A_5 = tpu.matmul %get3A_1, %get3A_4, %dot_general3A {dimension_numbers = #tpu.dot_dimension_numbers<[1], [0], [0], [1], [0, 0, 1, 1], [], []>, transpose_lhs_hint = false} : vector<1280x128xf32>, vector<128x128xf32>, vector<1280x128xf32> -> vector<1280x128xf32>
    %swap3A = arith.constant 0 : index
    %swap3A_6 = arith.constant 0 : index
    %swap3A_7 = vector.load %arg3[%swap3A, %swap3A_6] : memref<1280x128xf32, #tpu.memory_space<vmem>>, vector<1280x128xf32>
    tpu.vector_store %arg3[%swap3A, %swap3A_6], %dot_general3A_5 {strides = array<i32>} : memref<1280x128xf32, #tpu.memory_space<vmem>>, vector<1280x128xf32>,
    return
  }
  func.func @transform_0(%arg0: i32) -> (i32, i32) {
    %c0_i32 = arith.constant 0 : i32
    %c0_i32_0 = arith.constant 0 : i32
    return %arg0, %c0_i32 : i32, i32
  }
  func.func @transform_1(%arg0: i32) -> (i32, i32) {
    %c0_i32 = arith.constant 0 : i32
    %c0_i32_0 = arith.constant 0 : i32
    %c0_i32_1 = arith.constant 0 : i32
    return %c0_i32, %c0_i32_0 : i32, i32
  }
  func.func @transform_2(%arg0: i32) -> (i32, i32) {
    %c0_i32 = arith.constant 0 : i32
    %c0_i32_0 = arith.constant 0 : i32
    return %arg0, %c0_i32 : i32, i32
  }
}

module attributes {stable_mosaic.version = 14 : i64} {
  func.func @_tc1b_body(%arg0: i32, %arg1: memref<1280x128xf32, #tpu.memory_space<vmem>>, %arg2: memref<2x2x1280xf32, #tpu.memory_space<vmem>>, %arg3: memref<1280x128xf32, #tpu.memory_space<vmem>>) attributes {dimension_semantics = [#tpu.dimension_semantics<arbitrary>], iteration_bounds = array<i64: 8>, scalar_prefetch = 0 : i64, scratch_operands = 0 : i64, tpu.core_type = #tpu.core_type<tc>, window_params = [{transform_indices = @transform_0, window_bounds = array<i64: 1280, 128>}, {transform_indices = @transform_1, window_bounds = array<i64: 2, 2, 1280>}, {transform_indices = @transform_2, window_bounds = array<i64: 1280, 128>}]} {
    %get3A = arith.constant 0 : index
    %get3A_0 = arith.constant 0 : index
    %get3A_1 = arith.constant 0 : index
    %get3A_2 = vector.load %arg2[%get3A, %get3A_0, %get3A_1] : memref<2x2x1280xf32, #tpu.memory_space<vmem>>, vector<1x1x1280xf32>
    %get3A_3 = vector.shape_cast %get3A_2 : vector<1x1x1280xf32> to vector<1280xf32>
    %get3A_4 = arith.constant 1 : index
    %get3A_5 = arith.constant 0 : index
    %get3A_6 = arith.constant 0 : index
    %get3A_7 = vector.load %arg2[%get3A_4, %get3A_5, %get3A_6] : memref<2x2x1280xf32, #tpu.memory_space<vmem>>, vector<1x1x1280xf32>
    %get3A_8 = vector.shape_cast %get3A_7 : vector<1x1x1280xf32> to vector<1280xf32>
    %add3A = arith.addf %get3A_3, %get3A_8 : vector<1280xf32>
    %max3A = arith.constant 1.000000e+00 : f32
    %max3A_9 = vector.broadcast %max3A : f32 to vector<1280xf32>
    %max3A_10 = arith.maximumf %add3A, %max3A_9 : vector<1280xf32>
    %rsqrt3A = math.rsqrt %max3A_10 : vector<1280xf32>
    %get3A_11 = arith.constant 0 : index
    %get3A_12 = arith.constant 0 : index
    %get3A_13 = vector.load %arg1[%get3A_11, %get3A_12] : memref<1280x128xf32, #tpu.memory_space<vmem>>, vector<1280x128xf32>
    %broadcast_in_dim3A = vector.shape_cast %rsqrt3A : vector<1280xf32> to vector<1280x1xf32>
    %mul3A = vector.broadcast %broadcast_in_dim3A : vector<1280x1xf32> to vector<1280x128xf32>
    %mul3A_14 = arith.mulf %get3A_13, %mul3A : vector<1280x128xf32>
    %swap3A = arith.constant 0 : index
    %swap3A_15 = arith.constant 0 : index
    %swap3A_16 = vector.load %arg3[%swap3A, %swap3A_15] : memref<1280x128xf32, #tpu.memory_space<vmem>>, vector<1280x128xf32>
    tpu.vector_store %arg3[%swap3A, %swap3A_15], %mul3A_14 {strides = array<i32>} : memref<1280x128xf32, #tpu.memory_space<vmem>>, vector<1280x128xf32>,
    return
  }
  func.func @transform_0(%arg0: i32) -> (i32, i32) {
    %c0_i32 = arith.constant 0 : i32
    %c0_i32_0 = arith.constant 0 : i32
    return %arg0, %c0_i32 : i32, i32
  }
  func.func @transform_1(%arg0: i32) -> (i32, i32, i32) {
    %c0_i32 = arith.constant 0 : i32
    %c0_i32_0 = arith.constant 0 : i32
    %c0_i32_1 = arith.constant 0 : i32
    return %c0_i32, %c0_i32_0, %arg0 : i32, i32, i32
  }
  func.func @transform_2(%arg0: i32) -> (i32, i32) {
    %c0_i32 = arith.constant 0 : i32
    %c0_i32_0 = arith.constant 0 : i32
    return %arg0, %c0_i32 : i32, i32
  }
}

module attributes {stable_mosaic.version = 14 : i64} {
  func.func @_tc2_body(%arg0: i32, %arg1: memref<2x1280x128xf32, #tpu.memory_space<vmem>>, %arg2: memref<2x2x1280xf32, #tpu.memory_space<vmem>>, %arg3: memref<1x128xf32, #tpu.memory_space<vmem>>, %arg4: memref<128x64xf32, #tpu.memory_space<vmem>>, %arg5: memref<1280x64xf32, #tpu.memory_space<vmem>>) attributes {dimension_semantics = [#tpu.dimension_semantics<arbitrary>], iteration_bounds = array<i64: 8>, scalar_prefetch = 0 : i64, scratch_operands = 0 : i64, tpu.core_type = #tpu.core_type<tc>, window_params = [{transform_indices = @transform_0, window_bounds = array<i64: 2, 1280, 128>}, {transform_indices = @transform_1, window_bounds = array<i64: 2, 2, 1280>}, {pipeline_mode = #tpu.pipeline_mode<synchronous>, transform_indices = @transform_2, window_bounds = array<i64: 1, 128>}, {pipeline_mode = #tpu.pipeline_mode<synchronous>, transform_indices = @transform_3, window_bounds = array<i64: 128, 64>}, {transform_indices = @transform_4, window_bounds = array<i64: 1280, 64>}]} {
    %get3A = arith.constant 0 : index
    %get3A_0 = arith.constant 0 : index
    %get3A_1 = arith.constant 0 : index
    %get3A_2 = vector.load %arg1[%get3A, %get3A_0, %get3A_1] : memref<2x1280x128xf32, #tpu.memory_space<vmem>>, vector<1x1280x128xf32>
    %get3A_3 = vector.shape_cast %get3A_2 : vector<1x1280x128xf32> to vector<1280x128xf32>
    %get3A_4 = arith.constant 1 : index
    %get3A_5 = arith.constant 0 : index
    %get3A_6 = arith.constant 0 : index
    %get3A_7 = vector.load %arg1[%get3A_4, %get3A_5, %get3A_6] : memref<2x1280x128xf32, #tpu.memory_space<vmem>>, vector<1x1280x128xf32>
    %get3A_8 = vector.shape_cast %get3A_7 : vector<1x1280x128xf32> to vector<1280x128xf32>
    %add3A = arith.addf %get3A_3, %get3A_8 : vector<1280x128xf32>
    %get3A_9 = arith.constant 0 : index
    %get3A_10 = arith.constant 1 : index
    %get3A_11 = arith.constant 0 : index
    %get3A_12 = vector.load %arg2[%get3A_9, %get3A_10, %get3A_11] : memref<2x2x1280xf32, #tpu.memory_space<vmem>>, vector<1x1x1280xf32>
    %get3A_13 = vector.shape_cast %get3A_12 : vector<1x1x1280xf32> to vector<1280xf32>
    %get3A_14 = arith.constant 1 : index
    %get3A_15 = arith.constant 1 : index
    %get3A_16 = arith.constant 0 : index
    %get3A_17 = vector.load %arg2[%get3A_14, %get3A_15, %get3A_16] : memref<2x2x1280xf32, #tpu.memory_space<vmem>>, vector<1x1x1280xf32>
    %get3A_18 = vector.shape_cast %get3A_17 : vector<1x1x1280xf32> to vector<1280xf32>
    %add3A_19 = arith.addf %get3A_13, %get3A_18 : vector<1280xf32>
    %max3A = arith.constant 1.000000e+00 : f32
    %max3A_20 = vector.broadcast %max3A : f32 to vector<1280xf32>
    %max3A_21 = arith.maximumf %add3A_19, %max3A_20 : vector<1280xf32>
    %rsqrt3A = math.rsqrt %max3A_21 : vector<1280xf32>
    %broadcast_in_dim3A = vector.shape_cast %rsqrt3A : vector<1280xf32> to vector<1280x1xf32>
    %mul3A = vector.broadcast %broadcast_in_dim3A : vector<1280x1xf32> to vector<1280x128xf32>
    %mul3A_22 = arith.mulf %add3A, %mul3A : vector<1280x128xf32>
    %get3A_23 = arith.constant 0 : index
    %get3A_24 = arith.constant 0 : index
    %get3A_25 = vector.load %arg3[%get3A_23, %get3A_24] : memref<1x128xf32, #tpu.memory_space<vmem>>, vector<1x128xf32>
    %add3A_26 = vector.broadcast %get3A_25 : vector<1x128xf32> to vector<1280x128xf32>
    %add3A_27 = arith.addf %mul3A_22, %add3A_26 : vector<1280x128xf32>
    %max3A_28 = arith.constant 0.000000e+00 : f32
    %max3A_29 = vector.broadcast %max3A_28 : f32 to vector<1280x128xf32>
    %max3A_30 = arith.maximumf %add3A_27, %max3A_29 : vector<1280x128xf32>
    %get3A_31 = arith.constant 0 : index
    %get3A_32 = arith.constant 0 : index
    %get3A_33 = arith.constant 0 : index
    %get3A_34 = vector.load %arg2[%get3A_31, %get3A_32, %get3A_33] : memref<2x2x1280xf32, #tpu.memory_space<vmem>>, vector<1x1x1280xf32>
    %get3A_35 = vector.shape_cast %get3A_34 : vector<1x1x1280xf32> to vector<1280xf32>
    %get3A_36 = arith.constant 1 : index
    %get3A_37 = arith.constant 0 : index
    %get3A_38 = arith.constant 0 : index
    %get3A_39 = vector.load %arg2[%get3A_36, %get3A_37, %get3A_38] : memref<2x2x1280xf32, #tpu.memory_space<vmem>>, vector<1x1x1280xf32>
    %get3A_40 = vector.shape_cast %get3A_39 : vector<1x1x1280xf32> to vector<1280xf32>
    %add3A_41 = arith.addf %get3A_35, %get3A_40 : vector<1280xf32>
    %max3A_42 = arith.constant 1.000000e+00 : f32
    %max3A_43 = vector.broadcast %max3A_42 : f32 to vector<1280xf32>
    %max3A_44 = arith.maximumf %add3A_41, %max3A_43 : vector<1280xf32>
    %rsqrt3A_45 = math.rsqrt %max3A_44 : vector<1280xf32>
    %get3A_46 = arith.constant 0 : index
    %get3A_47 = arith.constant 0 : index
    %get3A_48 = vector.load %arg4[%get3A_46, %get3A_47] : memref<128x64xf32, #tpu.memory_space<vmem>>, vector<128x64xf32>
    %dot_general3A = arith.constant dense<0.000000e+00> : vector<1280x64xf32>
    %dot_general3A_49 = tpu.matmul %max3A_30, %get3A_48, %dot_general3A {dimension_numbers = #tpu.dot_dimension_numbers<[1], [0], [0], [1], [0, 0, 1, 1], [], []>, transpose_lhs_hint = false} : vector<1280x128xf32>, vector<128x64xf32>, vector<1280x64xf32> -> vector<1280x64xf32>
    %broadcast_in_dim3A_50 = vector.shape_cast %rsqrt3A_45 : vector<1280xf32> to vector<1280x1xf32>
    %mul3A_51 = vector.broadcast %broadcast_in_dim3A_50 : vector<1280x1xf32> to vector<1280x64xf32>
    %mul3A_52 = arith.mulf %dot_general3A_49, %mul3A_51 : vector<1280x64xf32>
    %swap3A = arith.constant 0 : index
    %swap3A_53 = arith.constant 0 : index
    %swap3A_54 = vector.load %arg5[%swap3A, %swap3A_53] : memref<1280x64xf32, #tpu.memory_space<vmem>>, vector<1280x64xf32>
    tpu.vector_store %arg5[%swap3A, %swap3A_53], %mul3A_52 {strides = array<i32>} : memref<1280x64xf32, #tpu.memory_space<vmem>>, vector<1280x64xf32>,
    return
  }
  func.func @transform_0(%arg0: i32) -> (i32, i32, i32) {
    %c0_i32 = arith.constant 0 : i32
    %c0_i32_0 = arith.constant 0 : i32
    %c0_i32_1 = arith.constant 0 : i32
    return %c0_i32, %arg0, %c0_i32_0 : i32, i32, i32
  }
  func.func @transform_1(%arg0: i32) -> (i32, i32, i32) {
    %c0_i32 = arith.constant 0 : i32
    %c0_i32_0 = arith.constant 0 : i32
    %c0_i32_1 = arith.constant 0 : i32
    return %c0_i32, %c0_i32_0, %arg0 : i32, i32, i32
  }
  func.func @transform_2(%arg0: i32) -> (i32, i32) {
    %c0_i32 = arith.constant 0 : i32
    %c0_i32_0 = arith.constant 0 : i32
    %c0_i32_1 = arith.constant 0 : i32
    return %c0_i32, %c0_i32_0 : i32, i32
  }
  func.func @transform_3(%arg0: i32) -> (i32, i32) {
    %c0_i32 = arith.constant 0 : i32
    %c0_i32_0 = arith.constant 0 : i32
    %c0_i32_1 = arith.constant 0 : i32
    return %c0_i32, %c0_i32_0 : i32, i32
  }
  func.func @transform_4(%arg0: i32) -> (i32, i32) {
    %c0_i32 = arith.constant 0 : i32
    %c0_i32_0 = arith.constant 0 : i32
    return %arg0, %c0_i32 : i32, i32
  }
}

module attributes {stable_mosaic.version = 14 : i64} {
  func.func @_tc3_body(%arg0: i32, %arg1: memref<2x1280x64xf32, #tpu.memory_space<vmem>>, %arg2: memref<2x2x1280xf32, #tpu.memory_space<vmem>>, %arg3: memref<1x64xf32, #tpu.memory_space<vmem>>, %arg4: memref<1280x64xf32, #tpu.memory_space<vmem>>) attributes {dimension_semantics = [#tpu.dimension_semantics<arbitrary>], iteration_bounds = array<i64: 8>, scalar_prefetch = 0 : i64, scratch_operands = 0 : i64, tpu.core_type = #tpu.core_type<tc>, window_params = [{transform_indices = @transform_0, window_bounds = array<i64: 2, 1280, 64>}, {transform_indices = @transform_1, window_bounds = array<i64: 2, 2, 1280>}, {pipeline_mode = #tpu.pipeline_mode<synchronous>, transform_indices = @transform_2, window_bounds = array<i64: 1, 64>}, {transform_indices = @transform_3, window_bounds = array<i64: 1280, 64>}]} {
    %get3A = arith.constant 0 : index
    %get3A_0 = arith.constant 0 : index
    %get3A_1 = arith.constant 0 : index
    %get3A_2 = vector.load %arg1[%get3A, %get3A_0, %get3A_1] : memref<2x1280x64xf32, #tpu.memory_space<vmem>>, vector<1x1280x64xf32>
    %get3A_3 = vector.shape_cast %get3A_2 : vector<1x1280x64xf32> to vector<1280x64xf32>
    %get3A_4 = arith.constant 1 : index
    %get3A_5 = arith.constant 0 : index
    %get3A_6 = arith.constant 0 : index
    %get3A_7 = vector.load %arg1[%get3A_4, %get3A_5, %get3A_6] : memref<2x1280x64xf32, #tpu.memory_space<vmem>>, vector<1x1280x64xf32>
    %get3A_8 = vector.shape_cast %get3A_7 : vector<1x1280x64xf32> to vector<1280x64xf32>
    %add3A = arith.addf %get3A_3, %get3A_8 : vector<1280x64xf32>
    %get3A_9 = arith.constant 0 : index
    %get3A_10 = arith.constant 1 : index
    %get3A_11 = arith.constant 0 : index
    %get3A_12 = vector.load %arg2[%get3A_9, %get3A_10, %get3A_11] : memref<2x2x1280xf32, #tpu.memory_space<vmem>>, vector<1x1x1280xf32>
    %get3A_13 = vector.shape_cast %get3A_12 : vector<1x1x1280xf32> to vector<1280xf32>
    %get3A_14 = arith.constant 1 : index
    %get3A_15 = arith.constant 1 : index
    %get3A_16 = arith.constant 0 : index
    %get3A_17 = vector.load %arg2[%get3A_14, %get3A_15, %get3A_16] : memref<2x2x1280xf32, #tpu.memory_space<vmem>>, vector<1x1x1280xf32>
    %get3A_18 = vector.shape_cast %get3A_17 : vector<1x1x1280xf32> to vector<1280xf32>
    %add3A_19 = arith.addf %get3A_13, %get3A_18 : vector<1280xf32>
    %max3A = arith.constant 1.000000e+00 : f32
    %max3A_20 = vector.broadcast %max3A : f32 to vector<1280xf32>
    %max3A_21 = arith.maximumf %add3A_19, %max3A_20 : vector<1280xf32>
    %rsqrt3A = math.rsqrt %max3A_21 : vector<1280xf32>
    %broadcast_in_dim3A = vector.shape_cast %rsqrt3A : vector<1280xf32> to vector<1280x1xf32>
    %mul3A = vector.broadcast %broadcast_in_dim3A : vector<1280x1xf32> to vector<1280x64xf32>
    %mul3A_22 = arith.mulf %add3A, %mul3A : vector<1280x64xf32>
    %get3A_23 = arith.constant 0 : index
    %get3A_24 = arith.constant 0 : index
    %get3A_25 = vector.load %arg3[%get3A_23, %get3A_24] : memref<1x64xf32, #tpu.memory_space<vmem>>, vector<1x64xf32>
    %add3A_26 = vector.broadcast %get3A_25 : vector<1x64xf32> to vector<1280x64xf32>
    %add3A_27 = arith.addf %mul3A_22, %add3A_26 : vector<1280x64xf32>
    %swap3A = arith.constant 0 : index
    %swap3A_28 = arith.constant 0 : index
    %swap3A_29 = vector.load %arg4[%swap3A, %swap3A_28] : memref<1280x64xf32, #tpu.memory_space<vmem>>, vector<1280x64xf32>
    tpu.vector_store %arg4[%swap3A, %swap3A_28], %add3A_27 {strides = array<i32>} : memref<1280x64xf32, #tpu.memory_space<vmem>>, vector<1280x64xf32>,
    return
  }
  func.func @transform_0(%arg0: i32) -> (i32, i32, i32) {
    %c0_i32 = arith.constant 0 : i32
    %c0_i32_0 = arith.constant 0 : i32
    %c0_i32_1 = arith.constant 0 : i32
    return %c0_i32, %arg0, %c0_i32_0 : i32, i32, i32
  }
  func.func @transform_1(%arg0: i32) -> (i32, i32, i32) {
    %c0_i32 = arith.constant 0 : i32
    %c0_i32_0 = arith.constant 0 : i32
    %c0_i32_1 = arith.constant 0 : i32
    return %c0_i32, %c0_i32_0, %arg0 : i32, i32, i32
  }
  func.func @transform_2(%arg0: i32) -> (i32, i32) {
    %c0_i32 = arith.constant 0 : i32
    %c0_i32_0 = arith.constant 0 : i32
    %c0_i32_1 = arith.constant 0 : i32
    return %c0_i32, %c0_i32_0 : i32, i32
  }
  func.func @transform_3(%arg0: i32) -> (i32, i32) {
    %c0_i32 = arith.constant 0 : i32
    %c0_i32_0 = arith.constant 0 : i32
    return %arg0, %c0_i32 : i32, i32
  }
}

</mosaic_0001>

<sc_bundles>
// kernel: kernel.12.cloned.1.call-start
scs
__scs_entry_jumppad:
0x0: {  	(pc) =	sbr.rel $0x88, $3  }
0x1: {  	(tag) =	ssettag $0x0;
	lr =	simm.s32 $0x1  }
0x2: {  	[smem:$0x3F9B] =	sst lr;
	_ =	strace $0xD0000000  }
0x3: {  	_ = 	snop  }
0x4: {  	_ = 	snop  }
0x5: {  	_ = 	snop  }
0x6: {  	_ = 	snop  }
0x7: {  	_ = 	snop  }
__scs_overlays_trampoline_lowered:
0x8: {  	[smem:$0x3FAA] =	sst s0  }
0x9: {  	[smem:$0x3FAB] =	sst s1  }
0xa: {  	[smem:$0x3FAC] =	sst s2  }
0xb: {  	[smem:$0x3FAD] =	sst s3  }
0xc: {  	[smem:$0x3FAE] =	sst s4  }
0xd: {  	[smem:$0x3FAF] =	sst s5  }
0xe: {  	[smem:$0x3FB0] =	sst s6  }
0xf: {  	[smem:$0x3FB1] =	sst s7  }
0x10: {  	[smem:$0x3FB2] =	sst s8  }
0x11: {  	[smem:$0x3FB3] =	sst s9;
	s0 =	simm.s32 @!p0 $0x0  }
0x12: {  	s1 =	sld [smem:$0x3F99];
	s0 =	simm.s32 @p0 $0x1  }
0x13: {  	[smem:$0x3FB4] =	sst s0;
	s0 =	simm.s32 @!p1 $0x0  }
0x14: {  	s2 =	sld [smem:$0x3F98];
	s0 =	simm.s32 @p1 $0x1  }
0x15: {  	[smem:$0x3FB5] =	sst s0;
	s0 =	simm.s32 @!p2 $0x0  }
0x16: {  	s3 =	sld [smem:$0x3FDB];
	s0 =	simm.s32 @p2 $0x1  }
0x17: {  	s4 =	simm.s32 $0x1BF5;
	[smem:$0x3FB7] =	sst s0  }
0x18: {  	s0 =	sld [smem:$0x3F9A];
	_ =	swait.ge [sflag:s4], $0x0  }
0x19: {  	s7 =	sld [smem:$0x3F9B]  }
0x1a: {  	s8 =	sadd.s32 $0xFFFFE003, lr  }
0x1b: {  	s9 =	sadd.s32 $0xFFFFFEF7, lr;
	s5 =	simm.s32 $0xFFFFFFFF;
	p2 =	slt.u32 s8, $0xFFFFF086  }
0x1c: {  	p1 =	slt.u32 s9, $0xF7A;
	s5 =	simm.s32 @!p2 $0x0  }
0x1d: {  	s5 =	simm.s32 @p1 $0x1;
	p0 =	seq.s32 s7, s2  }
0x1e: {  	s7 =	smul.u32 @!p0 $0xF7A, s2;
	p2 =	seq.s32 @!p0 s5, $0x0  }
0x1f: {  	s9 =	smul.u32 $0xF7A, s1;
	s8 =	simm.s32 @!p0 $0x1BF5;
	p2 =	por !p2, p0  }
0x20: {  	[sflag:s8] =	ssyncset.s32 @!p0 $0xFFFFF086;
	s6 =	sadd.s32 @!p0 s3, s7;
	s7 =	simm.s32 @!p0 $0x108  }
0x21: {  	s3 =	sadd.s32 s3, s9;
	s6 =	sadd.s32 @!p0 $0x88, s6;
	s7 =	simm.s32 @p2 $0x1082  }
0x22: {  	[simem:s7], [sflag:s8] =	dma.local @!p0 [hbm:s6], $0xF7A  }
0x23: {  	s9 =	sor.u32 $0xD0000000, s2;
	s6 =	simm.s32 $0x108;
	_ =	swait.ge @!p0 [sflag:s8], $0x0  }
0x24: {  	s3 =	sadd.s32 $0x88, s3;
	s6 =	simm.s32 @!p1 $0x1082;
	[sflag:s4] =	ssyncset.s32 $0xFFFFF086  }
0x25: {  	[simem:s6], [sflag:s4] =	dma.local [hbm:s3], $0xF7A  }
0x26: {  	[smem:$0x3F9B] =	sst s1;
	(tag) =	ssettag s2;
	_ =	strace s9  }
0x27: {  	s1 =	sld [smem:$0x3FAB]  }
0x28: {  	s2 =	sld [smem:$0x3FAC]  }
0x29: {  	s4 =	sld [smem:$0x3FAE]  }
0x2a: {  	p0 =	seq.s32 s5, $0x0;
	s5 =	sld [smem:$0x3FAF]  }
0x2b: {  	s6 =	sld [smem:$0x3FB0]  }
0x2c: {  	s7 =	sld [smem:$0x3FB1]  }
0x2d: {  	s3 =	simm.s32 $0x108;
	s8 =	sld [smem:$0x3FB2]  }
0x2e: {  	s3 =	simm.s32 @!p0 $0x1082;
	s9 =	sld [smem:$0x3FB3]  }
0x2f: {  	lr =	sadd.s32 s0, s3;
	s0 =	sld [smem:$0x3FAA]  }
0x30: {  	s3 =	sld [smem:$0x3FAD]  }
0x31: {  	[smem:$0x3FB6] =	sst s10  }
0x32: {  	s10 =	sld [smem:$0x3FB4];
	_ =	sdelay $0x3  }
0x33: {  	p0 =	seq.s32 s10, $0x1;
	s10 =	sld [smem:$0x3FB6];
	_ =	sdelay $0x3  }
0x34: {  	[smem:$0x3FB6] =	sst s10  }
0x35: {  	s10 =	sld [smem:$0x3FB5];
	_ =	sdelay $0x3  }
0x36: {  	p1 =	seq.s32 s10, $0x1;
	s10 =	sld [smem:$0x3FB6];
	_ =	sdelay $0x3  }
0x37: {  	[smem:$0x3FB6] =	sst s10  }
0x38: {  	s10 =	sld [smem:$0x3FB7]  }
0x39: {  	_ = 	snop;
	(pc) =	sbr.ind lr, $3  }
0x3a: {  	_ = 	snop  }
0x3b: {  	_ = 	snop  }
0x3c: {  	p2 =	seq.s32 s10, $0x1;
	s10 =	sld [smem:$0x3FB6]  }
0x3d: {  	_ =	shalt  }
0x3e: {  	_ =	shalt  }
0x3f: {  	_ =	shalt  }
0x40: {  	_ =	shalt  }
0x41: {  	_ =	shalt  }
0x42: {  	_ =	shalt  }
0x43: {  	_ =	shalt  }
0x44: {  	_ =	shalt  }
0x45: {  	_ =	shalt  }
0x46: {  	_ =	shalt  }
0x47: {  	_ =	shalt  }
0x48: {  	_ =	shalt  }
0x49: {  	_ =	shalt  }
0x4a: {  	_ =	shalt  }
0x4b: {  	_ =	shalt  }
0x4c: {  	_ =	shalt  }
0x4d: {  	_ =	shalt  }
0x4e: {  	_ =	shalt  }
0x4f: {  	_ =	shalt  }
0x50: {  	_ =	shalt  }
0x51: {  	_ =	shalt  }
0x52: {  	_ =	shalt  }
0x53: {  	_ =	shalt  }
0x54: {  	_ =	shalt  }
0x55: {  	_ =	shalt  }
0x56: {  	_ =	shalt  }
0x57: {  	_ =	shalt  }
0x58: {  	_ =	shalt  }
0x59: {  	_ =	shalt  }
0x5a: {  	_ =	shalt  }
0x5b: {  	_ =	shalt  }
0x5c: {  	_ =	shalt  }
0x5d: {  	_ =	shalt  }
0x5e: {  	_ =	shalt  }
0x5f: {  	_ =	shalt  }
0x60: {  	_ =	shalt  }
0x61: {  	_ =	shalt  }
0x62: {  	_ =	shalt  }
0x63: {  	_ =	shalt  }
0x64: {  	_ =	shalt  }
0x65: {  	_ =	shalt  }
0x66: {  	_ =	shalt  }
0x67: {  	_ =	shalt  }
0x68: {  	_ =	shalt  }
0x69: {  	_ =	shalt  }
0x6a: {  	_ =	shalt  }
0x6b: {  	_ =	shalt  }
0x6c: {  	_ =	shalt  }
0x6d: {  	_ =	shalt  }
0x6e: {  	_ =	shalt  }
0x6f: {  	_ =	shalt  }
0x70: {  	_ =	shalt  }
0x71: {  	_ =	shalt  }
0x72: {  	_ =	shalt  }
0x73: {  	_ =	shalt  }
0x74: {  	_ =	shalt  }
0x75: {  	_ =	shalt  }
0x76: {  	_ =	shalt  }
0x77: {  	_ =	shalt  }
0x78: {  	_ =	shalt  }
0x79: {  	_ =	shalt  }
0x7a: {  	_ =	shalt  }
0x7b: {  	_ =	shalt  }
0x7c: {  	_ =	shalt  }
0x7d: {  	_ =	shalt  }
0x7e: {  	_ =	shalt  }
0x7f: {  	_ =	shalt  }
0x80: {  	_ =	shalt  }
0x81: {  	_ =	shalt  }
0x82: {  	_ =	shalt  }
0x83: {  	_ =	shalt  }
0x84: {  	_ =	shalt  }
0x85: {  	_ =	shalt  }
0x86: {  	_ =	shalt  }
0x87: {  	_ =	shalt  }
.Lfunc_end0:
.L_simem_size_0:
called_computation.1_lowered:
.L_overlay_start_0:
0x88: {  	s2 =	sld [smem:$0x3FD9]  }
0x89: {  	s3 =	sld [smem:$0x3FFE];
	_ =	sdelay $0x1  }
0x8a: {  	s1 =	srdreg.scid  }
0x8b: {  	s0 =	sand.u32 $0x1, s1  }
0x8c: {  	s17 =	sshll.u32 s0, $0xA;
	s2 =	sadd.s32 s3, s2  }
0x8d: {  	s2 =	sadd.s32 s2, s17  }
0x8e: {  	[smem:$0x3FC2] =	sst s2  }
0x8f: {  	_ = 	snop  }
0x90: {  	s2 =	sld [smem:$0x3FD0];
	(tm) =	ssettm $0x1  }
0x91: {  	s18 =	sld [smem:$0x3FFB];
	_ =	sdelay $0x3  }
0x92: {  	_ =	strace s18  }
0x93: {  	s3 =	sld [smem:$0x3FFC];
	_ =	sdelay $0x3  }
0x94: {  	_ =	strace s3  }
0x95: {  	s3 =	sld [smem:$0x3FFD];
	_ =	sdelay $0x3  }
0x96: {  	_ =	strace s3  }
0x97: {  	_ =	strace $0x8FFFFFFF  }
0x98: {  	s19 =	sld [smem:$0x3FDB];
	_ =	sdelay $0x1  }
0x99: {  	s4 =	simm.s32 $_scs_section_size  }
0x9a: {  	s5 =	simm.s32 $_size__tile_overlayer_lowered;
	s6 =	simm.s32 $_tile_overlayer_lowered  }
0x9b: {  	s22 =	simm.s32 $0x1BFF;
	s21 =	sshll.u32 s6, $0x1;
	s3 =	sadd.s32 s4, s19  }
0x9c: {  	s7 =	simm.s32 $0x0;
	s20 =	sshll.u32 s5, $0x1;
	s5 =	sadd.s32 s21, s3  }
0x9d: {  	[timem:s7], [sflag:s22] =	dma.local [hbm:s5], s20  }
0x9e: {  	_ =	swait.ge [sflag:s22], s20  }
0x9f: {  	s4 =	ssub.s32 $0x0, s20;
	[sflag:s22] =	ssyncset.done $0x0  }
0xa0: {  	[sflag:s22] =	ssyncadd.s32 s4;
	_ =	sdelay $0x1  }
0xa1: {  	s23 =	simm.s32 $0x1B8B  }
0xa2: {  	_ =	swait.ge [sflag:s23], $0x1  }
0xa3: {  	[sflag:s23] =	ssyncset.done $0x0  }
0xa4: {  	s25 =	simm.s32 $0x1B8E;
	s24 =	sld [smem:$0x3FFE];
	[sflag:s23] =	ssyncadd.s32 $0xFFFFFFFF  }
0xa5: {  	s26 =	simm.s32 $execute0_lowered;
	[smem:$0x3FD2] =	sst s25  }
0xa6: {  	s5 =	sshll.u32 s26, $0x1;
	_ =	strace $0x80000049;
	[dreg:$0x1] =	wrdreg $0xFFFFFFFF  }
0xa7: {  	s28 =	simm.s32 $_size_execute0_lowered;
	s3 =	sadd.s32 s3, s5;
	[dreg:$0x0] =	wrdreg $0x0  }
0xa8: {  	s5 =	sshll.u32 s28, $0x1;
	[dreg:$0x2] =	wrdreg s3  }
0xa9: {  	[dreg:$0x3] =	wrdreg s5  }
0xaa: {  	[dreg:$0x4] =	wrdreg $0xC0  }
0xab: {  	_ =	task [dreg:s7], $0x5FFFF  }
0xac: {  	[dreg:$0x1] =	wrdreg $0xFFFFFFFF  }
0xad: {  	[dreg:$0x0] =	wrdreg $0x60  }
0xae: {  	[dreg:$0x2] =	wrdreg s24  }
0xaf: {  	[dreg:$0x3] =	wrdreg s2  }
0xb0: {  	[dreg:$0x4] =	wrdreg $0xA8000  }
0xb1: {  	[dreg:$0x5] =	wrdreg $0x9  }
0xb2: {  	_ =	task.clear_ibuf [dreg:s7], $0x6FFFF;
	_ =	strace $0x90000049  }
0xb3: {  	s29 =	simm.s32 $0x9;
	_ =	strace $0x8000004B  }
0xb4: {  	_ =	swait.ge [sflag:s29], $0x1  }
0xb5: {  	[sflag:s29] =	ssyncadd.s32 $0xFFFFFFFF  }
0xb6: {  	_ =	strace $0x9000004B  }
0xb7: {  	_ =	sfence  }
0xb8: {  	s30 =	sld [smem:$0x0];
	_ =	sdelay $0x2  }
0xb9: {  	s31 =	sshll.u32 s1, $0xD;
	s1 =	sshrl.u32 s1, $0x2  }
0xba: {  	s3 =	sand.u32 $0x4000, s31;
	s1 =	sadd.s32 s1, s30  }
0xbb: {  	s0 =	sor.u32 s3, s0;
	s1 =	sshll.u32 s1, $0x11  }
0xbc: {  	s0 =	sor.u32 s1, s0  }
0xbd: {  	s0 =	sadd.s32 $0x8F2B, s0  }
0xbe: {  	[sflag:s0] =	ssyncadd.remote.s32 $0x1  }
0xbf: {  	_ =	sfence.sel $0xFFFF  }
0xc0: {  	[dreg:$0x0] =	wrdreg $0xFFFFFFFF;
	(pc) =	sbr.abs _section_cstart, $3  }
0xc1: {  	[dreg:$0x1] =	wrdreg $0xFFFFFFFF  }
0xc2: {  	_ =	task.clear_ibuf [dreg:s7], $0x2FFFF;
	_ =	strace $0x9FFFFFFF  }
0xc3: {  	(tm) =	ssettm $0x7FFFFFFF  }
tec
execute0_lowered:
.L_overlay_start_1:
0x0: {  	(tag) =	ssettag $0x1  }
0x1: {  	s0 =	rddreg [dreg:$0x0]  }
0x2: {  	s1 =	rddreg [dreg:$0x1]  }
0x3: {  	s2 =	rddreg [dreg:$0x2]  }
0x4: {  	s4 =	srdreg.scid;
	s11 =	stileid.u32;
	s3 =	simm.s32 $0x0  }
0x5: {  	s20 =	simm.s32 $0x2800;
	s21 =	simm.s32 $0x3;
	s22 =	simm.s32 $0x80  }
0x6: {  	s23 =	simm.s32 $0x6800;
	s24 =	simm.s32 $0x1;
	s25 =	simm.s32 $0x2  }
0x7: {  	s26 =	simm.s32 $0x2700;
	s28 =	simm.s32 $0x2780;
	s30 =	simm.s32 $0x0  }
0x8: {  	s6 =	sand.u32 $0x1, s4;
	s7 =	smul.u32 $0x14000, s11;
	[smem:$0x7FF] =	sst s3  }
0x9: {  	s4 =	sadd.s32 $0x4800, s0;
	s5 =	sadd.s32 $0x4000, s0;
	s10 =	smul.u32 $0x50000, s11  }
0xa: {  	s14 =	sadd.s32 $0x13740, s1;
	s15 =	sadd.s32 $0x43C0, s0;
	s8 =	smul.u32 $0x140000, s6  }
0xb: {  	_ =	strace $0x8000004A;
	s9 =	sshll.u32 s6, $0x4;
	s6 =	ssub.s32 $0x2, s6  }
0xc: {  	s12 =	sor.u32 s11, s9;
	s29 =	sshrl.u32 s6, $0x1;
	s10 =	sshrl.u32 s10, $0x2  }
0xd: {  	s8 =	sadd.s32 s7, s8;
	s11 =	smul.u32 $0x2800, s12;
	s19 =	ssub.s32 s6, s29  }
0xe: {  	s13 =	sadd.s32 s10, s2;
	s6 =	sadd.s32 s7, s2;
	p0 =	seq.s32 s12, $0x1F  }
0xf: {  	s8 =	sshrl.u32 s8, $0x3;
	s7 =	sadd.s32 $0x4000, s13;
	s9 =	sadd.s32 $0xC000, s13  }
0x10: {  	s19 =	smax.u32 s19, $0x1;
	s18 =	sadd.s32 s8, s0;
	s31 =	sshrl.u32 s11, $0x3  }
0x11: {  	s8 =	sadd.s32 $0x8000, s13;
	s11 =	sadd.s32 $0x10000, s13;
	s13 =	sadd.s32 $0x9B00, s1  }
0x12: {  	s10 =	sadd.s32 s1, s31;
	s1 =	sadd.s32 $0x4140, s0;
	s0 =	sadd.s32 $0x4500, s0  }
0x13: {  	s18 =	sadd.s32 $0x2BA00, s18;
	s16 =	sadd.s32 $0x280, s10;
	s17 =	sadd.s32 $0x9EC0, s10  }
0x14: {  	v0 =	vimm.f32 $0.0e+00;
	s12 =	sadd.s32 $0x9C40, s10;
	s16 =	smov.u32 @p0 s1;
	s17 =	smov.u32 @p0 s0  }
.LBB2_1:
0x15: {  	s0 =	sand.u32 $0xFE00, s3  }
0x16: {  	s1 =	sand.u32 $0x70, s3;
	s0 =	sshrl.u32 s0, $0x2  }
0x17: {  	s31 =	simm.s32 $0x40;
	s1 =	sor.u32 s1, s0;
	s0 =	simm.s32 $0x0  }
.LBB2_2:
0x18: {  	p1 =	sne.s32 s31, $0xFFC0  }
0x19: {  	[tilespmem:s1+$0x2800] =	vst v0;
	s0 =	sadd.s32 $0x10, s0;
	s1 =	smov.u32 s31;
	s31 =	sadd.s32 $0x40, s31  }
.Ltmp0:
0x1a: {  	(pc) =	sbr.rel @p1 .LBB2_2-.Ltmp0, $4  }
0x1b: {  	_ = 	snop  }
0x1c: {  	s1 =	sand.u32 $0xFE00, s1  }
0x1d: {  	s29 =	sand.u32 $0x70, s0;
	s1 =	sshrl.u32 s1, $0x2  }
0x1e: {  	s1 =	sor.u32 s29, s1  }
0x1f: {  	[tilespmem:s1+$0x2800] =	vst v0  }
0x20: {  	[spmem:s6] =	stream.linear.scatter [tilespmem:s20], [sflag:$0x3], $0x4000, $0x38;
	[tilespmem:$0x1E800] =	vst v63  }
0x21: {  	_ =	swait.ge [sflag:s21], $0x4000  }
0x22: {  	[sflag:s21] =	ssyncset.done $0x0  }
0x23: {  	[sflag:s21] =	ssyncadd.s32 $0xFFFFC000  }
0x24: {  	[spmem:s7] =	stream.linear.scatter [tilespmem:s20], [sflag:$0x3], $0x4000, $0x38;
	[tilespmem:$0x1E800] =	vst v63  }
0x25: {  	_ =	swait.ge [sflag:s21], $0x4000  }
0x26: {  	[sflag:s21] =	ssyncset.done $0x0  }
0x27: {  	[sflag:s21] =	ssyncadd.s32 $0xFFFFC000  }
0x28: {  	[spmem:s8] =	stream.linear.scatter [tilespmem:s20], [sflag:$0x3], $0x4000, $0x38;
	[tilespmem:$0x1E800] =	vst v63  }
0x29: {  	_ =	swait.ge [sflag:s21], $0x4000  }
0x2a: {  	[sflag:s21] =	ssyncset.done $0x0  }
0x2b: {  	[sflag:s21] =	ssyncadd.s32 $0xFFFFC000  }
0x2c: {  	[spmem:s9] =	stream.linear.scatter [tilespmem:s20], [sflag:$0x3], $0x4000, $0x38;
	[tilespmem:$0x1E800] =	vst v63  }
0x2d: {  	_ =	swait.ge [sflag:s21], $0x4000  }
0x2e: {  	[sflag:s21] =	ssyncset.done $0x0  }
0x2f: {  	[sflag:s21] =	ssyncadd.s32 $0xFFFFC000  }
0x30: {  	[spmem:s11] =	stream.linear.scatter [tilespmem:s20], [sflag:$0x3], $0x4000, $0x38;
	[tilespmem:$0x1E800] =	vst v63  }
0x31: {  	_ =	swait.ge [sflag:s21], $0x4000  }
0x32: {  	[sflag:s21] =	ssyncset.done $0x0  }
0x33: {  	[sflag:s21] =	ssyncadd.s32 $0xFFFFC000  }
0x34: {  	s0 =	simm.s32 @p0 $0x0;
	s1 =	simm.s32 @p0 $0x3;
	[bflag:$0x0] =	sbarrier.arrive $0xFFFF  }
0x35: {  	[tilespmem:s0], [sflag:$0x3] =	stream.linear.gather @p0 [hbm4b:s13+s0], $0xA00, $0x38;
	[tilespmem:$0x1E800] =	vst v63  }
0x36: {  	_ =	swait.ge @p0 [sflag:s1], $0xA00  }
0x37: {  	[sflag:s1] =	ssyncset.done @p0 $0x0  }
0x38: {  	s29 =	simm.s32 @p0 $0xA00;
	[sflag:s1] =	ssyncadd.s32 @p0 $0xFFFFF600  }
0x39: {  	[tilespmem:s29], [sflag:$0x3] =	stream.linear.gather @p0 [hbm4b:s5+s0], $0xA00, $0x38;
	[tilespmem:$0x1E800] =	vst v63  }
0x3a: {  	_ =	swait.ge @p0 [sflag:s1], $0xA00  }
0x3b: {  	[sflag:s1] =	ssyncset.done @p0 $0x0  }
0x3c: {  	s29 =	simm.s32 @p0 $0x1400;
	[sflag:s1] =	ssyncadd.s32 @p0 $0xFFFFF600  }
0x3d: {  	[tilespmem:s29], [sflag:$0x3] =	stream.linear.gather @p0 [hbm4b:s14+s0], $0xA00, $0x38;
	[tilespmem:$0x1E800] =	vst v63  }
0x3e: {  	_ =	swait.ge @p0 [sflag:s1], $0xA00  }
0x3f: {  	[sflag:s1] =	ssyncset.done @p0 $0x0  }
0x40: {  	s29 =	simm.s32 @p0 $0x1E00;
	[sflag:s1] =	ssyncadd.s32 @p0 $0xFFFFF600  }
0x41: {  	[tilespmem:s29], [sflag:$0x3] =	stream.linear.gather @p0 [hbm4b:s15+s0], $0xA00, $0x38;
	[tilespmem:$0x1E800] =	vst v63  }
0x42: {  	_ =	swait.ge @p0 [sflag:s1], $0xA00  }
0x43: {  	[sflag:s1] =	ssyncset.done @p0 $0x0  }
0x44: {  	s0 =	simm.s32 @!p0 $0x0;
	[sflag:s1] =	ssyncadd.s32 @p0 $0xFFFFF600;
	s1 =	simm.s32 @!p0 $0x3  }
0x45: {  	[tilespmem:s0], [sflag:$0x3] =	stream.linear.gather @!p0 [hbm4b:s10+s0], $0x1400, $0x38;
	[tilespmem:$0x1E800] =	vst v63  }
0x46: {  	_ =	swait.ge @!p0 [sflag:s1], $0x1400  }
0x47: {  	[sflag:s1] =	ssyncset.done @!p0 $0x0  }
0x48: {  	s29 =	simm.s32 @!p0 $0x1400;
	[sflag:s1] =	ssyncadd.s32 @!p0 $0xFFFFEC00  }
0x49: {  	[tilespmem:s29], [sflag:$0x3] =	stream.linear.gather @!p0 [hbm4b:s12+s0], $0x1400, $0x38;
	[tilespmem:$0x1E800] =	vst v63  }
0x4a: {  	_ =	swait.ge @!p0 [sflag:s1], $0x1400  }
0x4b: {  	[sflag:s1] =	ssyncset.done @!p0 $0x0  }
0x4c: {  	[sflag:s1] =	ssyncadd.s32 @!p0 $0xFFFFEC00;
	s1 =	simm.s32 $0x0  }
0x4d: {  	[tilespmem:s20], [sflag:$0x1] =	stream.indirect.gather [hbm4b:s4+s22], $0x80, s1, s22, $0xb8;
	[tilespmem:$0x1E800] =	vst v63  }
0x4e: {  	_ = 	snop  }
0x4f: {  	[tilespmem:s23], [sflag:$0x2] =	stream.indirect.gather [hbm4b:s4+s22], $0x80, s22, s22, $0xb8;
	[tilespmem:$0x1E800] =	vst v63  }
0x50: {  	_ =	swait.ge [sflag:s24], $0x4000  }
0x51: {  	[sflag:s24] =	ssyncset.done $0x0  }
0x52: {  	s29 =	simm.s32 $0x1400;
	[sflag:s24] =	ssyncadd.s32 $0xFFFFC000  }
0x53: {  	[spmem:s2] =	stream.indirect.scatter.add.f32 [tilespmem:s20], [sflag:$0x3], $0x80, s29, s22, $0xb8;
	[tilespmem:$0x1E800] =	vst v63  }
0x54: {  	_ =	swait.ge [sflag:s21], $0x4000  }
0x55: {  	[sflag:s21] =	ssyncset.done $0x0  }
0x56: {  	s1 =	simm.s32 $0x100;
	[sflag:s21] =	ssyncadd.s32 $0xFFFFC000  }
0x57: {  	[tilespmem:s20], [sflag:$0x1] =	stream.indirect.gather [hbm4b:s4+s22], $0x80, s1, s22, $0xb8;
	[tilespmem:$0x1E800] =	vst v63  }
0x58: {  	_ =	swait.ge [sflag:s25], $0x4000  }
0x59: {  	[sflag:s25] =	ssyncset.done $0x0  }
0x5a: {  	s29 =	simm.s32 $0x1480;
	[sflag:s25] =	ssyncadd.s32 $0xFFFFC000  }
0x5b: {  	[spmem:s2] =	stream.indirect.scatter.add.f32 [tilespmem:s23], [sflag:$0x3], $0x80, s29, s22, $0xb8;
	[tilespmem:$0x1E800] =	vst v63  }
0x5c: {  	_ =	swait.ge [sflag:s21], $0x4000  }
0x5d: {  	[sflag:s21] =	ssyncset.done $0x0  }
0x5e: {  	s31 =	simm.s32 $0x400;
	s0 =	simm.s32 $0x180;
	[sflag:s21] =	ssyncadd.s32 $0xFFFFC000  }
.LBB2_4:
0x5f: {  	[tilespmem:s23], [sflag:$0x2] =	stream.indirect.gather [hbm4b:s4+s22], $0x80, s0, s22, $0xb8;
	[tilespmem:$0x1E800] =	vst v63  }
0x60: {  	s0 =	smov.u32 s31  }
0x61: {  	p1 =	sne.s32 s31, $0x4800;
	s31 =	sadd.s32 $0x400, s31;
	_ =	swait.ge [sflag:s24], $0x4000  }
0x62: {  	s0 =	sshra.s32 s0, $0x2;
	[sflag:s24] =	ssyncset.done $0x0  }
0x63: {  	s1 =	sadd.s32 $0x1400, s0;
	[sflag:s24] =	ssyncadd.s32 $0xFFFFC000  }
0x64: {  	[spmem:s2] =	stream.indirect.scatter.add.f32 [tilespmem:s20], [sflag:$0x3], $0x80, s1, s22, $0xb8;
	[tilespmem:$0x1E800] =	vst v63  }
0x65: {  	_ =	swait.ge [sflag:s21], $0x4000  }
0x66: {  	[sflag:s21] =	ssyncset.done $0x0  }
0x67: {  	s1 =	sadd.s32 $0x100, s0;
	[sflag:s21] =	ssyncadd.s32 $0xFFFFC000  }
0x68: {  	[tilespmem:s20], [sflag:$0x1] =	stream.indirect.gather [hbm4b:s4+s22], $0x80, s1, s22, $0xb8;
	[tilespmem:$0x1E800] =	vst v63  }
0x69: {  	_ =	swait.ge [sflag:s25], $0x4000  }
0x6a: {  	[sflag:s25] =	ssyncset.done $0x0  }
.Ltmp1:
0x6b: {  	s1 =	sadd.s32 $0x1480, s0;
	[sflag:s25] =	ssyncadd.s32 $0xFFFFC000;
	(pc) =	sbr.rel @p1 .LBB2_4-.Ltmp1, $4  }
0x6c: {  	[spmem:s2] =	stream.indirect.scatter.add.f32 [tilespmem:s23], [sflag:$0x3], $0x80, s1, s22, $0xb8;
	[tilespmem:$0x1E800] =	vst v63  }
0x6d: {  	_ =	swait.ge [sflag:s21], $0x4000  }
0x6e: {  	[sflag:s21] =	ssyncset.done $0x0  }
0x6f: {  	s0 =	sadd.s32 $0x180, s0;
	[sflag:s21] =	ssyncadd.s32 $0xFFFFC000  }
0x70: {  	[tilespmem:s23], [sflag:$0x2] =	stream.indirect.gather [hbm4b:s4+s22], $0x80, s0, s22, $0xb8;
	[tilespmem:$0x1E800] =	vst v63  }
0x71: {  	_ =	swait.ge [sflag:s24], $0x4000  }
0x72: {  	[sflag:s24] =	ssyncset.done $0x0  }
0x73: {  	[sflag:s24] =	ssyncadd.s32 $0xFFFFC000  }
0x74: {  	[spmem:s2] =	stream.indirect.scatter.add.f32 [tilespmem:s20], [sflag:$0x3], $0x80, s26, s22, $0xb8;
	[tilespmem:$0x1E800] =	vst v63  }
0x75: {  	_ =	swait.ge [sflag:s21], $0x4000  }
0x76: {  	[sflag:s21] =	ssyncset.done $0x0  }
0x77: {  	[sflag:s21] =	ssyncadd.s32 $0xFFFFC000  }
0x78: {  	_ =	swait.ge [sflag:s25], $0x4000  }
0x79: {  	[sflag:s25] =	ssyncset.done $0x0  }
0x7a: {  	[sflag:s25] =	ssyncadd.s32 $0xFFFFC000  }
0x7b: {  	[spmem:s2] =	stream.indirect.scatter.add.f32 [tilespmem:s23], [sflag:$0x3], $0x80, s28, s22, $0xb8;
	[tilespmem:$0x1E800] =	vst v63  }
0x7c: {  	_ =	swait.ge [sflag:s21], $0x4000  }
0x7d: {  	[sflag:s21] =	ssyncset.done $0x0  }
0x7e: {  	s29 =	simm.s32 $0x0;
	[sflag:s21] =	ssyncadd.s32 $0xFFFFC000  }
0x7f: {  	[tilespmem:s29], [sflag:$0x3] =	stream.linear.gather [hbm4b:s16+s29], $0x1400, $0x38;
	[tilespmem:$0x1E800] =	vst v63  }
0x80: {  	_ =	swait.ge [sflag:s21], $0x1400  }
0x81: {  	[sflag:s21] =	ssyncset.done $0x0  }
0x82: {  	s1 =	simm.s32 $0x1400;
	[sflag:s21] =	ssyncadd.s32 $0xFFFFEC00  }
0x83: {  	[tilespmem:s1], [sflag:$0x3] =	stream.linear.gather [hbm4b:s17+s29], $0x1400, $0x38;
	[tilespmem:$0x1E800] =	vst v63  }
0x84: {  	_ =	swait.ge [sflag:s21], $0x1400  }
0x85: {  	[sflag:s21] =	ssyncset.done $0x0  }
0x86: {  	[sflag:s21] =	ssyncadd.s32 $0xFFFFEC00  }
0x87: {  	[tilespmem:s20], [sflag:$0x1] =	stream.indirect.gather [hbm4b:s4+s22], $0x80, s29, s22, $0xb8;
	[tilespmem:$0x1E800] =	vst v63  }
0x88: {  	_ = 	snop  }
0x89: {  	[tilespmem:s23], [sflag:$0x2] =	stream.indirect.gather [hbm4b:s4+s22], $0x80, s22, s22, $0xb8;
	[tilespmem:$0x1E800] =	vst v63  }
0x8a: {  	_ =	swait.ge [sflag:s24], $0x4000  }
0x8b: {  	[sflag:s24] =	ssyncset.done $0x0  }
0x8c: {  	s29 =	simm.s32 $0x1400;
	[sflag:s24] =	ssyncadd.s32 $0xFFFFC000  }
0x8d: {  	[spmem:s2] =	stream.indirect.scatter.add.f32 [tilespmem:s20], [sflag:$0x3], $0x80, s29, s22, $0xb8;
	[tilespmem:$0x1E800] =	vst v63  }
0x8e: {  	_ =	swait.ge [sflag:s21], $0x4000  }
0x8f: {  	[sflag:s21] =	ssyncset.done $0x0  }
0x90: {  	s1 =	simm.s32 $0x100;
	[sflag:s21] =	ssyncadd.s32 $0xFFFFC000  }
0x91: {  	[tilespmem:s20], [sflag:$0x1] =	stream.indirect.gather [hbm4b:s4+s22], $0x80, s1, s22, $0xb8;
	[tilespmem:$0x1E800] =	vst v63  }
0x92: {  	_ =	swait.ge [sflag:s25], $0x4000  }
0x93: {  	[sflag:s25] =	ssyncset.done $0x0  }
0x94: {  	s29 =	simm.s32 $0x1480;
	[sflag:s25] =	ssyncadd.s32 $0xFFFFC000  }
0x95: {  	[spmem:s2] =	stream.indirect.scatter.add.f32 [tilespmem:s23], [sflag:$0x3], $0x80, s29, s22, $0xb8;
	[tilespmem:$0x1E800] =	vst v63  }
0x96: {  	_ =	swait.ge [sflag:s21], $0x4000  }
0x97: {  	[sflag:s21] =	ssyncset.done $0x0  }
0x98: {  	s31 =	simm.s32 $0x400;
	s0 =	simm.s32 $0x180;
	[sflag:s21] =	ssyncadd.s32 $0xFFFFC000  }
.LBB2_6:
0x99: {  	[tilespmem:s23], [sflag:$0x2] =	stream.indirect.gather [hbm4b:s4+s22], $0x80, s0, s22, $0xb8;
	[tilespmem:$0x1E800] =	vst v63  }
0x9a: {  	s0 =	smov.u32 s31  }
0x9b: {  	p1 =	sne.s32 s31, $0x4800;
	s31 =	sadd.s32 $0x400, s31;
	_ =	swait.ge [sflag:s24], $0x4000  }
0x9c: {  	s0 =	sshra.s32 s0, $0x2;
	[sflag:s24] =	ssyncset.done $0x0  }
0x9d: {  	s1 =	sadd.s32 $0x1400, s0;
	[sflag:s24] =	ssyncadd.s32 $0xFFFFC000  }
0x9e: {  	[spmem:s2] =	stream.indirect.scatter.add.f32 [tilespmem:s20], [sflag:$0x3], $0x80, s1, s22, $0xb8;
	[tilespmem:$0x1E800] =	vst v63  }
0x9f: {  	_ =	swait.ge [sflag:s21], $0x4000  }
0xa0: {  	[sflag:s21] =	ssyncset.done $0x0  }
0xa1: {  	s1 =	sadd.s32 $0x100, s0;
	[sflag:s21] =	ssyncadd.s32 $0xFFFFC000  }
0xa2: {  	[tilespmem:s20], [sflag:$0x1] =	stream.indirect.gather [hbm4b:s4+s22], $0x80, s1, s22, $0xb8;
	[tilespmem:$0x1E800] =	vst v63  }
0xa3: {  	_ =	swait.ge [sflag:s25], $0x4000  }
0xa4: {  	[sflag:s25] =	ssyncset.done $0x0  }
.Ltmp2:
0xa5: {  	s1 =	sadd.s32 $0x1480, s0;
	[sflag:s25] =	ssyncadd.s32 $0xFFFFC000;
	(pc) =	sbr.rel @p1 .LBB2_6-.Ltmp2, $4  }
0xa6: {  	[spmem:s2] =	stream.indirect.scatter.add.f32 [tilespmem:s23], [sflag:$0x3], $0x80, s1, s22, $0xb8;
	[tilespmem:$0x1E800] =	vst v63  }
0xa7: {  	_ =	swait.ge [sflag:s21], $0x4000  }
0xa8: {  	[sflag:s21] =	ssyncset.done $0x0  }
0xa9: {  	s0 =	sadd.s32 $0x180, s0;
	[sflag:s21] =	ssyncadd.s32 $0xFFFFC000  }
0xaa: {  	[tilespmem:s23], [sflag:$0x2] =	stream.indirect.gather [hbm4b:s4+s22], $0x80, s0, s22, $0xb8;
	[tilespmem:$0x1E800] =	vst v63  }
0xab: {  	_ =	swait.ge [sflag:s24], $0x4000  }
0xac: {  	[sflag:s24] =	ssyncset.done $0x0  }
0xad: {  	[sflag:s24] =	ssyncadd.s32 $0xFFFFC000  }
0xae: {  	[spmem:s2] =	stream.indirect.scatter.add.f32 [tilespmem:s20], [sflag:$0x3], $0x80, s26, s22, $0xb8;
	[tilespmem:$0x1E800] =	vst v63  }
0xaf: {  	_ =	swait.ge [sflag:s21], $0x4000  }
0xb0: {  	[sflag:s21] =	ssyncset.done $0x0  }
0xb1: {  	[sflag:s21] =	ssyncadd.s32 $0xFFFFC000  }
0xb2: {  	_ =	swait.ge [sflag:s25], $0x4000  }
0xb3: {  	[sflag:s25] =	ssyncset.done $0x0  }
0xb4: {  	[sflag:s25] =	ssyncadd.s32 $0xFFFFC000  }
0xb5: {  	[spmem:s2] =	stream.indirect.scatter.add.f32 [tilespmem:s23], [sflag:$0x3], $0x80, s28, s22, $0xb8;
	[tilespmem:$0x1E800] =	vst v63  }
0xb6: {  	s31 =	stileid.u32;
	_ =	swait.ge [sflag:s21], $0x4000  }
0xb7: {  	s1 =	sshrl.u32 s6, $0x3;
	s30 =	sadd.s32 $0x1, s30;
	[sflag:s21] =	ssyncset.done $0x0  }
0xb8: {  	s0 =	sshll.u32 s31, $0x6;
	p1 =	sne.s32 s30, s19;
	[sflag:s21] =	ssyncadd.s32 $0xFFFFC000  }
.Ltmp3:
0xb9: {  	s0 =	sor.u32 $0x1C03, s0;
	[bflag:$0x0] =	sbarrier.arrive $0xFFFF;
	(pc) =	sbr.rel @p1 .LBB2_1-.Ltmp3, $4  }
0xba: {  	[hbm:s18], [sflag:s0] =	dma.local [spmem:s1], $0x2800  }
0xbb: {  	_ =	swait.ge [sflag:s21], $0x2800  }
0xbc: {  	[sflag:s21] =	ssyncset.done $0x0  }
0xbd: {  	[sflag:s21] =	ssyncadd.s32 $0xFFFFD800  }
0xbe: {  	_ =	sfence.sel $0x180000  }
0xbf: {  	[bflag:$0x0] =	sbarrier.arrive $0xFFFF  }
0xc0: {  	_ =	strace $0x9000004A  }
0xc1: {  	s0 =	stileid.u32;
	[bflag:$0x2] =	sbarrier.arrive $0xFFFF  }
0xc2: {  	p0 =	sne.s32 s0, $0x0;
	s0 =	rddreg [dreg:$0x3]  }
0xc3: {  	s0 =	sadd.s32 @!p0 $0x100000, s0  }
0xc4: {  	[sflag:s0] =	ssyncadd.tile.s32 @!p0 $0x1;
	_ =	shalt  }
.Lfunc_end2:
_tile_overlayer_lowered:
.L_overlay_start_2:
0xc5: {  	(tag) =	ssettag $0x2  }
0xc6: {  	s0 =	rddreg [dreg:$0x0];
	s2 =	stileid.u32  }
0xc7: {  	s1 =	rddreg [dreg:$0x1];
	p0 =	sne.s32 s2, $0x0  }
0xc8: {  	s3 =	rddreg [dreg:$0x2];
	[bflag:$0x3] =	sbarrier.arrive $0xFFFF;
	s2 =	simm.s32 @!p0 $0x1C03  }
0xc9: {  	[timem:s3], [sflag:s2] =	dma.local @!p0 [hbm:s0], s1  }
0xca: {  	s0 =	simm.s32 @!p0 $0x3  }
0xcb: {  	_ =	swait.ge @!p0 [sflag:s0], s1  }
0xcc: {  	s1 =	ssub.s32 @!p0 $0x0, s1;
	[sflag:s0] =	ssyncset.done @!p0 $0x0  }
0xcd: {  	[sflag:s0] =	ssyncadd.s32 @!p0 s1  }
0xce: {  	[bflag:$0x3] =	sbarrier.arrive $0xFFFF  }
0xcf: {  	_ =	shalt  }

// kernel: kernel.15.cloned.1.call-start
scs
__scs_entry_jumppad:
0x0: {  	(pc) =	sbr.rel $0x88, $3  }
0x1: {  	(tag) =	ssettag $0x0;
	lr =	simm.s32 $0x1  }
0x2: {  	[smem:$0x3F9B] =	sst lr;
	_ =	strace $0xD0000000  }
0x3: {  	_ = 	snop  }
0x4: {  	_ = 	snop  }
0x5: {  	_ = 	snop  }
0x6: {  	_ = 	snop  }
0x7: {  	_ = 	snop  }
__scs_overlays_trampoline_lowered:
0x8: {  	[smem:$0x3FAA] =	sst s0  }
0x9: {  	[smem:$0x3FAB] =	sst s1  }
0xa: {  	[smem:$0x3FAC] =	sst s2  }
0xb: {  	[smem:$0x3FAD] =	sst s3  }
0xc: {  	[smem:$0x3FAE] =	sst s4  }
0xd: {  	[smem:$0x3FAF] =	sst s5  }
0xe: {  	[smem:$0x3FB0] =	sst s6  }
0xf: {  	[smem:$0x3FB1] =	sst s7  }
0x10: {  	[smem:$0x3FB2] =	sst s8  }
0x11: {  	[smem:$0x3FB3] =	sst s9;
	s0 =	simm.s32 @!p0 $0x0  }
0x12: {  	s1 =	sld [smem:$0x3F99];
	s0 =	simm.s32 @p0 $0x1  }
0x13: {  	[smem:$0x3FB4] =	sst s0;
	s0 =	simm.s32 @!p1 $0x0  }
0x14: {  	s2 =	sld [smem:$0x3F98];
	s0 =	simm.s32 @p1 $0x1  }
0x15: {  	[smem:$0x3FB5] =	sst s0;
	s0 =	simm.s32 @!p2 $0x0  }
0x16: {  	s3 =	sld [smem:$0x3FDB];
	s0 =	simm.s32 @p2 $0x1  }
0x17: {  	s4 =	simm.s32 $0x1BF5;
	[smem:$0x3FB7] =	sst s0  }
0x18: {  	s0 =	sld [smem:$0x3F9A];
	_ =	swait.ge [sflag:s4], $0x0  }
0x19: {  	s7 =	sld [smem:$0x3F9B]  }
0x1a: {  	s8 =	sadd.s32 $0xFFFFE003, lr  }
0x1b: {  	s9 =	sadd.s32 $0xFFFFFEF7, lr;
	s5 =	simm.s32 $0xFFFFFFFF;
	p2 =	slt.u32 s8, $0xFFFFF086  }
0x1c: {  	p1 =	slt.u32 s9, $0xF7A;
	s5 =	simm.s32 @!p2 $0x0  }
0x1d: {  	s5 =	simm.s32 @p1 $0x1;
	p0 =	seq.s32 s7, s2  }
0x1e: {  	s7 =	smul.u32 @!p0 $0xF7A, s2;
	p2 =	seq.s32 @!p0 s5, $0x0  }
0x1f: {  	s9 =	smul.u32 $0xF7A, s1;
	s8 =	simm.s32 @!p0 $0x1BF5;
	p2 =	por !p2, p0  }
0x20: {  	[sflag:s8] =	ssyncset.s32 @!p0 $0xFFFFF086;
	s6 =	sadd.s32 @!p0 s3, s7;
	s7 =	simm.s32 @!p0 $0x108  }
0x21: {  	s3 =	sadd.s32 s3, s9;
	s6 =	sadd.s32 @!p0 $0x88, s6;
	s7 =	simm.s32 @p2 $0x1082  }
0x22: {  	[simem:s7], [sflag:s8] =	dma.local @!p0 [hbm:s6], $0xF7A  }
0x23: {  	s9 =	sor.u32 $0xD0000000, s2;
	s6 =	simm.s32 $0x108;
	_ =	swait.ge @!p0 [sflag:s8], $0x0  }
0x24: {  	s3 =	sadd.s32 $0x88, s3;
	s6 =	simm.s32 @!p1 $0x1082;
	[sflag:s4] =	ssyncset.s32 $0xFFFFF086  }
0x25: {  	[simem:s6], [sflag:s4] =	dma.local [hbm:s3], $0xF7A  }
0x26: {  	[smem:$0x3F9B] =	sst s1;
	(tag) =	ssettag s2;
	_ =	strace s9  }
0x27: {  	s1 =	sld [smem:$0x3FAB]  }
0x28: {  	s2 =	sld [smem:$0x3FAC]  }
0x29: {  	s4 =	sld [smem:$0x3FAE]  }
0x2a: {  	p0 =	seq.s32 s5, $0x0;
	s5 =	sld [smem:$0x3FAF]  }
0x2b: {  	s6 =	sld [smem:$0x3FB0]  }
0x2c: {  	s7 =	sld [smem:$0x3FB1]  }
0x2d: {  	s3 =	simm.s32 $0x108;
	s8 =	sld [smem:$0x3FB2]  }
0x2e: {  	s3 =	simm.s32 @!p0 $0x1082;
	s9 =	sld [smem:$0x3FB3]  }
0x2f: {  	lr =	sadd.s32 s0, s3;
	s0 =	sld [smem:$0x3FAA]  }
0x30: {  	s3 =	sld [smem:$0x3FAD]  }
0x31: {  	[smem:$0x3FB6] =	sst s10  }
0x32: {  	s10 =	sld [smem:$0x3FB4];
	_ =	sdelay $0x3  }
0x33: {  	p0 =	seq.s32 s10, $0x1;
	s10 =	sld [smem:$0x3FB6];
	_ =	sdelay $0x3  }
0x34: {  	[smem:$0x3FB6] =	sst s10  }
0x35: {  	s10 =	sld [smem:$0x3FB5];
	_ =	sdelay $0x3  }
0x36: {  	p1 =	seq.s32 s10, $0x1;
	s10 =	sld [smem:$0x3FB6];
	_ =	sdelay $0x3  }
0x37: {  	[smem:$0x3FB6] =	sst s10  }
0x38: {  	s10 =	sld [smem:$0x3FB7]  }
0x39: {  	_ = 	snop;
	(pc) =	sbr.ind lr, $3  }
0x3a: {  	_ = 	snop  }
0x3b: {  	_ = 	snop  }
0x3c: {  	p2 =	seq.s32 s10, $0x1;
	s10 =	sld [smem:$0x3FB6]  }
0x3d: {  	_ =	shalt  }
0x3e: {  	_ =	shalt  }
0x3f: {  	_ =	shalt  }
0x40: {  	_ =	shalt  }
0x41: {  	_ =	shalt  }
0x42: {  	_ =	shalt  }
0x43: {  	_ =	shalt  }
0x44: {  	_ =	shalt  }
0x45: {  	_ =	shalt  }
0x46: {  	_ =	shalt  }
0x47: {  	_ =	shalt  }
0x48: {  	_ =	shalt  }
0x49: {  	_ =	shalt  }
0x4a: {  	_ =	shalt  }
0x4b: {  	_ =	shalt  }
0x4c: {  	_ =	shalt  }
0x4d: {  	_ =	shalt  }
0x4e: {  	_ =	shalt  }
0x4f: {  	_ =	shalt  }
0x50: {  	_ =	shalt  }
0x51: {  	_ =	shalt  }
0x52: {  	_ =	shalt  }
0x53: {  	_ =	shalt  }
0x54: {  	_ =	shalt  }
0x55: {  	_ =	shalt  }
0x56: {  	_ =	shalt  }
0x57: {  	_ =	shalt  }
0x58: {  	_ =	shalt  }
0x59: {  	_ =	shalt  }
0x5a: {  	_ =	shalt  }
0x5b: {  	_ =	shalt  }
0x5c: {  	_ =	shalt  }
0x5d: {  	_ =	shalt  }
0x5e: {  	_ =	shalt  }
0x5f: {  	_ =	shalt  }
0x60: {  	_ =	shalt  }
0x61: {  	_ =	shalt  }
0x62: {  	_ =	shalt  }
0x63: {  	_ =	shalt  }
0x64: {  	_ =	shalt  }
0x65: {  	_ =	shalt  }
0x66: {  	_ =	shalt  }
0x67: {  	_ =	shalt  }
0x68: {  	_ =	shalt  }
0x69: {  	_ =	shalt  }
0x6a: {  	_ =	shalt  }
0x6b: {  	_ =	shalt  }
0x6c: {  	_ =	shalt  }
0x6d: {  	_ =	shalt  }
0x6e: {  	_ =	shalt  }
0x6f: {  	_ =	shalt  }
0x70: {  	_ =	shalt  }
0x71: {  	_ =	shalt  }
0x72: {  	_ =	shalt  }
0x73: {  	_ =	shalt  }
0x74: {  	_ =	shalt  }
0x75: {  	_ =	shalt  }
0x76: {  	_ =	shalt  }
0x77: {  	_ =	shalt  }
0x78: {  	_ =	shalt  }
0x79: {  	_ =	shalt  }
0x7a: {  	_ =	shalt  }
0x7b: {  	_ =	shalt  }
0x7c: {  	_ =	shalt  }
0x7d: {  	_ =	shalt  }
0x7e: {  	_ =	shalt  }
0x7f: {  	_ =	shalt  }
0x80: {  	_ =	shalt  }
0x81: {  	_ =	shalt  }
0x82: {  	_ =	shalt  }
0x83: {  	_ =	shalt  }
0x84: {  	_ =	shalt  }
0x85: {  	_ =	shalt  }
0x86: {  	_ =	shalt  }
0x87: {  	_ =	shalt  }
.Lfunc_end0:
.L_simem_size_0:
called_computation.2_lowered:
.L_overlay_start_0:
0x88: {  	s2 =	sld [smem:$0x3FD9]  }
0x89: {  	s3 =	sld [smem:$0x3FFE];
	_ =	sdelay $0x1  }
0x8a: {  	s1 =	srdreg.scid  }
0x8b: {  	s0 =	sand.u32 $0x1, s1  }
0x8c: {  	s17 =	sshll.u32 s0, $0xA;
	s2 =	sadd.s32 s3, s2  }
0x8d: {  	s2 =	sadd.s32 s2, s17  }
0x8e: {  	[smem:$0x3FC2] =	sst s2  }
0x8f: {  	_ = 	snop  }
0x90: {  	s2 =	sld [smem:$0x3FD0];
	(tm) =	ssettm $0x1  }
0x91: {  	s18 =	sld [smem:$0x3FFB];
	_ =	sdelay $0x3  }
0x92: {  	_ =	strace s18  }
0x93: {  	s3 =	sld [smem:$0x3FFC];
	_ =	sdelay $0x3  }
0x94: {  	_ =	strace s3  }
0x95: {  	s3 =	sld [smem:$0x3FFD];
	_ =	sdelay $0x3  }
0x96: {  	_ =	strace s3  }
0x97: {  	_ =	strace $0x8FFFFFFF  }
0x98: {  	s19 =	sld [smem:$0x3FDB];
	_ =	sdelay $0x1  }
0x99: {  	s4 =	simm.s32 $_scs_section_size  }
0x9a: {  	s5 =	simm.s32 $_size__tile_overlayer_lowered;
	s6 =	simm.s32 $_tile_overlayer_lowered  }
0x9b: {  	s22 =	simm.s32 $0x1BFF;
	s21 =	sshll.u32 s6, $0x1;
	s3 =	sadd.s32 s4, s19  }
0x9c: {  	s7 =	simm.s32 $0x0;
	s20 =	sshll.u32 s5, $0x1;
	s5 =	sadd.s32 s21, s3  }
0x9d: {  	[timem:s7], [sflag:s22] =	dma.local [hbm:s5], s20  }
0x9e: {  	_ =	swait.ge [sflag:s22], s20  }
0x9f: {  	s4 =	ssub.s32 $0x0, s20;
	[sflag:s22] =	ssyncset.done $0x0  }
0xa0: {  	[sflag:s22] =	ssyncadd.s32 s4;
	_ =	sdelay $0x1  }
0xa1: {  	s23 =	simm.s32 $0x1B8B  }
0xa2: {  	_ =	swait.ge [sflag:s23], $0x1  }
0xa3: {  	[sflag:s23] =	ssyncset.done $0x0  }
0xa4: {  	s25 =	simm.s32 $0x1B8E;
	s24 =	sld [smem:$0x3FFE];
	[sflag:s23] =	ssyncadd.s32 $0xFFFFFFFF  }
0xa5: {  	s26 =	simm.s32 $execute0_lowered;
	[smem:$0x3FD2] =	sst s25  }
0xa6: {  	s5 =	sshll.u32 s26, $0x1;
	_ =	strace $0x8000004C;
	[dreg:$0x1] =	wrdreg $0xFFFFFFFF  }
0xa7: {  	s28 =	simm.s32 $_size_execute0_lowered;
	s3 =	sadd.s32 s3, s5;
	[dreg:$0x0] =	wrdreg $0x0  }
0xa8: {  	s5 =	sshll.u32 s28, $0x1;
	[dreg:$0x2] =	wrdreg s3  }
0xa9: {  	[dreg:$0x3] =	wrdreg s5  }
0xaa: {  	[dreg:$0x4] =	wrdreg $0xC0  }
0xab: {  	_ =	task [dreg:s7], $0x5FFFF  }
0xac: {  	[dreg:$0x1] =	wrdreg $0xFFFFFFFF  }
0xad: {  	[dreg:$0x0] =	wrdreg $0x60  }
0xae: {  	[dreg:$0x2] =	wrdreg s24  }
0xaf: {  	[dreg:$0x3] =	wrdreg s2  }
0xb0: {  	[dreg:$0x4] =	wrdreg $0x68000  }
0xb1: {  	[dreg:$0x5] =	wrdreg $0x9  }
0xb2: {  	_ =	task.clear_ibuf [dreg:s7], $0x6FFFF;
	_ =	strace $0x9000004C  }
0xb3: {  	s29 =	simm.s32 $0x9;
	_ =	strace $0x8000004E  }
0xb4: {  	_ =	swait.ge [sflag:s29], $0x1  }
0xb5: {  	[sflag:s29] =	ssyncadd.s32 $0xFFFFFFFF  }
0xb6: {  	_ =	strace $0x9000004E  }
0xb7: {  	_ =	sfence  }
0xb8: {  	s30 =	sld [smem:$0x0];
	_ =	sdelay $0x2  }
0xb9: {  	s31 =	sshll.u32 s1, $0xD;
	s1 =	sshrl.u32 s1, $0x2  }
0xba: {  	s3 =	sand.u32 $0x4000, s31;
	s1 =	sadd.s32 s1, s30  }
0xbb: {  	s0 =	sor.u32 s3, s0;
	s1 =	sshll.u32 s1, $0x11  }
0xbc: {  	s0 =	sor.u32 s1, s0  }
0xbd: {  	s0 =	sadd.s32 $0x8F2B, s0  }
0xbe: {  	[sflag:s0] =	ssyncadd.remote.s32 $0x1  }
0xbf: {  	_ =	sfence.sel $0xFFFF  }
0xc0: {  	[dreg:$0x0] =	wrdreg $0xFFFFFFFF;
	(pc) =	sbr.abs _section_cstart, $3  }
0xc1: {  	[dreg:$0x1] =	wrdreg $0xFFFFFFFF  }
0xc2: {  	_ =	task.clear_ibuf [dreg:s7], $0x2FFFF;
	_ =	strace $0x9FFFFFFF  }
0xc3: {  	(tm) =	ssettm $0x7FFFFFFF  }
tec
execute0_lowered:
.L_overlay_start_1:
0x0: {  	(tag) =	ssettag $0x1  }
0x1: {  	s0 =	rddreg [dreg:$0x0]  }
0x2: {  	s1 =	rddreg [dreg:$0x1]  }
0x3: {  	s2 =	rddreg [dreg:$0x2]  }
0x4: {  	s4 =	srdreg.scid;
	s11 =	stileid.u32;
	s3 =	simm.s32 $0x0  }
0x5: {  	s20 =	simm.s32 $0x2800;
	s21 =	simm.s32 $0x3;
	s22 =	simm.s32 $0x80  }
0x6: {  	s23 =	simm.s32 $0x4800;
	s24 =	simm.s32 $0x1;
	s25 =	simm.s32 $0x2  }
0x7: {  	s26 =	simm.s32 $0x2700;
	s28 =	simm.s32 $0x2780;
	s30 =	simm.s32 $0x0  }
0x8: {  	s6 =	sand.u32 $0x1, s4;
	s7 =	smul.u32 $0xA000, s11;
	[smem:$0x7FF] =	sst s3  }
0x9: {  	s4 =	sadd.s32 $0x4800, s0;
	s5 =	sadd.s32 $0x4000, s0;
	s10 =	smul.u32 $0x28000, s11  }
0xa: {  	s14 =	sadd.s32 $0x13740, s1;
	s15 =	sadd.s32 $0x43C0, s0;
	s8 =	smul.u32 $0xA0000, s6  }
0xb: {  	_ =	strace $0x8000004D;
	s9 =	sshll.u32 s6, $0x4;
	s6 =	ssub.s32 $0x2, s6  }
0xc: {  	s12 =	sor.u32 s11, s9;
	s29 =	sshrl.u32 s6, $0x1;
	s10 =	sshrl.u32 s10, $0x2  }
0xd: {  	s8 =	sadd.s32 s7, s8;
	s11 =	smul.u32 $0x2800, s12;
	s19 =	ssub.s32 s6, s29  }
0xe: {  	s13 =	sadd.s32 s10, s2;
	s6 =	sadd.s32 s7, s2;
	p0 =	seq.s32 s12, $0x1F  }
0xf: {  	s8 =	sshrl.u32 s8, $0x3;
	s7 =	sadd.s32 $0x2000, s13;
	s9 =	sadd.s32 $0x6000, s13  }
0x10: {  	s19 =	smax.u32 s19, $0x1;
	s18 =	sadd.s32 s8, s0;
	s31 =	sshrl.u32 s11, $0x3  }
0x11: {  	s8 =	sadd.s32 $0x4000, s13;
	s11 =	sadd.s32 $0x8000, s13;
	s13 =	sadd.s32 $0x9B00, s1  }
0x12: {  	s10 =	sadd.s32 s1, s31;
	s1 =	sadd.s32 $0x4140, s0;
	s0 =	sadd.s32 $0x4500, s0  }
0x13: {  	s18 =	sadd.s32 $0x18200, s18;
	s16 =	sadd.s32 $0x280, s10;
	s17 =	sadd.s32 $0x9EC0, s10  }
0x14: {  	v0 =	vimm.f32 $0.0e+00;
	s12 =	sadd.s32 $0x9C40, s10;
	s16 =	smov.u32 @p0 s1;
	s17 =	smov.u32 @p0 s0  }
.LBB2_1:
0x15: {  	s0 =	sand.u32 $0x7F00, s3  }
0x16: {  	s1 =	sand.u32 $0x30, s3;
	s0 =	sshrl.u32 s0, $0x2  }
0x17: {  	s31 =	simm.s32 $0x40;
	s1 =	sor.u32 s1, s0;
	s0 =	simm.s32 $0x0  }
.LBB2_2:
0x18: {  	p1 =	sne.s32 s31, $0x7FC0  }
0x19: {  	[tilespmem:s1+$0x2800] =	vst v0;
	s0 =	sadd.s32 $0x10, s0;
	s1 =	smov.u32 s31;
	s31 =	sadd.s32 $0x40, s31  }
.Ltmp0:
0x1a: {  	(pc) =	sbr.rel @p1 .LBB2_2-.Ltmp0, $4  }
0x1b: {  	_ = 	snop  }
0x1c: {  	s1 =	sand.u32 $0x7F00, s1  }
0x1d: {  	s29 =	sand.u32 $0x30, s0;
	s1 =	sshrl.u32 s1, $0x2  }
0x1e: {  	s1 =	sor.u32 s29, s1  }
0x1f: {  	[tilespmem:s1+$0x2800] =	vst v0  }
0x20: {  	[spmem:s6] =	stream.linear.scatter [tilespmem:s20], [sflag:$0x3], $0x2000, $0x38;
	[tilespmem:$0x10800] =	vst v63  }
0x21: {  	_ =	swait.ge [sflag:s21], $0x2000  }
0x22: {  	[sflag:s21] =	ssyncset.done $0x0  }
0x23: {  	[sflag:s21] =	ssyncadd.s32 $0xFFFFE000  }
0x24: {  	[spmem:s7] =	stream.linear.scatter [tilespmem:s20], [sflag:$0x3], $0x2000, $0x38;
	[tilespmem:$0x10800] =	vst v63  }
0x25: {  	_ =	swait.ge [sflag:s21], $0x2000  }
0x26: {  	[sflag:s21] =	ssyncset.done $0x0  }
0x27: {  	[sflag:s21] =	ssyncadd.s32 $0xFFFFE000  }
0x28: {  	[spmem:s8] =	stream.linear.scatter [tilespmem:s20], [sflag:$0x3], $0x2000, $0x38;
	[tilespmem:$0x10800] =	vst v63  }
0x29: {  	_ =	swait.ge [sflag:s21], $0x2000  }
0x2a: {  	[sflag:s21] =	ssyncset.done $0x0  }
0x2b: {  	[sflag:s21] =	ssyncadd.s32 $0xFFFFE000  }
0x2c: {  	[spmem:s9] =	stream.linear.scatter [tilespmem:s20], [sflag:$0x3], $0x2000, $0x38;
	[tilespmem:$0x10800] =	vst v63  }
0x2d: {  	_ =	swait.ge [sflag:s21], $0x2000  }
0x2e: {  	[sflag:s21] =	ssyncset.done $0x0  }
0x2f: {  	[sflag:s21] =	ssyncadd.s32 $0xFFFFE000  }
0x30: {  	[spmem:s11] =	stream.linear.scatter [tilespmem:s20], [sflag:$0x3], $0x2000, $0x38;
	[tilespmem:$0x10800] =	vst v63  }
0x31: {  	_ =	swait.ge [sflag:s21], $0x2000  }
0x32: {  	[sflag:s21] =	ssyncset.done $0x0  }
0x33: {  	[sflag:s21] =	ssyncadd.s32 $0xFFFFE000  }
0x34: {  	s0 =	simm.s32 @p0 $0x0;
	s1 =	simm.s32 @p0 $0x3;
	[bflag:$0x0] =	sbarrier.arrive $0xFFFF  }
0x35: {  	[tilespmem:s0], [sflag:$0x3] =	stream.linear.gather @p0 [hbm4b:s13+s0], $0xA00, $0x38;
	[tilespmem:$0x10800] =	vst v63  }
0x36: {  	_ =	swait.ge @p0 [sflag:s1], $0xA00  }
0x37: {  	[sflag:s1] =	ssyncset.done @p0 $0x0  }
0x38: {  	s29 =	simm.s32 @p0 $0xA00;
	[sflag:s1] =	ssyncadd.s32 @p0 $0xFFFFF600  }
0x39: {  	[tilespmem:s29], [sflag:$0x3] =	stream.linear.gather @p0 [hbm4b:s5+s0], $0xA00, $0x38;
	[tilespmem:$0x10800] =	vst v63  }
0x3a: {  	_ =	swait.ge @p0 [sflag:s1], $0xA00  }
0x3b: {  	[sflag:s1] =	ssyncset.done @p0 $0x0  }
0x3c: {  	s29 =	simm.s32 @p0 $0x1400;
	[sflag:s1] =	ssyncadd.s32 @p0 $0xFFFFF600  }
0x3d: {  	[tilespmem:s29], [sflag:$0x3] =	stream.linear.gather @p0 [hbm4b:s14+s0], $0xA00, $0x38;
	[tilespmem:$0x10800] =	vst v63  }
0x3e: {  	_ =	swait.ge @p0 [sflag:s1], $0xA00  }
0x3f: {  	[sflag:s1] =	ssyncset.done @p0 $0x0  }
0x40: {  	s29 =	simm.s32 @p0 $0x1E00;
	[sflag:s1] =	ssyncadd.s32 @p0 $0xFFFFF600  }
0x41: {  	[tilespmem:s29], [sflag:$0x3] =	stream.linear.gather @p0 [hbm4b:s15+s0], $0xA00, $0x38;
	[tilespmem:$0x10800] =	vst v63  }
0x42: {  	_ =	swait.ge @p0 [sflag:s1], $0xA00  }
0x43: {  	[sflag:s1] =	ssyncset.done @p0 $0x0  }
0x44: {  	s0 =	simm.s32 @!p0 $0x0;
	[sflag:s1] =	ssyncadd.s32 @p0 $0xFFFFF600;
	s1 =	simm.s32 @!p0 $0x3  }
0x45: {  	[tilespmem:s0], [sflag:$0x3] =	stream.linear.gather @!p0 [hbm4b:s10+s0], $0x1400, $0x38;
	[tilespmem:$0x10800] =	vst v63  }
0x46: {  	_ =	swait.ge @!p0 [sflag:s1], $0x1400  }
0x47: {  	[sflag:s1] =	ssyncset.done @!p0 $0x0  }
0x48: {  	s29 =	simm.s32 @!p0 $0x1400;
	[sflag:s1] =	ssyncadd.s32 @!p0 $0xFFFFEC00  }
0x49: {  	[tilespmem:s29], [sflag:$0x3] =	stream.linear.gather @!p0 [hbm4b:s12+s0], $0x1400, $0x38;
	[tilespmem:$0x10800] =	vst v63  }
0x4a: {  	_ =	swait.ge @!p0 [sflag:s1], $0x1400  }
0x4b: {  	[sflag:s1] =	ssyncset.done @!p0 $0x0  }
0x4c: {  	[sflag:s1] =	ssyncadd.s32 @!p0 $0xFFFFEC00;
	s1 =	simm.s32 $0x0  }
0x4d: {  	[tilespmem:s20], [sflag:$0x1] =	stream.indirect.gather [hbm4b:s4+s22], $0x40, s1, s22, $0xb8;
	[tilespmem:$0x10800] =	vst v63  }
0x4e: {  	_ = 	snop  }
0x4f: {  	[tilespmem:s23], [sflag:$0x2] =	stream.indirect.gather [hbm4b:s4+s22], $0x40, s22, s22, $0xb8;
	[tilespmem:$0x10800] =	vst v63  }
0x50: {  	_ =	swait.ge [sflag:s24], $0x2000  }
0x51: {  	[sflag:s24] =	ssyncset.done $0x0  }
0x52: {  	s29 =	simm.s32 $0x1400;
	[sflag:s24] =	ssyncadd.s32 $0xFFFFE000  }
0x53: {  	[spmem:s2] =	stream.indirect.scatter.add.f32 [tilespmem:s20], [sflag:$0x3], $0x40, s29, s22, $0xb8;
	[tilespmem:$0x10800] =	vst v63  }
0x54: {  	_ =	swait.ge [sflag:s21], $0x2000  }
0x55: {  	[sflag:s21] =	ssyncset.done $0x0  }
0x56: {  	s1 =	simm.s32 $0x100;
	[sflag:s21] =	ssyncadd.s32 $0xFFFFE000  }
0x57: {  	[tilespmem:s20], [sflag:$0x1] =	stream.indirect.gather [hbm4b:s4+s22], $0x40, s1, s22, $0xb8;
	[tilespmem:$0x10800] =	vst v63  }
0x58: {  	_ =	swait.ge [sflag:s25], $0x2000  }
0x59: {  	[sflag:s25] =	ssyncset.done $0x0  }
0x5a: {  	s29 =	simm.s32 $0x1480;
	[sflag:s25] =	ssyncadd.s32 $0xFFFFE000  }
0x5b: {  	[spmem:s2] =	stream.indirect.scatter.add.f32 [tilespmem:s23], [sflag:$0x3], $0x40, s29, s22, $0xb8;
	[tilespmem:$0x10800] =	vst v63  }
0x5c: {  	_ =	swait.ge [sflag:s21], $0x2000  }
0x5d: {  	[sflag:s21] =	ssyncset.done $0x0  }
0x5e: {  	s31 =	simm.s32 $0x400;
	s0 =	simm.s32 $0x180;
	[sflag:s21] =	ssyncadd.s32 $0xFFFFE000  }
.LBB2_4:
0x5f: {  	[tilespmem:s23], [sflag:$0x2] =	stream.indirect.gather [hbm4b:s4+s22], $0x40, s0, s22, $0xb8;
	[tilespmem:$0x10800] =	vst v63  }
0x60: {  	s0 =	smov.u32 s31  }
0x61: {  	p1 =	sne.s32 s31, $0x4800;
	s31 =	sadd.s32 $0x400, s31;
	_ =	swait.ge [sflag:s24], $0x2000  }
0x62: {  	s0 =	sshra.s32 s0, $0x2;
	[sflag:s24] =	ssyncset.done $0x0  }
0x63: {  	s1 =	sadd.s32 $0x1400, s0;
	[sflag:s24] =	ssyncadd.s32 $0xFFFFE000  }
0x64: {  	[spmem:s2] =	stream.indirect.scatter.add.f32 [tilespmem:s20], [sflag:$0x3], $0x40, s1, s22, $0xb8;
	[tilespmem:$0x10800] =	vst v63  }
0x65: {  	_ =	swait.ge [sflag:s21], $0x2000  }
0x66: {  	[sflag:s21] =	ssyncset.done $0x0  }
0x67: {  	s1 =	sadd.s32 $0x100, s0;
	[sflag:s21] =	ssyncadd.s32 $0xFFFFE000  }
0x68: {  	[tilespmem:s20], [sflag:$0x1] =	stream.indirect.gather [hbm4b:s4+s22], $0x40, s1, s22, $0xb8;
	[tilespmem:$0x10800] =	vst v63  }
0x69: {  	_ =	swait.ge [sflag:s25], $0x2000  }
0x6a: {  	[sflag:s25] =	ssyncset.done $0x0  }
.Ltmp1:
0x6b: {  	s1 =	sadd.s32 $0x1480, s0;
	[sflag:s25] =	ssyncadd.s32 $0xFFFFE000;
	(pc) =	sbr.rel @p1 .LBB2_4-.Ltmp1, $4  }
0x6c: {  	[spmem:s2] =	stream.indirect.scatter.add.f32 [tilespmem:s23], [sflag:$0x3], $0x40, s1, s22, $0xb8;
	[tilespmem:$0x10800] =	vst v63  }
0x6d: {  	_ =	swait.ge [sflag:s21], $0x2000  }
0x6e: {  	[sflag:s21] =	ssyncset.done $0x0  }
0x6f: {  	s0 =	sadd.s32 $0x180, s0;
	[sflag:s21] =	ssyncadd.s32 $0xFFFFE000  }
0x70: {  	[tilespmem:s23], [sflag:$0x2] =	stream.indirect.gather [hbm4b:s4+s22], $0x40, s0, s22, $0xb8;
	[tilespmem:$0x10800] =	vst v63  }
0x71: {  	_ =	swait.ge [sflag:s24], $0x2000  }
0x72: {  	[sflag:s24] =	ssyncset.done $0x0  }
0x73: {  	[sflag:s24] =	ssyncadd.s32 $0xFFFFE000  }
0x74: {  	[spmem:s2] =	stream.indirect.scatter.add.f32 [tilespmem:s20], [sflag:$0x3], $0x40, s26, s22, $0xb8;
	[tilespmem:$0x10800] =	vst v63  }
0x75: {  	_ =	swait.ge [sflag:s21], $0x2000  }
0x76: {  	[sflag:s21] =	ssyncset.done $0x0  }
0x77: {  	[sflag:s21] =	ssyncadd.s32 $0xFFFFE000  }
0x78: {  	_ =	swait.ge [sflag:s25], $0x2000  }
0x79: {  	[sflag:s25] =	ssyncset.done $0x0  }
0x7a: {  	[sflag:s25] =	ssyncadd.s32 $0xFFFFE000  }
0x7b: {  	[spmem:s2] =	stream.indirect.scatter.add.f32 [tilespmem:s23], [sflag:$0x3], $0x40, s28, s22, $0xb8;
	[tilespmem:$0x10800] =	vst v63  }
0x7c: {  	_ =	swait.ge [sflag:s21], $0x2000  }
0x7d: {  	[sflag:s21] =	ssyncset.done $0x0  }
0x7e: {  	s29 =	simm.s32 $0x0;
	[sflag:s21] =	ssyncadd.s32 $0xFFFFE000  }
0x7f: {  	[tilespmem:s29], [sflag:$0x3] =	stream.linear.gather [hbm4b:s16+s29], $0x1400, $0x38;
	[tilespmem:$0x10800] =	vst v63  }
0x80: {  	_ =	swait.ge [sflag:s21], $0x1400  }
0x81: {  	[sflag:s21] =	ssyncset.done $0x0  }
0x82: {  	s1 =	simm.s32 $0x1400;
	[sflag:s21] =	ssyncadd.s32 $0xFFFFEC00  }
0x83: {  	[tilespmem:s1], [sflag:$0x3] =	stream.linear.gather [hbm4b:s17+s29], $0x1400, $0x38;
	[tilespmem:$0x10800] =	vst v63  }
0x84: {  	_ =	swait.ge [sflag:s21], $0x1400  }
0x85: {  	[sflag:s21] =	ssyncset.done $0x0  }
0x86: {  	[sflag:s21] =	ssyncadd.s32 $0xFFFFEC00  }
0x87: {  	[tilespmem:s20], [sflag:$0x1] =	stream.indirect.gather [hbm4b:s4+s22], $0x40, s29, s22, $0xb8;
	[tilespmem:$0x10800] =	vst v63  }
0x88: {  	_ = 	snop  }
0x89: {  	[tilespmem:s23], [sflag:$0x2] =	stream.indirect.gather [hbm4b:s4+s22], $0x40, s22, s22, $0xb8;
	[tilespmem:$0x10800] =	vst v63  }
0x8a: {  	_ =	swait.ge [sflag:s24], $0x2000  }
0x8b: {  	[sflag:s24] =	ssyncset.done $0x0  }
0x8c: {  	s29 =	simm.s32 $0x1400;
	[sflag:s24] =	ssyncadd.s32 $0xFFFFE000  }
0x8d: {  	[spmem:s2] =	stream.indirect.scatter.add.f32 [tilespmem:s20], [sflag:$0x3], $0x40, s29, s22, $0xb8;
	[tilespmem:$0x10800] =	vst v63  }
0x8e: {  	_ =	swait.ge [sflag:s21], $0x2000  }
0x8f: {  	[sflag:s21] =	ssyncset.done $0x0  }
0x90: {  	s1 =	simm.s32 $0x100;
	[sflag:s21] =	ssyncadd.s32 $0xFFFFE000  }
0x91: {  	[tilespmem:s20], [sflag:$0x1] =	stream.indirect.gather [hbm4b:s4+s22], $0x40, s1, s22, $0xb8;
	[tilespmem:$0x10800] =	vst v63  }
0x92: {  	_ =	swait.ge [sflag:s25], $0x2000  }
0x93: {  	[sflag:s25] =	ssyncset.done $0x0  }
0x94: {  	s29 =	simm.s32 $0x1480;
	[sflag:s25] =	ssyncadd.s32 $0xFFFFE000  }
0x95: {  	[spmem:s2] =	stream.indirect.scatter.add.f32 [tilespmem:s23], [sflag:$0x3], $0x40, s29, s22, $0xb8;
	[tilespmem:$0x10800] =	vst v63  }
0x96: {  	_ =	swait.ge [sflag:s21], $0x2000  }
0x97: {  	[sflag:s21] =	ssyncset.done $0x0  }
0x98: {  	s31 =	simm.s32 $0x400;
	s0 =	simm.s32 $0x180;
	[sflag:s21] =	ssyncadd.s32 $0xFFFFE000  }
.LBB2_6:
0x99: {  	[tilespmem:s23], [sflag:$0x2] =	stream.indirect.gather [hbm4b:s4+s22], $0x40, s0, s22, $0xb8;
	[tilespmem:$0x10800] =	vst v63  }
0x9a: {  	s0 =	smov.u32 s31  }
0x9b: {  	p1 =	sne.s32 s31, $0x4800;
	s31 =	sadd.s32 $0x400, s31;
	_ =	swait.ge [sflag:s24], $0x2000  }
0x9c: {  	s0 =	sshra.s32 s0, $0x2;
	[sflag:s24] =	ssyncset.done $0x0  }
0x9d: {  	s1 =	sadd.s32 $0x1400, s0;
	[sflag:s24] =	ssyncadd.s32 $0xFFFFE000  }
0x9e: {  	[spmem:s2] =	stream.indirect.scatter.add.f32 [tilespmem:s20], [sflag:$0x3], $0x40, s1, s22, $0xb8;
	[tilespmem:$0x10800] =	vst v63  }
0x9f: {  	_ =	swait.ge [sflag:s21], $0x2000  }
0xa0: {  	[sflag:s21] =	ssyncset.done $0x0  }
0xa1: {  	s1 =	sadd.s32 $0x100, s0;
	[sflag:s21] =	ssyncadd.s32 $0xFFFFE000  }
0xa2: {  	[tilespmem:s20], [sflag:$0x1] =	stream.indirect.gather [hbm4b:s4+s22], $0x40, s1, s22, $0xb8;
	[tilespmem:$0x10800] =	vst v63  }
0xa3: {  	_ =	swait.ge [sflag:s25], $0x2000  }
0xa4: {  	[sflag:s25] =	ssyncset.done $0x0  }
.Ltmp2:
0xa5: {  	s1 =	sadd.s32 $0x1480, s0;
	[sflag:s25] =	ssyncadd.s32 $0xFFFFE000;
	(pc) =	sbr.rel @p1 .LBB2_6-.Ltmp2, $4  }
0xa6: {  	[spmem:s2] =	stream.indirect.scatter.add.f32 [tilespmem:s23], [sflag:$0x3], $0x40, s1, s22, $0xb8;
	[tilespmem:$0x10800] =	vst v63  }
0xa7: {  	_ =	swait.ge [sflag:s21], $0x2000  }
0xa8: {  	[sflag:s21] =	ssyncset.done $0x0  }
0xa9: {  	s0 =	sadd.s32 $0x180, s0;
	[sflag:s21] =	ssyncadd.s32 $0xFFFFE000  }
0xaa: {  	[tilespmem:s23], [sflag:$0x2] =	stream.indirect.gather [hbm4b:s4+s22], $0x40, s0, s22, $0xb8;
	[tilespmem:$0x10800] =	vst v63  }
0xab: {  	_ =	swait.ge [sflag:s24], $0x2000  }
0xac: {  	[sflag:s24] =	ssyncset.done $0x0  }
0xad: {  	[sflag:s24] =	ssyncadd.s32 $0xFFFFE000  }
0xae: {  	[spmem:s2] =	stream.indirect.scatter.add.f32 [tilespmem:s20], [sflag:$0x3], $0x40, s26, s22, $0xb8;
	[tilespmem:$0x10800] =	vst v63  }
0xaf: {  	_ =	swait.ge [sflag:s21], $0x2000  }
0xb0: {  	[sflag:s21] =	ssyncset.done $0x0  }
0xb1: {  	[sflag:s21] =	ssyncadd.s32 $0xFFFFE000  }
0xb2: {  	_ =	swait.ge [sflag:s25], $0x2000  }
0xb3: {  	[sflag:s25] =	ssyncset.done $0x0  }
0xb4: {  	[sflag:s25] =	ssyncadd.s32 $0xFFFFE000  }
0xb5: {  	[spmem:s2] =	stream.indirect.scatter.add.f32 [tilespmem:s23], [sflag:$0x3], $0x40, s28, s22, $0xb8;
	[tilespmem:$0x10800] =	vst v63  }
0xb6: {  	s31 =	stileid.u32;
	_ =	swait.ge [sflag:s21], $0x2000  }
0xb7: {  	s1 =	sshrl.u32 s6, $0x3;
	s30 =	sadd.s32 $0x1, s30;
	[sflag:s21] =	ssyncset.done $0x0  }
0xb8: {  	s0 =	sshll.u32 s31, $0x6;
	p1 =	sne.s32 s30, s19;
	[sflag:s21] =	ssyncadd.s32 $0xFFFFE000  }
.Ltmp3:
0xb9: {  	s0 =	sor.u32 $0x1C03, s0;
	[bflag:$0x0] =	sbarrier.arrive $0xFFFF;
	(pc) =	sbr.rel @p1 .LBB2_1-.Ltmp3, $4  }
0xba: {  	[hbm:s18], [sflag:s0] =	dma.local [spmem:s1], $0x1400  }
0xbb: {  	_ =	swait.ge [sflag:s21], $0x1400  }
0xbc: {  	[sflag:s21] =	ssyncset.done $0x0  }
0xbd: {  	[sflag:s21] =	ssyncadd.s32 $0xFFFFEC00  }
0xbe: {  	_ =	sfence.sel $0x180000  }
0xbf: {  	[bflag:$0x0] =	sbarrier.arrive $0xFFFF  }
0xc0: {  	_ =	strace $0x9000004D  }
0xc1: {  	s0 =	stileid.u32;
	[bflag:$0x2] =	sbarrier.arrive $0xFFFF  }
0xc2: {  	p0 =	sne.s32 s0, $0x0;
	s0 =	rddreg [dreg:$0x3]  }
0xc3: {  	s0 =	sadd.s32 @!p0 $0x100000, s0  }
0xc4: {  	[sflag:s0] =	ssyncadd.tile.s32 @!p0 $0x1;
	_ =	shalt  }
.Lfunc_end2:
_tile_overlayer_lowered:
.L_overlay_start_2:
0xc5: {  	(tag) =	ssettag $0x2  }
0xc6: {  	s0 =	rddreg [dreg:$0x0];
	s2 =	stileid.u32  }
0xc7: {  	s1 =	rddreg [dreg:$0x1];
	p0 =	sne.s32 s2, $0x0  }
0xc8: {  	s3 =	rddreg [dreg:$0x2];
	[bflag:$0x3] =	sbarrier.arrive $0xFFFF;
	s2 =	simm.s32 @!p0 $0x1C03  }
0xc9: {  	[timem:s3], [sflag:s2] =	dma.local @!p0 [hbm:s0], s1  }
0xca: {  	s0 =	simm.s32 @!p0 $0x3  }
0xcb: {  	_ =	swait.ge @!p0 [sflag:s0], s1  }
0xcc: {  	s1 =	ssub.s32 @!p0 $0x0, s1;
	[sflag:s0] =	ssyncset.done @!p0 $0x0  }
0xcd: {  	[sflag:s0] =	ssyncadd.s32 @!p0 s1  }
0xce: {  	[bflag:$0x3] =	sbarrier.arrive $0xFFFF  }
0xcf: {  	_ =	shalt  }

// kernel: kernel.9.cloned.1.call-start
scs
__scs_entry_jumppad:
0x0: {  	(pc) =	sbr.rel $0x88, $3  }
0x1: {  	(tag) =	ssettag $0x0;
	lr =	simm.s32 $0x1  }
0x2: {  	[smem:$0x3F9B] =	sst lr;
	_ =	strace $0xD0000000  }
0x3: {  	_ = 	snop  }
0x4: {  	_ = 	snop  }
0x5: {  	_ = 	snop  }
0x6: {  	_ = 	snop  }
0x7: {  	_ = 	snop  }
__scs_overlays_trampoline_lowered:
0x8: {  	[smem:$0x3FAA] =	sst s0  }
0x9: {  	[smem:$0x3FAB] =	sst s1  }
0xa: {  	[smem:$0x3FAC] =	sst s2  }
0xb: {  	[smem:$0x3FAD] =	sst s3  }
0xc: {  	[smem:$0x3FAE] =	sst s4  }
0xd: {  	[smem:$0x3FAF] =	sst s5  }
0xe: {  	[smem:$0x3FB0] =	sst s6  }
0xf: {  	[smem:$0x3FB1] =	sst s7  }
0x10: {  	[smem:$0x3FB2] =	sst s8  }
0x11: {  	[smem:$0x3FB3] =	sst s9;
	s0 =	simm.s32 @!p0 $0x0  }
0x12: {  	s1 =	sld [smem:$0x3F99];
	s0 =	simm.s32 @p0 $0x1  }
0x13: {  	[smem:$0x3FB4] =	sst s0;
	s0 =	simm.s32 @!p1 $0x0  }
0x14: {  	s2 =	sld [smem:$0x3F98];
	s0 =	simm.s32 @p1 $0x1  }
0x15: {  	[smem:$0x3FB5] =	sst s0;
	s0 =	simm.s32 @!p2 $0x0  }
0x16: {  	s3 =	sld [smem:$0x3FDB];
	s0 =	simm.s32 @p2 $0x1  }
0x17: {  	s4 =	simm.s32 $0x1BF5;
	[smem:$0x3FB7] =	sst s0  }
0x18: {  	s0 =	sld [smem:$0x3F9A];
	_ =	swait.ge [sflag:s4], $0x0  }
0x19: {  	s7 =	sld [smem:$0x3F9B]  }
0x1a: {  	s8 =	sadd.s32 $0xFFFFE003, lr  }
0x1b: {  	s9 =	sadd.s32 $0xFFFFFEF7, lr;
	s5 =	simm.s32 $0xFFFFFFFF;
	p2 =	slt.u32 s8, $0xFFFFF086  }
0x1c: {  	p1 =	slt.u32 s9, $0xF7A;
	s5 =	simm.s32 @!p2 $0x0  }
0x1d: {  	s5 =	simm.s32 @p1 $0x1;
	p0 =	seq.s32 s7, s2  }
0x1e: {  	s7 =	smul.u32 @!p0 $0xF7A, s2;
	p2 =	seq.s32 @!p0 s5, $0x0  }
0x1f: {  	s9 =	smul.u32 $0xF7A, s1;
	s8 =	simm.s32 @!p0 $0x1BF5;
	p2 =	por !p2, p0  }
0x20: {  	[sflag:s8] =	ssyncset.s32 @!p0 $0xFFFFF086;
	s6 =	sadd.s32 @!p0 s3, s7;
	s7 =	simm.s32 @!p0 $0x108  }
0x21: {  	s3 =	sadd.s32 s3, s9;
	s6 =	sadd.s32 @!p0 $0x88, s6;
	s7 =	simm.s32 @p2 $0x1082  }
0x22: {  	[simem:s7], [sflag:s8] =	dma.local @!p0 [hbm:s6], $0xF7A  }
0x23: {  	s9 =	sor.u32 $0xD0000000, s2;
	s6 =	simm.s32 $0x108;
	_ =	swait.ge @!p0 [sflag:s8], $0x0  }
0x24: {  	s3 =	sadd.s32 $0x88, s3;
	s6 =	simm.s32 @!p1 $0x1082;
	[sflag:s4] =	ssyncset.s32 $0xFFFFF086  }
0x25: {  	[simem:s6], [sflag:s4] =	dma.local [hbm:s3], $0xF7A  }
0x26: {  	[smem:$0x3F9B] =	sst s1;
	(tag) =	ssettag s2;
	_ =	strace s9  }
0x27: {  	s1 =	sld [smem:$0x3FAB]  }
0x28: {  	s2 =	sld [smem:$0x3FAC]  }
0x29: {  	s4 =	sld [smem:$0x3FAE]  }
0x2a: {  	p0 =	seq.s32 s5, $0x0;
	s5 =	sld [smem:$0x3FAF]  }
0x2b: {  	s6 =	sld [smem:$0x3FB0]  }
0x2c: {  	s7 =	sld [smem:$0x3FB1]  }
0x2d: {  	s3 =	simm.s32 $0x108;
	s8 =	sld [smem:$0x3FB2]  }
0x2e: {  	s3 =	simm.s32 @!p0 $0x1082;
	s9 =	sld [smem:$0x3FB3]  }
0x2f: {  	lr =	sadd.s32 s0, s3;
	s0 =	sld [smem:$0x3FAA]  }
0x30: {  	s3 =	sld [smem:$0x3FAD]  }
0x31: {  	[smem:$0x3FB6] =	sst s10  }
0x32: {  	s10 =	sld [smem:$0x3FB4];
	_ =	sdelay $0x3  }
0x33: {  	p0 =	seq.s32 s10, $0x1;
	s10 =	sld [smem:$0x3FB6];
	_ =	sdelay $0x3  }
0x34: {  	[smem:$0x3FB6] =	sst s10  }
0x35: {  	s10 =	sld [smem:$0x3FB5];
	_ =	sdelay $0x3  }
0x36: {  	p1 =	seq.s32 s10, $0x1;
	s10 =	sld [smem:$0x3FB6];
	_ =	sdelay $0x3  }
0x37: {  	[smem:$0x3FB6] =	sst s10  }
0x38: {  	s10 =	sld [smem:$0x3FB7]  }
0x39: {  	_ = 	snop;
	(pc) =	sbr.ind lr, $3  }
0x3a: {  	_ = 	snop  }
0x3b: {  	_ = 	snop  }
0x3c: {  	p2 =	seq.s32 s10, $0x1;
	s10 =	sld [smem:$0x3FB6]  }
0x3d: {  	_ =	shalt  }
0x3e: {  	_ =	shalt  }
0x3f: {  	_ =	shalt  }
0x40: {  	_ =	shalt  }
0x41: {  	_ =	shalt  }
0x42: {  	_ =	shalt  }
0x43: {  	_ =	shalt  }
0x44: {  	_ =	shalt  }
0x45: {  	_ =	shalt  }
0x46: {  	_ =	shalt  }
0x47: {  	_ =	shalt  }
0x48: {  	_ =	shalt  }
0x49: {  	_ =	shalt  }
0x4a: {  	_ =	shalt  }
0x4b: {  	_ =	shalt  }
0x4c: {  	_ =	shalt  }
0x4d: {  	_ =	shalt  }
0x4e: {  	_ =	shalt  }
0x4f: {  	_ =	shalt  }
0x50: {  	_ =	shalt  }
0x51: {  	_ =	shalt  }
0x52: {  	_ =	shalt  }
0x53: {  	_ =	shalt  }
0x54: {  	_ =	shalt  }
0x55: {  	_ =	shalt  }
0x56: {  	_ =	shalt  }
0x57: {  	_ =	shalt  }
0x58: {  	_ =	shalt  }
0x59: {  	_ =	shalt  }
0x5a: {  	_ =	shalt  }
0x5b: {  	_ =	shalt  }
0x5c: {  	_ =	shalt  }
0x5d: {  	_ =	shalt  }
0x5e: {  	_ =	shalt  }
0x5f: {  	_ =	shalt  }
0x60: {  	_ =	shalt  }
0x61: {  	_ =	shalt  }
0x62: {  	_ =	shalt  }
0x63: {  	_ =	shalt  }
0x64: {  	_ =	shalt  }
0x65: {  	_ =	shalt  }
0x66: {  	_ =	shalt  }
0x67: {  	_ =	shalt  }
0x68: {  	_ =	shalt  }
0x69: {  	_ =	shalt  }
0x6a: {  	_ =	shalt  }
0x6b: {  	_ =	shalt  }
0x6c: {  	_ =	shalt  }
0x6d: {  	_ =	shalt  }
0x6e: {  	_ =	shalt  }
0x6f: {  	_ =	shalt  }
0x70: {  	_ =	shalt  }
0x71: {  	_ =	shalt  }
0x72: {  	_ =	shalt  }
0x73: {  	_ =	shalt  }
0x74: {  	_ =	shalt  }
0x75: {  	_ =	shalt  }
0x76: {  	_ =	shalt  }
0x77: {  	_ =	shalt  }
0x78: {  	_ =	shalt  }
0x79: {  	_ =	shalt  }
0x7a: {  	_ =	shalt  }
0x7b: {  	_ =	shalt  }
0x7c: {  	_ =	shalt  }
0x7d: {  	_ =	shalt  }
0x7e: {  	_ =	shalt  }
0x7f: {  	_ =	shalt  }
0x80: {  	_ =	shalt  }
0x81: {  	_ =	shalt  }
0x82: {  	_ =	shalt  }
0x83: {  	_ =	shalt  }
0x84: {  	_ =	shalt  }
0x85: {  	_ =	shalt  }
0x86: {  	_ =	shalt  }
0x87: {  	_ =	shalt  }
.Lfunc_end0:
.L_simem_size_0:
called_computation_lowered:
.L_overlay_start_0:
0x88: {  	s2 =	sld [smem:$0x3FD9]  }
0x89: {  	s3 =	sld [smem:$0x3FFE];
	_ =	sdelay $0x1  }
0x8a: {  	s1 =	srdreg.scid  }
0x8b: {  	s0 =	sand.u32 $0x1, s1  }
0x8c: {  	s17 =	sshll.u32 s0, $0xA;
	s2 =	sadd.s32 s3, s2  }
0x8d: {  	s2 =	sadd.s32 s2, s17  }
0x8e: {  	[smem:$0x3FC2] =	sst s2  }
0x8f: {  	_ = 	snop  }
0x90: {  	s2 =	sld [smem:$0x3FD0];
	(tm) =	ssettm $0x1  }
0x91: {  	s18 =	sld [smem:$0x3FFB];
	_ =	sdelay $0x3  }
0x92: {  	_ =	strace s18  }
0x93: {  	s3 =	sld [smem:$0x3FFC];
	_ =	sdelay $0x3  }
0x94: {  	_ =	strace s3  }
0x95: {  	s3 =	sld [smem:$0x3FFD];
	_ =	sdelay $0x3  }
0x96: {  	_ =	strace s3  }
0x97: {  	_ =	strace $0x8FFFFFFF  }
0x98: {  	s19 =	sld [smem:$0x3FDB];
	_ =	sdelay $0x1  }
0x99: {  	s4 =	simm.s32 $_scs_section_size  }
0x9a: {  	s5 =	simm.s32 $_size__tile_overlayer_lowered;
	s6 =	simm.s32 $_tile_overlayer_lowered  }
0x9b: {  	s22 =	simm.s32 $0x1BFF;
	s21 =	sshll.u32 s6, $0x1;
	s3 =	sadd.s32 s4, s19  }
0x9c: {  	s7 =	simm.s32 $0x0;
	s20 =	sshll.u32 s5, $0x1;
	s5 =	sadd.s32 s21, s3  }
0x9d: {  	[timem:s7], [sflag:s22] =	dma.local [hbm:s5], s20  }
0x9e: {  	_ =	swait.ge [sflag:s22], s20  }
0x9f: {  	s4 =	ssub.s32 $0x0, s20;
	[sflag:s22] =	ssyncset.done $0x0  }
0xa0: {  	[sflag:s22] =	ssyncadd.s32 s4;
	_ =	sdelay $0x1  }
0xa1: {  	s23 =	simm.s32 $0x1B8B  }
0xa2: {  	_ =	swait.ge [sflag:s23], $0x1  }
0xa3: {  	[sflag:s23] =	ssyncset.done $0x0  }
0xa4: {  	s25 =	simm.s32 $0x1B8E;
	s24 =	sld [smem:$0x3FFE];
	[sflag:s23] =	ssyncadd.s32 $0xFFFFFFFF  }
0xa5: {  	s26 =	simm.s32 $execute0_lowered;
	[smem:$0x3FD2] =	sst s25  }
0xa6: {  	s5 =	sshll.u32 s26, $0x1;
	_ =	strace $0x80000046;
	[dreg:$0x1] =	wrdreg $0xFFFFFFFF  }
0xa7: {  	s28 =	simm.s32 $_size_execute0_lowered;
	s3 =	sadd.s32 s3, s5;
	[dreg:$0x0] =	wrdreg $0x0  }
0xa8: {  	s5 =	sshll.u32 s28, $0x1;
	[dreg:$0x2] =	wrdreg s3  }
0xa9: {  	[dreg:$0x3] =	wrdreg s5  }
0xaa: {  	[dreg:$0x4] =	wrdreg $0xC0  }
0xab: {  	_ =	task [dreg:s7], $0x5FFFF  }
0xac: {  	[dreg:$0x1] =	wrdreg $0xFFFFFFFF  }
0xad: {  	[dreg:$0x0] =	wrdreg $0x60  }
0xae: {  	[dreg:$0x2] =	wrdreg s2  }
0xaf: {  	[dreg:$0x3] =	wrdreg s24  }
0xb0: {  	[dreg:$0x4] =	wrdreg $0x53000  }
0xb1: {  	[dreg:$0x5] =	wrdreg $0x55800  }
0xb2: {  	[dreg:$0x6] =	wrdreg $0x9  }
0xb3: {  	_ =	task.clear_ibuf [dreg:s7], $0x7FFFF;
	_ =	strace $0x90000046  }
0xb4: {  	s29 =	simm.s32 $0x9;
	_ =	strace $0x80000048  }
0xb5: {  	_ =	swait.ge [sflag:s29], $0x1  }
0xb6: {  	[sflag:s29] =	ssyncadd.s32 $0xFFFFFFFF  }
0xb7: {  	_ =	strace $0x90000048  }
0xb8: {  	_ =	sfence  }
0xb9: {  	s30 =	sld [smem:$0x0];
	_ =	sdelay $0x2  }
0xba: {  	s31 =	sshll.u32 s1, $0xD;
	s1 =	sshrl.u32 s1, $0x2  }
0xbb: {  	s3 =	sand.u32 $0x4000, s31;
	s1 =	sadd.s32 s1, s30  }
0xbc: {  	s0 =	sor.u32 s3, s0;
	s1 =	sshll.u32 s1, $0x11  }
0xbd: {  	s0 =	sor.u32 s1, s0  }
0xbe: {  	s0 =	sadd.s32 $0x8F2B, s0  }
0xbf: {  	[sflag:s0] =	ssyncadd.remote.s32 $0x1  }
0xc0: {  	_ =	sfence.sel $0xFFFF  }
0xc1: {  	[dreg:$0x0] =	wrdreg $0xFFFFFFFF;
	(pc) =	sbr.abs _section_cstart, $3  }
0xc2: {  	[dreg:$0x1] =	wrdreg $0xFFFFFFFF  }
0xc3: {  	_ =	task.clear_ibuf [dreg:s7], $0x2FFFF;
	_ =	strace $0x9FFFFFFF  }
0xc4: {  	(tm) =	ssettm $0x7FFFFFFF  }
0xc5: {  	_ =	shalt  }
tec
execute0_lowered:
.L_overlay_start_1:
0x0: {  	(tag) =	ssettag $0x1  }
0x1: {  	s11 =	rddreg [dreg:$0x0]  }
0x2: {  	s12 =	rddreg [dreg:$0x1]  }
0x3: {  	s2 =	rddreg [dreg:$0x2]  }
0x4: {  	s3 =	rddreg [dreg:$0x3]  }
0x5: {  	s0 =	rddreg [dreg:$0x4];
	s5 =	srdreg.scid  }
0x6: {  	s1 =	stileid.u32;
	s4 =	simm.s32 $0x0;
	s17 =	simm.s32 $0x1  }
0x7: {  	s18 =	simm.s32 $0x80;
	s5 =	sand.u32 $0x1, s5;
	s7 =	smul.u32 $0x280, s1  }
0x8: {  	s19 =	simm.s32 $0x5000;
	[smem:$0x7FF] =	sst s4;
	s6 =	smul.u32 $0x5000, s5  }
0x9: {  	s8 =	sshll.u32 s5, $0x4;
	_ =	strace $0x80000047;
	s30 =	ssub.s32 $0x2, s5  }
0xa: {  	s5 =	sadd.s32 $0x2400, s12;
	s16 =	sor.u32 s1, s8;
	s10 =	sshrl.u32 s30, $0x1  }
0xb: {  	s6 =	sadd.s32 s7, s6;
	s9 =	smul.u32 $0x2800, s16;
	s15 =	ssub.s32 s30, s10  }
0xc: {  	s10 =	sadd.s32 $0x9B00, s11;
	p0 =	seq.s32 s16, $0x1F;
	s6 =	sshrl.u32 s6, $0x3  }
0xd: {  	s16 =	simm.s32 $0x5080;
	s15 =	smax.u32 s15, $0x1;
	s14 =	sadd.s32 s6, s12  }
0xe: {  	s31 =	sshrl.u32 s9, $0x3;
	s6 =	sadd.s32 s7, s2;
	s7 =	sadd.s32 s7, s3  }
0xf: {  	s12 =	sadd.s32 $0x27C0, s12;
	s8 =	sadd.s32 s11, s31;
	s11 =	sadd.s32 $0x13740, s11  }
0x10: {  	v0 =	vimm.f32 $0.0e+00;
	v1 =	vimm.f32 $1.000000000e+00;
	s13 =	sadd.s32 $0x2C00, s14;
	s14 =	sadd.s32 $0x3100, s14;
	s9 =	sadd.s32 $0x9C40, s8  }
.LBB2_1:
0x11: {  	[tilespmem:$0x5080] =	vst v0  }
0x12: {  	[tilespmem:$0x5090] =	vst v0  }
0x13: {  	[tilespmem:$0x50A0] =	vst v0  }
0x14: {  	[tilespmem:$0x50B0] =	vst v0  }
0x15: {  	[tilespmem:$0x50C0] =	vst v0  }
0x16: {  	[tilespmem:$0x50D0] =	vst v0  }
0x17: {  	[tilespmem:$0x50E0] =	vst v0  }
0x18: {  	[tilespmem:$0x50F0] =	vst v0  }
0x19: {  	[tilespmem:$0x5100] =	vst v0  }
0x1a: {  	[tilespmem:$0x5110] =	vst v0  }
0x1b: {  	[tilespmem:$0x5120] =	vst v0  }
0x1c: {  	[tilespmem:$0x5130] =	vst v0  }
0x1d: {  	[tilespmem:$0x5140] =	vst v0  }
0x1e: {  	[tilespmem:$0x5150] =	vst v0  }
0x1f: {  	[tilespmem:$0x5160] =	vst v0  }
0x20: {  	[tilespmem:$0x5170] =	vst v0  }
0x21: {  	[tilespmem:$0x5180] =	vst v0  }
0x22: {  	[tilespmem:$0x5190] =	vst v0  }
0x23: {  	[tilespmem:$0x51A0] =	vst v0  }
0x24: {  	[tilespmem:$0x51B0] =	vst v0  }
0x25: {  	[tilespmem:$0x51C0] =	vst v0  }
0x26: {  	[tilespmem:$0x51D0] =	vst v0  }
0x27: {  	[tilespmem:$0x51E0] =	vst v0  }
0x28: {  	[tilespmem:$0x51F0] =	vst v0  }
0x29: {  	[tilespmem:$0x5200] =	vst v0  }
0x2a: {  	[tilespmem:$0x5210] =	vst v0  }
0x2b: {  	[tilespmem:$0x5220] =	vst v0  }
0x2c: {  	[tilespmem:$0x5230] =	vst v0  }
0x2d: {  	[tilespmem:$0x5240] =	vst v0  }
0x2e: {  	[tilespmem:$0x5250] =	vst v0  }
0x2f: {  	[tilespmem:$0x5260] =	vst v0  }
0x30: {  	[tilespmem:$0x5270] =	vst v0  }
0x31: {  	[tilespmem:$0x5280] =	vst v0  }
0x32: {  	[tilespmem:$0x5290] =	vst v0  }
0x33: {  	[tilespmem:$0x52A0] =	vst v0  }
0x34: {  	[tilespmem:$0x52B0] =	vst v0  }
0x35: {  	[tilespmem:$0x52C0] =	vst v0  }
0x36: {  	[tilespmem:$0x52D0] =	vst v0  }
0x37: {  	[tilespmem:$0x52E0] =	vst v0  }
0x38: {  	[tilespmem:$0x52F0] =	vst v0  }
0x39: {  	[tilespmem:$0x5000] =	vst v1  }
0x3a: {  	[tilespmem:$0x5010] =	vst v1  }
0x3b: {  	[tilespmem:$0x5020] =	vst v1  }
0x3c: {  	[tilespmem:$0x5030] =	vst v1  }
0x3d: {  	[tilespmem:$0x5040] =	vst v1  }
0x3e: {  	[tilespmem:$0x5050] =	vst v1  }
0x3f: {  	[tilespmem:$0x5060] =	vst v1  }
0x40: {  	[tilespmem:$0x5070] =	vst v1  }
0x41: {  	[spmem:s6] =	stream.linear.scatter [tilespmem:s16], [sflag:$0x1], $0x280, $0x38;
	[tilespmem:$0x5800] =	vst v63  }
0x42: {  	_ =	swait.ge [sflag:s17], $0x280  }
0x43: {  	[sflag:s17] =	ssyncset.done $0x0  }
0x44: {  	[sflag:s17] =	ssyncadd.s32 $0xFFFFFD80  }
0x45: {  	[spmem:s7] =	stream.linear.scatter [tilespmem:s16], [sflag:$0x1], $0x280, $0x38;
	[tilespmem:$0x5800] =	vst v63  }
0x46: {  	_ =	swait.ge [sflag:s17], $0x280  }
0x47: {  	[sflag:s17] =	ssyncset.done $0x0  }
0x48: {  	s20 =	simm.s32 @p0 $0x0;
	s21 =	simm.s32 @p0 $0x1;
	[sflag:s17] =	ssyncadd.s32 $0xFFFFFD80  }
0x49: {  	[tilespmem:s20], [sflag:$0x1] =	stream.linear.gather @p0 [hbm4b:s10+s20], $0xA00, $0x38;
	[tilespmem:$0x5800] =	vst v63  }
0x4a: {  	_ =	swait.ge @p0 [sflag:s21], $0xA00  }
0x4b: {  	[sflag:s21] =	ssyncset.done @p0 $0x0  }
0x4c: {  	s22 =	simm.s32 @p0 $0xA00;
	[sflag:s21] =	ssyncadd.s32 @p0 $0xFFFFF600  }
0x4d: {  	[tilespmem:s22], [sflag:$0x1] =	stream.linear.gather @p0 [hbm4b:s5+s20], $0x1E00, $0x38;
	[tilespmem:$0x5800] =	vst v63  }
0x4e: {  	_ =	swait.ge @p0 [sflag:s21], $0x1E00  }
0x4f: {  	[sflag:s21] =	ssyncset.done @p0 $0x0  }
0x50: {  	s22 =	simm.s32 @p0 $0x2800;
	[sflag:s21] =	ssyncadd.s32 @p0 $0xFFFFE200  }
0x51: {  	[tilespmem:s22], [sflag:$0x1] =	stream.linear.gather @p0 [hbm4b:s11+s20], $0xA00, $0x38;
	[tilespmem:$0x5800] =	vst v63  }
0x52: {  	_ =	swait.ge @p0 [sflag:s21], $0xA00  }
0x53: {  	[sflag:s21] =	ssyncset.done @p0 $0x0  }
0x54: {  	s22 =	simm.s32 @p0 $0x3200;
	[sflag:s21] =	ssyncadd.s32 @p0 $0xFFFFF600  }
0x55: {  	[tilespmem:s22], [sflag:$0x1] =	stream.linear.gather @p0 [hbm4b:s12+s20], $0x1E00, $0x38;
	[tilespmem:$0x5800] =	vst v63  }
0x56: {  	_ =	swait.ge @p0 [sflag:s21], $0x1E00  }
0x57: {  	[sflag:s21] =	ssyncset.done @p0 $0x0  }
0x58: {  	s20 =	simm.s32 @!p0 $0x0;
	[sflag:s21] =	ssyncadd.s32 @p0 $0xFFFFE200;
	s21 =	simm.s32 @!p0 $0x1  }
0x59: {  	[tilespmem:s20], [sflag:$0x1] =	stream.linear.gather @!p0 [hbm4b:s8+s20], $0x2800, $0x38;
	[tilespmem:$0x5800] =	vst v63  }
0x5a: {  	_ =	swait.ge @!p0 [sflag:s21], $0x2800  }
0x5b: {  	[sflag:s21] =	ssyncset.done @!p0 $0x0  }
0x5c: {  	s22 =	simm.s32 @!p0 $0x2800;
	[sflag:s21] =	ssyncadd.s32 @!p0 $0xFFFFD800  }
0x5d: {  	[tilespmem:s22], [sflag:$0x1] =	stream.linear.gather @!p0 [hbm4b:s9+s20], $0x2800, $0x38;
	[tilespmem:$0x5800] =	vst v63  }
0x5e: {  	_ =	swait.ge @!p0 [sflag:s21], $0x2800  }
0x5f: {  	[sflag:s21] =	ssyncset.done @!p0 $0x0  }
0x60: {  	[sflag:s21] =	ssyncadd.s32 @!p0 $0xFFFFD800  }
0x61: {  	s30 =	simm.s32 $0x0;
	[bflag:$0x0] =	sbarrier.arrive $0xFFFF  }
0x62: {  	[spmem:s2] =	stream.indirect.scatter.add.f32 [tilespmem:s19], [sflag:$0x1], $0x1, s30, s18, $0xb8;
	[tilespmem:$0x5800] =	vst v63  }
0x63: {  	_ =	swait.ge [sflag:s17], $0x80  }
0x64: {  	[sflag:s17] =	ssyncset.done $0x0  }
0x65: {  	s31 =	simm.s32 $0x2800;
	[sflag:s17] =	ssyncadd.s32 $0xFFFFFF80  }
0x66: {  	[spmem:s3] =	stream.indirect.scatter.add.f32 [tilespmem:s19], [sflag:$0x1], $0x1, s31, s18, $0xb8;
	[tilespmem:$0x5800] =	vst v63  }
0x67: {  	_ =	swait.ge [sflag:s17], $0x80  }
0x68: {  	s20 =	simm.s32 $0x200;
	s21 =	simm.s32 $0x400;
	[sflag:s17] =	ssyncset.done $0x0  }
.LBB2_2:
0x69: {  	s22 =	sshra.s32 s20, $0x2  }
0x6a: {  	[sflag:s17] =	ssyncadd.s32 $0xFFFFFF80;
	s20 =	smov.u32 s21;
	s23 =	sadd.s32 $0x200, s21  }
0x6b: {  	[spmem:s2] =	stream.indirect.scatter.add.f32 [tilespmem:s19], [sflag:$0x1], $0x1, s22, s18, $0xb8;
	[tilespmem:$0x5800] =	vst v63  }
0x6c: {  	p1 =	sne.s32 s21, $0x9E00;
	_ =	swait.ge [sflag:s17], $0x80  }
.Ltmp0:
0x6d: {  	[sflag:s17] =	ssyncset.done $0x0;
	(pc) =	sbr.rel @p1 .LBB2_2-.Ltmp0, $4  }
0x6e: {  	s21 =	sadd.s32 $0x2800, s22;
	[sflag:s17] =	ssyncadd.s32 $0xFFFFFF80  }
0x6f: {  	[spmem:s3] =	stream.indirect.scatter.add.f32 [tilespmem:s19], [sflag:$0x1], $0x1, s21, s18, $0xb8;
	[tilespmem:$0x5800] =	vst v63  }
0x70: {  	_ =	swait.ge [sflag:s17], $0x80  }
0x71: {  	s21 =	smov.u32 s23;
	[sflag:s17] =	ssyncset.done $0x0  }
0x72: {  	s20 =	sshra.s32 s20, $0x2;
	[sflag:s17] =	ssyncadd.s32 $0xFFFFFF80  }
0x73: {  	[spmem:s2] =	stream.indirect.scatter.add.f32 [tilespmem:s19], [sflag:$0x1], $0x1, s20, s18, $0xb8;
	[tilespmem:$0x5800] =	vst v63  }
0x74: {  	_ =	swait.ge [sflag:s17], $0x80  }
0x75: {  	[sflag:s17] =	ssyncset.done $0x0  }
0x76: {  	s20 =	sadd.s32 $0x2800, s20;
	[sflag:s17] =	ssyncadd.s32 $0xFFFFFF80  }
0x77: {  	[spmem:s3] =	stream.indirect.scatter.add.f32 [tilespmem:s19], [sflag:$0x1], $0x1, s20, s18, $0xb8;
	[tilespmem:$0x5800] =	vst v63  }
0x78: {  	_ =	swait.ge [sflag:s17], $0x80  }
0x79: {  	[sflag:s17] =	ssyncset.done $0x0  }
0x7a: {  	s30 =	sshll.u32 s1, $0x6;
	[sflag:s17] =	ssyncadd.s32 $0xFFFFFF80  }
0x7b: {  	s21 =	sshrl.u32 s6, $0x3;
	s20 =	sor.u32 $0x1C01, s30;
	[bflag:$0x0] =	sbarrier.arrive $0xFFFF  }
0x7c: {  	[hbm:s13], [sflag:s20] =	dma.local [spmem:s21], $0x50  }
0x7d: {  	s4 =	sadd.s32 $0x1, s4;
	_ =	swait.ge [sflag:s17], $0x50  }
0x7e: {  	p1 =	sne.s32 s4, s15;
	[sflag:s17] =	ssyncset.done $0x0  }
.Ltmp1:
0x7f: {  	s31 =	sshrl.u32 s7, $0x3;
	[sflag:s17] =	ssyncadd.s32 $0xFFFFFFB0;
	(pc) =	sbr.rel @p1 .LBB2_1-.Ltmp1, $4  }
0x80: {  	[hbm:s14], [sflag:s20] =	dma.local [spmem:s31], $0x50  }
0x81: {  	_ =	swait.ge [sflag:s17], $0x50  }
0x82: {  	[sflag:s17] =	ssyncset.done $0x0  }
0x83: {  	[sflag:s17] =	ssyncadd.s32 $0xFFFFFFB0  }
0x84: {  	_ =	sfence.sel $0x180000  }
0x85: {  	[bflag:$0x0] =	sbarrier.arrive $0xFFFF  }
0x86: {  	p0 =	sne.s32 s1, $0x0;
	_ =	strace $0x90000047  }
0x87: {  	s0 =	sadd.s32 @!p0 $0x100000, s0;
	[bflag:$0x2] =	sbarrier.arrive $0xFFFF  }
0x88: {  	[sflag:s0] =	ssyncadd.tile.s32 @!p0 $0x1;
	_ =	shalt  }
.Lfunc_end2:
_tile_overlayer_lowered:
.L_overlay_start_2:
0x89: {  	(tag) =	ssettag $0x2  }
0x8a: {  	s0 =	rddreg [dreg:$0x0];
	s2 =	stileid.u32  }
0x8b: {  	s1 =	rddreg [dreg:$0x1];
	p0 =	sne.s32 s2, $0x0  }
0x8c: {  	s3 =	rddreg [dreg:$0x2];
	[bflag:$0x3] =	sbarrier.arrive $0xFFFF;
	s2 =	simm.s32 @!p0 $0x1C01  }
0x8d: {  	[timem:s3], [sflag:s2] =	dma.local @!p0 [hbm:s0], s1  }
0x8e: {  	s0 =	simm.s32 @!p0 $0x1  }
0x8f: {  	_ =	swait.ge @!p0 [sflag:s0], s1  }
0x90: {  	s1 =	ssub.s32 @!p0 $0x0, s1;
	[sflag:s0] =	ssyncset.done @!p0 $0x0  }
0x91: {  	[sflag:s0] =	ssyncadd.s32 @!p0 s1  }
0x92: {  	[bflag:$0x3] =	sbarrier.arrive $0xFFFF  }
0x93: {  	_ =	shalt  }

</sc_bundles>
